<compile_context>
chip_gen: v7x
topology: tpu7x:2x2x1
jax: 0.10.2.dev20260603
libtpu: 0.0.44.dev20260713+nightly
codegen_flags: <defaults>
</compile_context>

<pallas_src>
import functools

import jax
import jax.numpy as jnp
from jax import lax
from jax.experimental import pallas as pl
from jax.experimental.pallas import tpu as pltpu
from jax.experimental.pallas import tpu_sc as plsc

N = 10000
E = 320000
D = 128

NC = 2
NS = 16
NW = NC * NS
EPW = E // NW
C = 80
NCHUNK = EPW // C
NB = 3
GL = 2
CC = 80
NCHUNKC = EPW // CC
SPT = 624
TAIL = N - NS * SPT
ZROWS = 8

_MESH = plsc.VectorSubcoreMesh(
    core_axis_name="c", subcore_axis_name="s", num_cores=NC, num_subcores=NS
)


def _worker_id():
    return lax.axis_index("c") * NS + lax.axis_index("s")


@functools.partial(
    pl.kernel,
    out_type=jax.ShapeDtypeStruct((NC, N, D), jnp.float32),
    mesh=_MESH,
    scratch_types=[
        pltpu.VMEM((EPW,), jnp.int32),
        pltpu.VMEM((EPW,), jnp.int32),
        [pltpu.VMEM((C, D), jnp.float32)] * NB,
        pltpu.VMEM_SHARED((N, D), jnp.float32),
        [pltpu.SemaphoreType.DMA] * NB,
        [pltpu.SemaphoreType.DMA] * NB,
    ],
)
def _sc_agg(y_hbm, src_hbm, dst_hbm, out_hbm, sia, dia, rbs, acc, sgs, sss):
    cid = lax.axis_index("c")
    sid = lax.axis_index("s")
    w = _worker_id()
    zb = rbs[0].at[pl.ds(0, ZROWS)]

    def zfill(i, _):
        def zcol(j, _):
            rbs[0][i, pl.ds(j * 16, 16)] = jnp.zeros((16,), jnp.float32)
            return 0
        return lax.fori_loop(0, D // 16, zcol, 0)

    lax.fori_loop(0, ZROWS, zfill, 0)

    def zstripe(k, _):
        pltpu.sync_copy(zb, acc.at[pl.ds(sid * SPT + k * ZROWS, ZROWS)])
        return 0

    lax.fori_loop(0, SPT // ZROWS, zstripe, 0)

    @pl.when(sid == 0)
    def _():
        def ztail(k, _):
            pltpu.sync_copy(zb, acc.at[pl.ds(NS * SPT + k * ZROWS, ZROWS)])
            return 0
        lax.fori_loop(0, TAIL // ZROWS, ztail, 0)

    pltpu.sync_copy(src_hbm.at[pl.ds(w * EPW, EPW)], sia)
    pltpu.sync_copy(dst_hbm.at[pl.ds(w * EPW, EPW)], dia)
    plsc.subcore_barrier()

    def gat(c, b):
        return pltpu.make_async_copy(
            y_hbm.at[sia.at[pl.ds(c * C, C)]], rbs[b], sgs[b]
        )

    def sca(c, b):
        return pltpu.make_async_copy(
            rbs[b], acc.at[dia.at[pl.ds(c * C, C)]], sss[b]
        )

    for c in range(GL):
        gat(c, c).start()

    STEPS = NCHUNK - GL
    MAIN = STEPS // NB
    REM = STEPS - MAIN * NB

    def group(g, _):
        for j in range(NB):
            c = NB * g + GL + j
            b = (GL + j) % NB

            @pl.when(c >= NB)
            def _():
                sca(c - NB, b).wait()

            gat(c, b).start()
            gat(c - GL, j).wait()
            sca(c - GL, j).start(add=True)
        return 0

    lax.fori_loop(0, MAIN, group, 0)

    for k in range(REM):
        c = MAIN * NB + GL + k
        sca(c - NB, c % NB).wait()
        gat(c, c % NB).start()
        gat(c - GL, (c - GL) % NB).wait()
        sca(c - GL, (c - GL) % NB).start(add=True)
    for c in range(NCHUNK - GL, NCHUNK):
        gat(c, c % NB).wait()
        sca(c, c % NB).start(add=True)
    for c in range(NCHUNK - NB, NCHUNK):
        sca(c, c % NB).wait()
    plsc.subcore_barrier()

    pltpu.sync_copy(
        acc.at[pl.ds(sid * SPT, SPT)], out_hbm.at[cid, pl.ds(sid * SPT, SPT)]
    )

    @pl.when(sid == 0)
    def _():
        pltpu.sync_copy(
            acc.at[pl.ds(NS * SPT, TAIL)], out_hbm.at[cid, pl.ds(NS * SPT, TAIL)]
        )


@functools.partial(
    pl.kernel,
    out_type=jax.ShapeDtypeStruct((NC, N, D), jnp.float32),
    mesh=_MESH,
    scratch_types=[
        pltpu.VMEM((EPW,), jnp.int32),
        pltpu.VMEM((CC, D), jnp.float32),
        pltpu.VMEM((ZROWS, D), jnp.float32),
        pltpu.VMEM_SHARED((N, D), jnp.float32),
        pltpu.SemaphoreType.DMA,
    ],
)
def _sc_cnt(dst_hbm, out_hbm, dia, ob, zb, acc, sem):
    cid = lax.axis_index("c")
    sid = lax.axis_index("s")
    w = _worker_id()

    def fill(i, _):
        def fcol(j, _):
            ob[i, pl.ds(j * 16, 16)] = jnp.ones((16,), jnp.float32)
            return 0
        return lax.fori_loop(0, D // 16, fcol, 0)

    lax.fori_loop(0, CC, fill, 0)

    def zfill(i, _):
        def zcol(j, _):
            zb[i, pl.ds(j * 16, 16)] = jnp.zeros((16,), jnp.float32)
            return 0
        return lax.fori_loop(0, D // 16, zcol, 0)

    lax.fori_loop(0, ZROWS, zfill, 0)

    def zstripe(k, _):
        pltpu.sync_copy(zb, acc.at[pl.ds(sid * SPT + k * ZROWS, ZROWS)])
        return 0

    lax.fori_loop(0, SPT // ZROWS, zstripe, 0)

    @pl.when(sid == 0)
    def _():
        def ztail(k, _):
            pltpu.sync_copy(zb, acc.at[pl.ds(NS * SPT + k * ZROWS, ZROWS)])
            return 0
        lax.fori_loop(0, TAIL // ZROWS, ztail, 0)

    pltpu.sync_copy(dst_hbm.at[pl.ds(w * EPW, EPW)], dia)
    plsc.subcore_barrier()

    def sca(c):
        return pltpu.make_async_copy(ob, acc.at[dia.at[pl.ds(c * CC, CC)]], sem)

    def group(gq, _):
        for j in range(5):
            sca(gq * 5 + j).start(add=True)
        for j in range(5):
            sca(gq * 5 + j).wait()
        return 0

    lax.fori_loop(0, NCHUNKC // 5, group, 0)
    plsc.subcore_barrier()

    pltpu.sync_copy(
        acc.at[pl.ds(sid * SPT, SPT)], out_hbm.at[cid, pl.ds(sid * SPT, SPT)]
    )

    @pl.when(sid == 0)
    def _():
        pltpu.sync_copy(
            acc.at[pl.ds(NS * SPT, TAIL)], out_hbm.at[cid, pl.ds(NS * SPT, TAIL)]
        )


_RB = 1000
_NB = N // _RB


def _tc_pre_body(h_ref, wl_ref, wr_ref, b_ref, y_ref, z_ref):
    h = h_ref[...]
    dn = (((1,), (1,)), ((), ()))
    y_ref[...] = lax.dot_general(h, wl_ref[...], dn, preferred_element_type=jnp.float32)
    z_ref[...] = (
        lax.dot_general(h, wr_ref[...], dn, preferred_element_type=jnp.float32)
        + b_ref[...]
    )


_tc_pre = pl.pallas_call(
    _tc_pre_body,
    grid=(_NB,),
    in_specs=[
        pl.BlockSpec((_RB, D), lambda i: (i, 0)),
        pl.BlockSpec((D, D), lambda i: (0, 0)),
        pl.BlockSpec((D, D), lambda i: (0, 0)),
        pl.BlockSpec((1, D), lambda i: (0, 0)),
    ],
    out_specs=[
        pl.BlockSpec((_RB, D), lambda i: (i, 0)),
        pl.BlockSpec((_RB, D), lambda i: (i, 0)),
    ],
    out_shape=[
        jax.ShapeDtypeStruct((N, D), jnp.float32),
        jax.ShapeDtypeStruct((N, D), jnp.float32),
    ],
)


def _tc_combo_body(p_ref, c_ref, z_ref, wl_ref, wr_ref, b_ref, y_ref, z2_ref):
    p = p_ref[0] + p_ref[1]
    cnt = (c_ref[0] + c_ref[1])[:, 0:1]
    inv = 1.0 / jnp.maximum(cnt, 1.0)
    h = jnp.maximum(p * inv + z_ref[...], 0.0)
    dn = (((1,), (1,)), ((), ()))
    y_ref[...] = lax.dot_general(h, wl_ref[...], dn, preferred_element_type=jnp.float32)
    z2_ref[...] = (
        lax.dot_general(h, wr_ref[...], dn, preferred_element_type=jnp.float32)
        + b_ref[...]
    )


_tc_combo = pl.pallas_call(
    _tc_combo_body,
    grid=(_NB,),
    in_specs=[
        pl.BlockSpec((NC, _RB, D), lambda i: (0, i, 0)),
        pl.BlockSpec((NC, _RB, D), lambda i: (0, i, 0)),
        pl.BlockSpec((_RB, D), lambda i: (i, 0)),
        pl.BlockSpec((D, D), lambda i: (0, 0)),
        pl.BlockSpec((D, D), lambda i: (0, 0)),
        pl.BlockSpec((1, D), lambda i: (0, 0)),
    ],
    out_specs=[
        pl.BlockSpec((_RB, D), lambda i: (i, 0)),
        pl.BlockSpec((_RB, D), lambda i: (i, 0)),
    ],
    out_shape=[
        jax.ShapeDtypeStruct((N, D), jnp.float32),
        jax.ShapeDtypeStruct((N, D), jnp.float32),
    ],
)


def _tc_post_body(relu, p_ref, c_ref, z_ref, o_ref):
    p = p_ref[0] + p_ref[1]
    cnt = (c_ref[0] + c_ref[1])[:, 0:1]
    inv = 1.0 / jnp.maximum(cnt, 1.0)
    out = p * inv + z_ref[...]
    if relu:
        out = jnp.maximum(out, 0.0)
    o_ref[...] = out


def _make_tc_post(relu):
    return pl.pallas_call(
        functools.partial(_tc_post_body, relu),
        grid=(_NB,),
        in_specs=[
            pl.BlockSpec((NC, _RB, D), lambda i: (0, i, 0)),
            pl.BlockSpec((NC, _RB, D), lambda i: (0, i, 0)),
            pl.BlockSpec((_RB, D), lambda i: (i, 0)),
        ],
        out_specs=pl.BlockSpec((_RB, D), lambda i: (i, 0)),
        out_shape=jax.ShapeDtypeStruct((N, D), jnp.float32),
    )


_tc_post_relu = _make_tc_post(True)
_tc_post_last = _make_tc_post(False)


def kernel(x, edge_index, Wl0, Wr0, b0, Wl1, Wr1, b1, Wl2, Wr2, b2):
    src = edge_index[0].astype(jnp.int32)
    dst = edge_index[1].astype(jnp.int32)
    cnt_parts = _sc_cnt(dst)
    y, z = _tc_pre(x, Wl0, Wr0, b0.reshape(1, D))
    for Wl, Wr, b in [(Wl1, Wr1, b1), (Wl2, Wr2, b2)]:
        parts = _sc_agg(y, src, dst)
        y, z = _tc_combo(parts, cnt_parts, z, Wl, Wr, b.reshape(1, D))
    parts = _sc_agg(y, src, dst)
    return _tc_post_last(parts, cnt_parts, z)

# --- scband reference (transcript-rebuilt; emitter-appended) ---
"""Pipeline reference for scband-graph-sage-33990371181412 (READ-ONLY COPY).

The authoritative reference and input builder live on the scoring server;
editing this copy changes nothing except your own understanding.
"""

import jax, jax.numpy as jnp
import numpy as np

N_NODES = 10000
N_EDGES = 320000
D = 128


def _init_linear(key, out_dim, in_dim):
    # Kaiming-uniform-ish init, scale irrelevant for correctness
    bound = 1.0 / np.sqrt(in_dim)
    return jax.random.uniform(key, (out_dim, in_dim), minval=-bound, maxval=bound, dtype=jnp.float32)


def setup_inputs(seed: int = 0) -> dict:
    key = jax.random.key(seed)
    ks = jax.random.split(key, 12)
    x = jax.random.normal(ks[0], (N_NODES, D), dtype=jnp.float32)
    edge_index = jax.random.randint(ks[1], (2, N_EDGES), 0, N_NODES, dtype=jnp.int64)
    inp = {"x": x, "edge_index": edge_index}
    # 3 SAGEConv layers: lin_l (neighbor aggr, with bias), lin_r (root, no bias)
    for i in range(3):
        inp[f"Wl{i}"] = _init_linear(ks[2 + 3 * i], D, D)
        inp[f"Wr{i}"] = _init_linear(ks[3 + 3 * i], D, D)
        inp[f"b{i}"] = jnp.zeros((D,), dtype=jnp.float32)
    return inp


def _sage_conv(x, edge_index, Wl, Wr, b):
    # PyG SAGEConv with mean aggregation:
    # out = lin_l(mean_{j in N(i)} x_j) + lin_r(x_i)
    src = edge_index[0]
    dst = edge_index[1]
    n = x.shape[0]
    msg = jnp.take(x, src, axis=0)                      # gather
    agg = jax.ops.segment_sum(msg, dst, num_segments=n)  # scatter-add
    cnt = jax.ops.segment_sum(jnp.ones((src.shape[0],), x.dtype), dst, num_segments=n)
    agg = agg / jnp.maximum(cnt, 1.0)[:, None]
    return agg @ Wl.T + b + x @ Wr.T


def reference(x, edge_index, Wl0, Wr0, b0, Wl1, Wr1, b1, Wl2, Wr2, b2):
    params = [(Wl0, Wr0, b0), (Wl1, Wr1, b1), (Wl2, Wr2, b2)]
    h = x
    for i, (Wl, Wr, b) in enumerate(params):
        h = _sage_conv(h, edge_index, Wl, Wr, b)
        if i != len(params) - 1:
            h = jax.nn.relu(h)
    return h

if __name__ == "__main__":
    import jax
    _d = setup_inputs()
    print(jax.jit(kernel)(*tuple(_d.values())))

</pallas_src>

<mosaic_0001>
#map = affine_map<(d0, d1) -> (0, 0)>
#map1 = affine_map<(d0, d1) -> (0)>
#map2 = affine_map<(d0, d1) -> (0, 0, 0)>
module attributes {stable_mosaic.version = 14 : i64} {
  func.func @_sc_agg(%arg0: i32, %arg1: i32, %arg2: memref<10000x128xf32, #tpu.memory_space<hbm>>, %arg3: memref<320000xi32, #tpu.memory_space<hbm>>, %arg4: memref<320000xi32, #tpu.memory_space<hbm>>, %arg5: memref<2x10000x128xf32, #tpu.memory_space<hbm>>, %arg6: memref<10000xi32, #tpu.memory_space<vmem>>, %arg7: memref<10000xi32, #tpu.memory_space<vmem>>, %arg8: memref<80x128xf32, #tpu.memory_space<vmem>>, %arg9: memref<80x128xf32, #tpu.memory_space<vmem>>, %arg10: memref<80x128xf32, #tpu.memory_space<vmem>>, %arg11: memref<10000x128xf32, #tpu.memory_space<vmem_shared>>, %arg12: memref<!tpu.dma_semaphore, #tpu.memory_space<semaphore_mem>>, %arg13: memref<!tpu.dma_semaphore, #tpu.memory_space<semaphore_mem>>, %arg14: memref<!tpu.dma_semaphore, #tpu.memory_space<semaphore_mem>>, %arg15: memref<!tpu.dma_semaphore, #tpu.memory_space<semaphore_mem>>, %arg16: memref<!tpu.dma_semaphore, #tpu.memory_space<semaphore_mem>>, %arg17: memref<!tpu.dma_semaphore, #tpu.memory_space<semaphore_mem>>) attributes {dimension_semantics = [#tpu.dimension_semantics<core_parallel>, #tpu.dimension_semantics<subcore_parallel>], iteration_bounds = array<i64: 2, 16>, scalar_prefetch = 0 : i64, scratch_operands = 12 : i64, tpu.core_type = #tpu.core_type<sc_vector_subcore>, window_params = [{transform_indices = #map}, {transform_indices = #map1}, {transform_indices = #map1}, {transform_indices = #map2}]} {
    %mul3A = arith.constant 16 : i32
    %mul3A_0 = arith.muli %arg0, %mul3A : i32
    %add3A = arith.addi %mul3A_0, %arg1 : i32
    %scan3A = arith.constant 0 : i32
    %scan3A_1 = arith.constant 0 : i32
    %scan3A_2 = arith.constant 8 : i32
    %scan3A_3 = arith.addi %scan3A_1, %scan3A_2 : i32
    %scan3A_4 = arith.constant 1 : i32
    %scan3A_5 = scf.for %scan3A_80 = %scan3A_1 to %scan3A_3 step %scan3A_4 iter_args(%scan3A_81 = %scan3A) -> (i32)  : i32 {
      %scan3A_82 = arith.constant 0 : i32
      %scan3A_83 = arith.constant 0 : i32
      %scan3A_84 = arith.constant 8 : i32
      %scan3A_85 = arith.addi %scan3A_83, %scan3A_84 : i32
      %scan3A_86 = arith.constant 1 : i32
      %scan3A_87 = scf.for %scan3A_89 = %scan3A_83 to %scan3A_85 step %scan3A_86 iter_args(%scan3A_90 = %scan3A_82) -> (i32)  : i32 {
        %broadcast_in_dim3A = arith.constant 0.000000e+00 : f32
        %broadcast_in_dim3A_91 = vector.broadcast %broadcast_in_dim3A : f32 to vector<16xf32>
        %mul3A_92 = arith.constant 16 : i32
        %mul3A_93 = arith.muli %scan3A_89, %mul3A_92 : i32
        %swap3A = arith.index_cast %scan3A_80 : i32 to index
        %swap3A_94 = arith.index_cast %mul3A_93 : i32 to index
        %swap3A_95 = tpu.vector_load %arg8[%swap3A, %swap3A_94] {strides = array<i32>} : memref<80x128xf32, #tpu.memory_space<vmem>>, vector<1x16xf32>,
        %swap3A_96 = vector.shape_cast %swap3A_95 : vector<1x16xf32> to vector<16xf32>
        %swap3A_97 = vector.shape_cast %broadcast_in_dim3A_91 : vector<16xf32> to vector<1x16xf32>
        tpu.vector_store %arg8[%swap3A, %swap3A_94], %swap3A_97 {strides = array<i32>} : memref<80x128xf32, #tpu.memory_space<vmem>>, vector<1x16xf32>,
        %scan3A_98 = arith.constant 0 : i32
        scf.yield %scan3A_98 : i32
      }
      %scan3A_88 = arith.constant 8 : i32
      scf.yield %scan3A_87 : i32
    }
    %scan3A_6 = arith.constant 8 : i32
    %scan3A_7 = arith.constant 0 : i32
    %scan3A_8 = arith.constant 0 : i32
    %scan3A_9 = arith.constant 78 : i32
    %scan3A_10 = arith.addi %scan3A_8, %scan3A_9 : i32
    %scan3A_11 = arith.constant 1 : i32
    %scan3A_12 = scf.for %scan3A_80 = %scan3A_8 to %scan3A_10 step %scan3A_11 iter_args(%scan3A_81 = %scan3A_7) -> (i32)  : i32 {
      %mul3A_82 = arith.constant 624 : i32
      %mul3A_83 = arith.muli %arg1, %mul3A_82 : i32
      %mul3A_84 = arith.constant 8 : i32
      %mul3A_85 = arith.muli %scan3A_80, %mul3A_84 : i32
      %add3A_86 = arith.addi %mul3A_83, %mul3A_85 : i32
      "tpu.region"() ({
        %run_scoped3A = tpu.sem_alloc : memref<!tpu.dma_semaphore, #tpu.memory_space<semaphore_mem>>
        %dma_start3A_88 = arith.constant 0 : i32
        %dma_start3A_89 = arith.constant 0 : i32
        %dma_start3A_90 = tpu.memref_slice %arg8[%dma_start3A_88, %dma_start3A_89] : memref<80x128xf32, #tpu.memory_space<vmem>> -> memref<8x128xf32, #tpu.memory_space<vmem>>
        %dma_start3A_91 = arith.constant 0 : i32
        %dma_start3A_92 = tpu.memref_slice %arg11[%add3A_86, %dma_start3A_91] : memref<10000x128xf32, #tpu.memory_space<vmem_shared>> -> memref<8x128xf32, #tpu.memory_space<vmem_shared>>
        %dma_start3A_93 = arith.constant 0 : i32
        %dma_start3A_94 = tpu.memref_slice %arg11[%add3A_86, %dma_start3A_93] : memref<10000x128xf32, #tpu.memory_space<vmem_shared>> -> memref<8x128xf32, #tpu.memory_space<vmem_shared>>
        %dma_start3A_95 = arith.constant 0 : i32
        %dma_start3A_96 = arith.constant 0 : i32
        %dma_start3A_97 = tpu.memref_slice %arg8[%dma_start3A_95, %dma_start3A_96] : memref<80x128xf32, #tpu.memory_space<vmem>> -> memref<8x128xf32, #tpu.memory_space<vmem>>
        tpu.enqueue_dma source(%dma_start3A_97 : memref<8x128xf32, #tpu.memory_space<vmem>>) target(%dma_start3A_94 : memref<8x128xf32, #tpu.memory_space<vmem_shared>>) target_semaphore(%run_scoped3A : memref<!tpu.dma_semaphore, #tpu.memory_space<semaphore_mem>>)
        %dma_wait3A_98 = arith.constant 0 : i32
        %dma_wait3A_99 = arith.constant 0 : i32
        %dma_wait3A_100 = tpu.memref_slice %arg8[%dma_wait3A_98, %dma_wait3A_99] : memref<80x128xf32, #tpu.memory_space<vmem>> -> memref<8x128xf32, #tpu.memory_space<vmem>>
        %dma_wait3A_101 = arith.constant 0 : i32
        %dma_wait3A_102 = tpu.memref_slice %arg11[%add3A_86, %dma_wait3A_101] : memref<10000x128xf32, #tpu.memory_space<vmem_shared>> -> memref<8x128xf32, #tpu.memory_space<vmem_shared>>
        %dma_wait3A_103 = arith.constant 0 : i32
        %dma_wait3A_104 = tpu.memref_slice %arg11[%add3A_86, %dma_wait3A_103] : memref<10000x128xf32, #tpu.memory_space<vmem_shared>> -> memref<8x128xf32, #tpu.memory_space<vmem_shared>>
        %dma_wait3A_105 = arith.constant 0 : i32
        %dma_wait3A_106 = arith.constant 0 : i32
        %dma_wait3A_107 = tpu.memref_slice %arg8[%dma_wait3A_105, %dma_wait3A_106] : memref<80x128xf32, #tpu.memory_space<vmem>> -> memref<8x128xf32, #tpu.memory_space<vmem>>
        tpu.wait_dma2 semaphore(%run_scoped3A : memref<!tpu.dma_semaphore, #tpu.memory_space<semaphore_mem>>) src(%dma_wait3A_107 : memref<8x128xf32, #tpu.memory_space<vmem>>) dst(%dma_wait3A_104 : memref<8x128xf32, #tpu.memory_space<vmem_shared>>)
        tpu.yield
      }) : () -> ()
      %scan3A_87 = arith.constant 0 : i32
      scf.yield %scan3A_87 : i32
    }
    %scan3A_13 = arith.constant 78 : i32
    %eq3A = arith.constant 0 : i32
    %eq3A_14 = arith.cmpi eq, %arg1, %eq3A : i32
    %convert_element_type3A = arith.extui %eq3A_14 : i1 to i32
    %cond3A = arith.constant 0 : i32
    %cond3A_15 = arith.cmpi ne, %convert_element_type3A, %cond3A : i32
    scf.if %cond3A_15 {
      %scan3A_80 = arith.constant 0 : i32
      %scan3A_81 = arith.constant 0 : i32
      %scan3A_82 = arith.constant 2 : i32
      %scan3A_83 = arith.addi %scan3A_81, %scan3A_82 : i32
      %scan3A_84 = arith.constant 1 : i32
      %scan3A_85 = scf.for %scan3A_87 = %scan3A_81 to %scan3A_83 step %scan3A_84 iter_args(%scan3A_88 = %scan3A_80) -> (i32)  : i32 {
        %mul3A_89 = arith.constant 8 : i32
        %mul3A_90 = arith.muli %scan3A_87, %mul3A_89 : i32
        %add3A_91 = arith.constant 9984 : i32
        %add3A_92 = arith.addi %add3A_91, %mul3A_90 : i32
        "tpu.region"() ({
          %run_scoped3A = tpu.sem_alloc : memref<!tpu.dma_semaphore, #tpu.memory_space<semaphore_mem>>
          %dma_start3A_94 = arith.constant 0 : i32
          %dma_start3A_95 = arith.constant 0 : i32
          %dma_start3A_96 = tpu.memref_slice %arg8[%dma_start3A_94, %dma_start3A_95] : memref<80x128xf32, #tpu.memory_space<vmem>> -> memref<8x128xf32, #tpu.memory_space<vmem>>
          %dma_start3A_97 = arith.constant 0 : i32
          %dma_start3A_98 = tpu.memref_slice %arg11[%add3A_92, %dma_start3A_97] : memref<10000x128xf32, #tpu.memory_space<vmem_shared>> -> memref<8x128xf32, #tpu.memory_space<vmem_shared>>
          %dma_start3A_99 = arith.constant 0 : i32
          %dma_start3A_100 = tpu.memref_slice %arg11[%add3A_92, %dma_start3A_99] : memref<10000x128xf32, #tpu.memory_space<vmem_shared>> -> memref<8x128xf32, #tpu.memory_space<vmem_shared>>
          %dma_start3A_101 = arith.constant 0 : i32
          %dma_start3A_102 = arith.constant 0 : i32
          %dma_start3A_103 = tpu.memref_slice %arg8[%dma_start3A_101, %dma_start3A_102] : memref<80x128xf32, #tpu.memory_space<vmem>> -> memref<8x128xf32, #tpu.memory_space<vmem>>
          tpu.enqueue_dma source(%dma_start3A_103 : memref<8x128xf32, #tpu.memory_space<vmem>>) target(%dma_start3A_100 : memref<8x128xf32, #tpu.memory_space<vmem_shared>>) target_semaphore(%run_scoped3A : memref<!tpu.dma_semaphore, #tpu.memory_space<semaphore_mem>>)
          %dma_wait3A_104 = arith.constant 0 : i32
          %dma_wait3A_105 = arith.constant 0 : i32
          %dma_wait3A_106 = tpu.memref_slice %arg8[%dma_wait3A_104, %dma_wait3A_105] : memref<80x128xf32, #tpu.memory_space<vmem>> -> memref<8x128xf32, #tpu.memory_space<vmem>>
          %dma_wait3A_107 = arith.constant 0 : i32
          %dma_wait3A_108 = tpu.memref_slice %arg11[%add3A_92, %dma_wait3A_107] : memref<10000x128xf32, #tpu.memory_space<vmem_shared>> -> memref<8x128xf32, #tpu.memory_space<vmem_shared>>
          %dma_wait3A_109 = arith.constant 0 : i32
          %dma_wait3A_110 = tpu.memref_slice %arg11[%add3A_92, %dma_wait3A_109] : memref<10000x128xf32, #tpu.memory_space<vmem_shared>> -> memref<8x128xf32, #tpu.memory_space<vmem_shared>>
          %dma_wait3A_111 = arith.constant 0 : i32
          %dma_wait3A_112 = arith.constant 0 : i32
          %dma_wait3A_113 = tpu.memref_slice %arg8[%dma_wait3A_111, %dma_wait3A_112] : memref<80x128xf32, #tpu.memory_space<vmem>> -> memref<8x128xf32, #tpu.memory_space<vmem>>
          tpu.wait_dma2 semaphore(%run_scoped3A : memref<!tpu.dma_semaphore, #tpu.memory_space<semaphore_mem>>) src(%dma_wait3A_113 : memref<8x128xf32, #tpu.memory_space<vmem>>) dst(%dma_wait3A_110 : memref<8x128xf32, #tpu.memory_space<vmem_shared>>)
          tpu.yield
        }) : () -> ()
        %scan3A_93 = arith.constant 0 : i32
        scf.yield %scan3A_93 : i32
      }
      %scan3A_86 = arith.constant 2 : i32
    } else {
    }
    %mul3A_16 = arith.constant 10000 : i32
    %mul3A_17 = arith.muli %add3A, %mul3A_16 : i32
    "tpu.region"() ({
      %run_scoped3A = tpu.sem_alloc : memref<!tpu.dma_semaphore, #tpu.memory_space<semaphore_mem>>
      %dma_start3A_80 = tpu.memref_slice %arg3[%mul3A_17] : memref<320000xi32, #tpu.memory_space<hbm>> -> memref<10000xi32, #tpu.memory_space<hbm>>
      %dma_start3A_81 = tpu.memref_slice %arg3[%mul3A_17] : memref<320000xi32, #tpu.memory_space<hbm>> -> memref<10000xi32, #tpu.memory_space<hbm>>
      tpu.enqueue_dma source(%dma_start3A_81 : memref<10000xi32, #tpu.memory_space<hbm>>) target(%arg6 : memref<10000xi32, #tpu.memory_space<vmem>>) target_semaphore(%run_scoped3A : memref<!tpu.dma_semaphore, #tpu.memory_space<semaphore_mem>>)
      %dma_wait3A_82 = tpu.memref_slice %arg3[%mul3A_17] : memref<320000xi32, #tpu.memory_space<hbm>> -> memref<10000xi32, #tpu.memory_space<hbm>>
      %dma_wait3A_83 = tpu.memref_slice %arg3[%mul3A_17] : memref<320000xi32, #tpu.memory_space<hbm>> -> memref<10000xi32, #tpu.memory_space<hbm>>
      tpu.wait_dma2 semaphore(%run_scoped3A : memref<!tpu.dma_semaphore, #tpu.memory_space<semaphore_mem>>) src(%dma_wait3A_83 : memref<10000xi32, #tpu.memory_space<hbm>>) dst(%arg6 : memref<10000xi32, #tpu.memory_space<vmem>>)
      tpu.yield
    }) : () -> ()
    %mul3A_18 = arith.constant 10000 : i32
    %mul3A_19 = arith.muli %add3A, %mul3A_18 : i32
    "tpu.region"() ({
      %run_scoped3A = tpu.sem_alloc : memref<!tpu.dma_semaphore, #tpu.memory_space<semaphore_mem>>
      %dma_start3A_80 = tpu.memref_slice %arg4[%mul3A_19] : memref<320000xi32, #tpu.memory_space<hbm>> -> memref<10000xi32, #tpu.memory_space<hbm>>
      %dma_start3A_81 = tpu.memref_slice %arg4[%mul3A_19] : memref<320000xi32, #tpu.memory_space<hbm>> -> memref<10000xi32, #tpu.memory_space<hbm>>
      tpu.enqueue_dma source(%dma_start3A_81 : memref<10000xi32, #tpu.memory_space<hbm>>) target(%arg7 : memref<10000xi32, #tpu.memory_space<vmem>>) target_semaphore(%run_scoped3A : memref<!tpu.dma_semaphore, #tpu.memory_space<semaphore_mem>>)
      %dma_wait3A_82 = tpu.memref_slice %arg4[%mul3A_19] : memref<320000xi32, #tpu.memory_space<hbm>> -> memref<10000xi32, #tpu.memory_space<hbm>>
      %dma_wait3A_83 = tpu.memref_slice %arg4[%mul3A_19] : memref<320000xi32, #tpu.memory_space<hbm>> -> memref<10000xi32, #tpu.memory_space<hbm>>
      tpu.wait_dma2 semaphore(%run_scoped3A : memref<!tpu.dma_semaphore, #tpu.memory_space<semaphore_mem>>) src(%dma_wait3A_83 : memref<10000xi32, #tpu.memory_space<hbm>>) dst(%arg7 : memref<10000xi32, #tpu.memory_space<vmem>>)
      tpu.yield
    }) : () -> ()
    %barrier3A = arith.constant 0 : index
    tpu.barrier barrier_id(%barrier3A)
    %dma_start3A = arith.constant 0 : i32
    %dma_start3A_20 = tpu.memref_slice %arg6[%dma_start3A] : memref<10000xi32, #tpu.memory_space<vmem>> -> memref<80xi32, #tpu.memory_space<vmem>>
    %dma_start3A_21 = arith.constant 0 : i32
    %dma_start3A_22 = arith.constant 0 : i32
    %dma_start3A_23 = tpu.memref_slice %arg2[%dma_start3A_21, %dma_start3A_22] : memref<10000x128xf32, #tpu.memory_space<hbm>> -> memref<10000x128xf32, #tpu.memory_space<hbm>>
    tpu.enqueue_indirect_dma source(%dma_start3A_23 : memref<10000x128xf32, #tpu.memory_space<hbm>>) target(%arg8 : memref<80x128xf32, #tpu.memory_space<vmem>>) offsets(%dma_start3A_20 : memref<80xi32, #tpu.memory_space<vmem>>) semaphore(%arg12 : memref<!tpu.dma_semaphore, #tpu.memory_space<semaphore_mem>>)
    %dma_start3A_24 = arith.constant 80 : i32
    %dma_start3A_25 = tpu.memref_slice %arg6[%dma_start3A_24] : memref<10000xi32, #tpu.memory_space<vmem>> -> memref<80xi32, #tpu.memory_space<vmem>>
    %dma_start3A_26 = arith.constant 0 : i32
    %dma_start3A_27 = arith.constant 0 : i32
    %dma_start3A_28 = tpu.memref_slice %arg2[%dma_start3A_26, %dma_start3A_27] : memref<10000x128xf32, #tpu.memory_space<hbm>> -> memref<10000x128xf32, #tpu.memory_space<hbm>>
    tpu.enqueue_indirect_dma source(%dma_start3A_28 : memref<10000x128xf32, #tpu.memory_space<hbm>>) target(%arg9 : memref<80x128xf32, #tpu.memory_space<vmem>>) offsets(%dma_start3A_25 : memref<80xi32, #tpu.memory_space<vmem>>) semaphore(%arg13 : memref<!tpu.dma_semaphore, #tpu.memory_space<semaphore_mem>>)
    %scan3A_29 = arith.constant 0 : i32
    %scan3A_30 = arith.constant 0 : i32
    %scan3A_31 = arith.constant 41 : i32
    %scan3A_32 = arith.addi %scan3A_30, %scan3A_31 : i32
    %scan3A_33 = arith.constant 1 : i32
    %scan3A_34 = scf.for %scan3A_80 = %scan3A_30 to %scan3A_32 step %scan3A_33 iter_args(%scan3A_81 = %scan3A_29) -> (i32)  : i32 {
      %mul3A_82 = arith.constant 3 : i32
      %mul3A_83 = arith.muli %mul3A_82, %scan3A_80 : i32
      %add3A_84 = arith.constant 2 : i32
      %add3A_85 = arith.addi %mul3A_83, %add3A_84 : i32
      %add3A_86 = arith.constant 0 : i32
      %add3A_87 = arith.addi %add3A_85, %add3A_86 : i32
      %ge3A = arith.constant 3 : i32
      %ge3A_88 = arith.cmpi sge, %add3A_87, %ge3A : i32
      %convert_element_type3A_89 = arith.extui %ge3A_88 : i1 to i32
      %cond3A_90 = arith.constant 0 : i32
      %cond3A_91 = arith.cmpi ne, %convert_element_type3A_89, %cond3A_90 : i32
      scf.if %cond3A_91 {
        %sub3A_180 = arith.constant 3 : i32
        %sub3A_181 = arith.subi %add3A_87, %sub3A_180 : i32
        %mul3A_182 = arith.constant 80 : i32
        %mul3A_183 = arith.muli %sub3A_181, %mul3A_182 : i32
        %dma_wait3A_184 = tpu.memref_slice %arg7[%mul3A_183] : memref<10000xi32, #tpu.memory_space<vmem>> -> memref<80xi32, #tpu.memory_space<vmem>>
        %dma_wait3A_185 = arith.constant 0 : i32
        %dma_wait3A_186 = arith.constant 0 : i32
        %dma_wait3A_187 = tpu.memref_slice %arg11[%dma_wait3A_185, %dma_wait3A_186] : memref<10000x128xf32, #tpu.memory_space<vmem_shared>> -> memref<10000x128xf32, #tpu.memory_space<vmem_shared>>
        tpu.wait_indirect_dma semaphore(%arg17 : memref<!tpu.dma_semaphore, #tpu.memory_space<semaphore_mem>>) src(%arg10 : memref<80x128xf32, #tpu.memory_space<vmem>>) dst(%dma_wait3A_187 : memref<10000x128xf32, #tpu.memory_space<vmem_shared>>)
      } else {
      }
      %mul3A_92 = arith.constant 80 : i32
      %mul3A_93 = arith.muli %add3A_87, %mul3A_92 : i32
      %dma_start3A_94 = tpu.memref_slice %arg6[%mul3A_93] : memref<10000xi32, #tpu.memory_space<vmem>> -> memref<80xi32, #tpu.memory_space<vmem>>
      %dma_start3A_95 = arith.constant 0 : i32
      %dma_start3A_96 = arith.constant 0 : i32
      %dma_start3A_97 = tpu.memref_slice %arg2[%dma_start3A_95, %dma_start3A_96] : memref<10000x128xf32, #tpu.memory_space<hbm>> -> memref<10000x128xf32, #tpu.memory_space<hbm>>
      tpu.enqueue_indirect_dma source(%dma_start3A_97 : memref<10000x128xf32, #tpu.memory_space<hbm>>) target(%arg10 : memref<80x128xf32, #tpu.memory_space<vmem>>) offsets(%dma_start3A_94 : memref<80xi32, #tpu.memory_space<vmem>>) semaphore(%arg14 : memref<!tpu.dma_semaphore, #tpu.memory_space<semaphore_mem>>)
      %sub3A = arith.constant 2 : i32
      %sub3A_98 = arith.subi %add3A_87, %sub3A : i32
      %mul3A_99 = arith.constant 80 : i32
      %mul3A_100 = arith.muli %sub3A_98, %mul3A_99 : i32
      %dma_wait3A_101 = tpu.memref_slice %arg6[%mul3A_100] : memref<10000xi32, #tpu.memory_space<vmem>> -> memref<80xi32, #tpu.memory_space<vmem>>
      %dma_wait3A_102 = arith.constant 0 : i32
      %dma_wait3A_103 = arith.constant 0 : i32
      %dma_wait3A_104 = tpu.memref_slice %arg2[%dma_wait3A_102, %dma_wait3A_103] : memref<10000x128xf32, #tpu.memory_space<hbm>> -> memref<10000x128xf32, #tpu.memory_space<hbm>>
      tpu.wait_indirect_dma semaphore(%arg12 : memref<!tpu.dma_semaphore, #tpu.memory_space<semaphore_mem>>) src(%dma_wait3A_104 : memref<10000x128xf32, #tpu.memory_space<hbm>>) dst(%arg8 : memref<80x128xf32, #tpu.memory_space<vmem>>)
      %sub3A_105 = arith.constant 2 : i32
      %sub3A_106 = arith.subi %add3A_87, %sub3A_105 : i32
      %mul3A_107 = arith.constant 80 : i32
      %mul3A_108 = arith.muli %sub3A_106, %mul3A_107 : i32
      %dma_start3A_109 = tpu.memref_slice %arg7[%mul3A_108] : memref<10000xi32, #tpu.memory_space<vmem>> -> memref<80xi32, #tpu.memory_space<vmem>>
      %dma_start3A_110 = arith.constant 0 : i32
      %dma_start3A_111 = arith.constant 0 : i32
      %dma_start3A_112 = tpu.memref_slice %arg11[%dma_start3A_110, %dma_start3A_111] : memref<10000x128xf32, #tpu.memory_space<vmem_shared>> -> memref<10000x128xf32, #tpu.memory_space<vmem_shared>>
      tpu.enqueue_indirect_dma source(%arg8 : memref<80x128xf32, #tpu.memory_space<vmem>>) target(%dma_start3A_112 : memref<10000x128xf32, #tpu.memory_space<vmem_shared>>) offsets(%dma_start3A_109 : memref<80xi32, #tpu.memory_space<vmem>>) semaphore(%arg15 : memref<!tpu.dma_semaphore, #tpu.memory_space<semaphore_mem>>) {add = true}
      %mul3A_113 = arith.constant 3 : i32
      %mul3A_114 = arith.muli %mul3A_113, %scan3A_80 : i32
      %add3A_115 = arith.constant 2 : i32
      %add3A_116 = arith.addi %mul3A_114, %add3A_115 : i32
      %add3A_117 = arith.constant 1 : i32
      %add3A_118 = arith.addi %add3A_116, %add3A_117 : i32
      %ge3A_119 = arith.constant 3 : i32
      %ge3A_120 = arith.cmpi sge, %add3A_118, %ge3A_119 : i32
      %convert_element_type3A_121 = arith.extui %ge3A_120 : i1 to i32
      %cond3A_122 = arith.constant 0 : i32
      %cond3A_123 = arith.cmpi ne, %convert_element_type3A_121, %cond3A_122 : i32
      scf.if %cond3A_123 {
        %sub3A_180 = arith.constant 3 : i32
        %sub3A_181 = arith.subi %add3A_118, %sub3A_180 : i32
        %mul3A_182 = arith.constant 80 : i32
        %mul3A_183 = arith.muli %sub3A_181, %mul3A_182 : i32
        %dma_wait3A_184 = tpu.memref_slice %arg7[%mul3A_183] : memref<10000xi32, #tpu.memory_space<vmem>> -> memref<80xi32, #tpu.memory_space<vmem>>
        %dma_wait3A_185 = arith.constant 0 : i32
        %dma_wait3A_186 = arith.constant 0 : i32
        %dma_wait3A_187 = tpu.memref_slice %arg11[%dma_wait3A_185, %dma_wait3A_186] : memref<10000x128xf32, #tpu.memory_space<vmem_shared>> -> memref<10000x128xf32, #tpu.memory_space<vmem_shared>>
        tpu.wait_indirect_dma semaphore(%arg15 : memref<!tpu.dma_semaphore, #tpu.memory_space<semaphore_mem>>) src(%arg8 : memref<80x128xf32, #tpu.memory_space<vmem>>) dst(%dma_wait3A_187 : memref<10000x128xf32, #tpu.memory_space<vmem_shared>>)
      } else {
      }
      %mul3A_124 = arith.constant 80 : i32
      %mul3A_125 = arith.muli %add3A_118, %mul3A_124 : i32
      %dma_start3A_126 = tpu.memref_slice %arg6[%mul3A_125] : memref<10000xi32, #tpu.memory_space<vmem>> -> memref<80xi32, #tpu.memory_space<vmem>>
      %dma_start3A_127 = arith.constant 0 : i32
      %dma_start3A_128 = arith.constant 0 : i32
      %dma_start3A_129 = tpu.memref_slice %arg2[%dma_start3A_127, %dma_start3A_128] : memref<10000x128xf32, #tpu.memory_space<hbm>> -> memref<10000x128xf32, #tpu.memory_space<hbm>>
      tpu.enqueue_indirect_dma source(%dma_start3A_129 : memref<10000x128xf32, #tpu.memory_space<hbm>>) target(%arg8 : memref<80x128xf32, #tpu.memory_space<vmem>>) offsets(%dma_start3A_126 : memref<80xi32, #tpu.memory_space<vmem>>) semaphore(%arg12 : memref<!tpu.dma_semaphore, #tpu.memory_space<semaphore_mem>>)
      %sub3A_130 = arith.constant 2 : i32
      %sub3A_131 = arith.subi %add3A_118, %sub3A_130 : i32
      %mul3A_132 = arith.constant 80 : i32
      %mul3A_133 = arith.muli %sub3A_131, %mul3A_132 : i32
      %dma_wait3A_134 = tpu.memref_slice %arg6[%mul3A_133] : memref<10000xi32, #tpu.memory_space<vmem>> -> memref<80xi32, #tpu.memory_space<vmem>>
      %dma_wait3A_135 = arith.constant 0 : i32
      %dma_wait3A_136 = arith.constant 0 : i32
      %dma_wait3A_137 = tpu.memref_slice %arg2[%dma_wait3A_135, %dma_wait3A_136] : memref<10000x128xf32, #tpu.memory_space<hbm>> -> memref<10000x128xf32, #tpu.memory_space<hbm>>
      tpu.wait_indirect_dma semaphore(%arg13 : memref<!tpu.dma_semaphore, #tpu.memory_space<semaphore_mem>>) src(%dma_wait3A_137 : memref<10000x128xf32, #tpu.memory_space<hbm>>) dst(%arg9 : memref<80x128xf32, #tpu.memory_space<vmem>>)
      %sub3A_138 = arith.constant 2 : i32
      %sub3A_139 = arith.subi %add3A_118, %sub3A_138 : i32
      %mul3A_140 = arith.constant 80 : i32
      %mul3A_141 = arith.muli %sub3A_139, %mul3A_140 : i32
      %dma_start3A_142 = tpu.memref_slice %arg7[%mul3A_141] : memref<10000xi32, #tpu.memory_space<vmem>> -> memref<80xi32, #tpu.memory_space<vmem>>
      %dma_start3A_143 = arith.constant 0 : i32
      %dma_start3A_144 = arith.constant 0 : i32
      %dma_start3A_145 = tpu.memref_slice %arg11[%dma_start3A_143, %dma_start3A_144] : memref<10000x128xf32, #tpu.memory_space<vmem_shared>> -> memref<10000x128xf32, #tpu.memory_space<vmem_shared>>
      tpu.enqueue_indirect_dma source(%arg9 : memref<80x128xf32, #tpu.memory_space<vmem>>) target(%dma_start3A_145 : memref<10000x128xf32, #tpu.memory_space<vmem_shared>>) offsets(%dma_start3A_142 : memref<80xi32, #tpu.memory_space<vmem>>) semaphore(%arg16 : memref<!tpu.dma_semaphore, #tpu.memory_space<semaphore_mem>>) {add = true}
      %mul3A_146 = arith.constant 3 : i32
      %mul3A_147 = arith.muli %mul3A_146, %scan3A_80 : i32
      %add3A_148 = arith.constant 2 : i32
      %add3A_149 = arith.addi %mul3A_147, %add3A_148 : i32
      %add3A_150 = arith.constant 2 : i32
      %add3A_151 = arith.addi %add3A_149, %add3A_150 : i32
      %ge3A_152 = arith.constant 3 : i32
      %ge3A_153 = arith.cmpi sge, %add3A_151, %ge3A_152 : i32
      %convert_element_type3A_154 = arith.extui %ge3A_153 : i1 to i32
      %cond3A_155 = arith.constant 0 : i32
      %cond3A_156 = arith.cmpi ne, %convert_element_type3A_154, %cond3A_155 : i32
      scf.if %cond3A_156 {
        %sub3A_180 = arith.constant 3 : i32
        %sub3A_181 = arith.subi %add3A_151, %sub3A_180 : i32
        %mul3A_182 = arith.constant 80 : i32
        %mul3A_183 = arith.muli %sub3A_181, %mul3A_182 : i32
        %dma_wait3A_184 = tpu.memref_slice %arg7[%mul3A_183] : memref<10000xi32, #tpu.memory_space<vmem>> -> memref<80xi32, #tpu.memory_space<vmem>>
        %dma_wait3A_185 = arith.constant 0 : i32
        %dma_wait3A_186 = arith.constant 0 : i32
        %dma_wait3A_187 = tpu.memref_slice %arg11[%dma_wait3A_185, %dma_wait3A_186] : memref<10000x128xf32, #tpu.memory_space<vmem_shared>> -> memref<10000x128xf32, #tpu.memory_space<vmem_shared>>
        tpu.wait_indirect_dma semaphore(%arg16 : memref<!tpu.dma_semaphore, #tpu.memory_space<semaphore_mem>>) src(%arg9 : memref<80x128xf32, #tpu.memory_space<vmem>>) dst(%dma_wait3A_187 : memref<10000x128xf32, #tpu.memory_space<vmem_shared>>)
      } else {
      }
      %mul3A_157 = arith.constant 80 : i32
      %mul3A_158 = arith.muli %add3A_151, %mul3A_157 : i32
      %dma_start3A_159 = tpu.memref_slice %arg6[%mul3A_158] : memref<10000xi32, #tpu.memory_space<vmem>> -> memref<80xi32, #tpu.memory_space<vmem>>
      %dma_start3A_160 = arith.constant 0 : i32
      %dma_start3A_161 = arith.constant 0 : i32
      %dma_start3A_162 = tpu.memref_slice %arg2[%dma_start3A_160, %dma_start3A_161] : memref<10000x128xf32, #tpu.memory_space<hbm>> -> memref<10000x128xf32, #tpu.memory_space<hbm>>
      tpu.enqueue_indirect_dma source(%dma_start3A_162 : memref<10000x128xf32, #tpu.memory_space<hbm>>) target(%arg9 : memref<80x128xf32, #tpu.memory_space<vmem>>) offsets(%dma_start3A_159 : memref<80xi32, #tpu.memory_space<vmem>>) semaphore(%arg13 : memref<!tpu.dma_semaphore, #tpu.memory_space<semaphore_mem>>)
      %sub3A_163 = arith.constant 2 : i32
      %sub3A_164 = arith.subi %add3A_151, %sub3A_163 : i32
      %mul3A_165 = arith.constant 80 : i32
      %mul3A_166 = arith.muli %sub3A_164, %mul3A_165 : i32
      %dma_wait3A_167 = tpu.memref_slice %arg6[%mul3A_166] : memref<10000xi32, #tpu.memory_space<vmem>> -> memref<80xi32, #tpu.memory_space<vmem>>
      %dma_wait3A_168 = arith.constant 0 : i32
      %dma_wait3A_169 = arith.constant 0 : i32
      %dma_wait3A_170 = tpu.memref_slice %arg2[%dma_wait3A_168, %dma_wait3A_169] : memref<10000x128xf32, #tpu.memory_space<hbm>> -> memref<10000x128xf32, #tpu.memory_space<hbm>>
      tpu.wait_indirect_dma semaphore(%arg14 : memref<!tpu.dma_semaphore, #tpu.memory_space<semaphore_mem>>) src(%dma_wait3A_170 : memref<10000x128xf32, #tpu.memory_space<hbm>>) dst(%arg10 : memref<80x128xf32, #tpu.memory_space<vmem>>)
      %sub3A_171 = arith.constant 2 : i32
      %sub3A_172 = arith.subi %add3A_151, %sub3A_171 : i32
      %mul3A_173 = arith.constant 80 : i32
      %mul3A_174 = arith.muli %sub3A_172, %mul3A_173 : i32
      %dma_start3A_175 = tpu.memref_slice %arg7[%mul3A_174] : memref<10000xi32, #tpu.memory_space<vmem>> -> memref<80xi32, #tpu.memory_space<vmem>>
      %dma_start3A_176 = arith.constant 0 : i32
      %dma_start3A_177 = arith.constant 0 : i32
      %dma_start3A_178 = tpu.memref_slice %arg11[%dma_start3A_176, %dma_start3A_177] : memref<10000x128xf32, #tpu.memory_space<vmem_shared>> -> memref<10000x128xf32, #tpu.memory_space<vmem_shared>>
      tpu.enqueue_indirect_dma source(%arg10 : memref<80x128xf32, #tpu.memory_space<vmem>>) target(%dma_start3A_178 : memref<10000x128xf32, #tpu.memory_space<vmem_shared>>) offsets(%dma_start3A_175 : memref<80xi32, #tpu.memory_space<vmem>>) semaphore(%arg17 : memref<!tpu.dma_semaphore, #tpu.memory_space<semaphore_mem>>) {add = true}
      %scan3A_179 = arith.constant 0 : i32
      scf.yield %scan3A_179 : i32
    }
    %scan3A_35 = arith.constant 41 : i32
    %dma_wait3A = arith.constant 9840 : i32
    %dma_wait3A_36 = tpu.memref_slice %arg6[%dma_wait3A] : memref<10000xi32, #tpu.memory_space<vmem>> -> memref<80xi32, #tpu.memory_space<vmem>>
    %dma_wait3A_37 = arith.constant 0 : i32
    %dma_wait3A_38 = arith.constant 0 : i32
    %dma_wait3A_39 = tpu.memref_slice %arg2[%dma_wait3A_37, %dma_wait3A_38] : memref<10000x128xf32, #tpu.memory_space<hbm>> -> memref<10000x128xf32, #tpu.memory_space<hbm>>
    tpu.wait_indirect_dma semaphore(%arg12 : memref<!tpu.dma_semaphore, #tpu.memory_space<semaphore_mem>>) src(%dma_wait3A_39 : memref<10000x128xf32, #tpu.memory_space<hbm>>) dst(%arg8 : memref<80x128xf32, #tpu.memory_space<vmem>>)
    %dma_start3A_40 = arith.constant 9840 : i32
    %dma_start3A_41 = tpu.memref_slice %arg7[%dma_start3A_40] : memref<10000xi32, #tpu.memory_space<vmem>> -> memref<80xi32, #tpu.memory_space<vmem>>
    %dma_start3A_42 = arith.constant 0 : i32
    %dma_start3A_43 = arith.constant 0 : i32
    %dma_start3A_44 = tpu.memref_slice %arg11[%dma_start3A_42, %dma_start3A_43] : memref<10000x128xf32, #tpu.memory_space<vmem_shared>> -> memref<10000x128xf32, #tpu.memory_space<vmem_shared>>
    tpu.enqueue_indirect_dma source(%arg8 : memref<80x128xf32, #tpu.memory_space<vmem>>) target(%dma_start3A_44 : memref<10000x128xf32, #tpu.memory_space<vmem_shared>>) offsets(%dma_start3A_41 : memref<80xi32, #tpu.memory_space<vmem>>) semaphore(%arg15 : memref<!tpu.dma_semaphore, #tpu.memory_space<semaphore_mem>>) {add = true}
    %dma_wait3A_45 = arith.constant 9920 : i32
    %dma_wait3A_46 = tpu.memref_slice %arg6[%dma_wait3A_45] : memref<10000xi32, #tpu.memory_space<vmem>> -> memref<80xi32, #tpu.memory_space<vmem>>
    %dma_wait3A_47 = arith.constant 0 : i32
    %dma_wait3A_48 = arith.constant 0 : i32
    %dma_wait3A_49 = tpu.memref_slice %arg2[%dma_wait3A_47, %dma_wait3A_48] : memref<10000x128xf32, #tpu.memory_space<hbm>> -> memref<10000x128xf32, #tpu.memory_space<hbm>>
    tpu.wait_indirect_dma semaphore(%arg13 : memref<!tpu.dma_semaphore, #tpu.memory_space<semaphore_mem>>) src(%dma_wait3A_49 : memref<10000x128xf32, #tpu.memory_space<hbm>>) dst(%arg9 : memref<80x128xf32, #tpu.memory_space<vmem>>)
    %dma_start3A_50 = arith.constant 9920 : i32
    %dma_start3A_51 = tpu.memref_slice %arg7[%dma_start3A_50] : memref<10000xi32, #tpu.memory_space<vmem>> -> memref<80xi32, #tpu.memory_space<vmem>>
    %dma_start3A_52 = arith.constant 0 : i32
    %dma_start3A_53 = arith.constant 0 : i32
    %dma_start3A_54 = tpu.memref_slice %arg11[%dma_start3A_52, %dma_start3A_53] : memref<10000x128xf32, #tpu.memory_space<vmem_shared>> -> memref<10000x128xf32, #tpu.memory_space<vmem_shared>>
    tpu.enqueue_indirect_dma source(%arg9 : memref<80x128xf32, #tpu.memory_space<vmem>>) target(%dma_start3A_54 : memref<10000x128xf32, #tpu.memory_space<vmem_shared>>) offsets(%dma_start3A_51 : memref<80xi32, #tpu.memory_space<vmem>>) semaphore(%arg16 : memref<!tpu.dma_semaphore, #tpu.memory_space<semaphore_mem>>) {add = true}
    %dma_wait3A_55 = arith.constant 9760 : i32
    %dma_wait3A_56 = tpu.memref_slice %arg7[%dma_wait3A_55] : memref<10000xi32, #tpu.memory_space<vmem>> -> memref<80xi32, #tpu.memory_space<vmem>>
    %dma_wait3A_57 = arith.constant 0 : i32
    %dma_wait3A_58 = arith.constant 0 : i32
    %dma_wait3A_59 = tpu.memref_slice %arg11[%dma_wait3A_57, %dma_wait3A_58] : memref<10000x128xf32, #tpu.memory_space<vmem_shared>> -> memref<10000x128xf32, #tpu.memory_space<vmem_shared>>
    tpu.wait_indirect_dma semaphore(%arg17 : memref<!tpu.dma_semaphore, #tpu.memory_space<semaphore_mem>>) src(%arg10 : memref<80x128xf32, #tpu.memory_space<vmem>>) dst(%dma_wait3A_59 : memref<10000x128xf32, #tpu.memory_space<vmem_shared>>)
    %dma_wait3A_60 = arith.constant 9840 : i32
    %dma_wait3A_61 = tpu.memref_slice %arg7[%dma_wait3A_60] : memref<10000xi32, #tpu.memory_space<vmem>> -> memref<80xi32, #tpu.memory_space<vmem>>
    %dma_wait3A_62 = arith.constant 0 : i32
    %dma_wait3A_63 = arith.constant 0 : i32
    %dma_wait3A_64 = tpu.memref_slice %arg11[%dma_wait3A_62, %dma_wait3A_63] : memref<10000x128xf32, #tpu.memory_space<vmem_shared>> -> memref<10000x128xf32, #tpu.memory_space<vmem_shared>>
    tpu.wait_indirect_dma semaphore(%arg15 : memref<!tpu.dma_semaphore, #tpu.memory_space<semaphore_mem>>) src(%arg8 : memref<80x128xf32, #tpu.memory_space<vmem>>) dst(%dma_wait3A_64 : memref<10000x128xf32, #tpu.memory_space<vmem_shared>>)
    %dma_wait3A_65 = arith.constant 9920 : i32
    %dma_wait3A_66 = tpu.memref_slice %arg7[%dma_wait3A_65] : memref<10000xi32, #tpu.memory_space<vmem>> -> memref<80xi32, #tpu.memory_space<vmem>>
    %dma_wait3A_67 = arith.constant 0 : i32
    %dma_wait3A_68 = arith.constant 0 : i32
    %dma_wait3A_69 = tpu.memref_slice %arg11[%dma_wait3A_67, %dma_wait3A_68] : memref<10000x128xf32, #tpu.memory_space<vmem_shared>> -> memref<10000x128xf32, #tpu.memory_space<vmem_shared>>
    tpu.wait_indirect_dma semaphore(%arg16 : memref<!tpu.dma_semaphore, #tpu.memory_space<semaphore_mem>>) src(%arg9 : memref<80x128xf32, #tpu.memory_space<vmem>>) dst(%dma_wait3A_69 : memref<10000x128xf32, #tpu.memory_space<vmem_shared>>)
    %barrier3A_70 = arith.constant 0 : index
    tpu.barrier barrier_id(%barrier3A_70)
    %mul3A_71 = arith.constant 624 : i32
    %mul3A_72 = arith.muli %arg1, %mul3A_71 : i32
    %mul3A_73 = arith.constant 624 : i32
    %mul3A_74 = arith.muli %arg1, %mul3A_73 : i32
    "tpu.region"() ({
      %run_scoped3A = tpu.sem_alloc : memref<!tpu.dma_semaphore, #tpu.memory_space<semaphore_mem>>
      %dma_start3A_80 = arith.constant 0 : i32
      %dma_start3A_81 = tpu.memref_slice %arg5[%arg0, %mul3A_74, %dma_start3A_80] : memref<2x10000x128xf32, #tpu.memory_space<hbm>> -> memref<1x624x128xf32, #tpu.memory_space<hbm>>
      %dma_start3A_82 = tpu.memref_squeeze %dma_start3A_81 : memref<1x624x128xf32, #tpu.memory_space<hbm>> -> memref<624x128xf32, #tpu.memory_space<hbm>>
      %dma_start3A_83 = arith.constant 0 : i32
      %dma_start3A_84 = tpu.memref_slice %arg11[%mul3A_72, %dma_start3A_83] : memref<10000x128xf32, #tpu.memory_space<vmem_shared>> -> memref<624x128xf32, #tpu.memory_space<vmem_shared>>
      tpu.enqueue_dma source(%dma_start3A_84 : memref<624x128xf32, #tpu.memory_space<vmem_shared>>) target(%dma_start3A_82 : memref<624x128xf32, #tpu.memory_space<hbm>>) target_semaphore(%run_scoped3A : memref<!tpu.dma_semaphore, #tpu.memory_space<semaphore_mem>>)
      %dma_wait3A_85 = arith.constant 0 : i32
      %dma_wait3A_86 = tpu.memref_slice %arg5[%arg0, %mul3A_74, %dma_wait3A_85] : memref<2x10000x128xf32, #tpu.memory_space<hbm>> -> memref<1x624x128xf32, #tpu.memory_space<hbm>>
      %dma_wait3A_87 = tpu.memref_squeeze %dma_wait3A_86 : memref<1x624x128xf32, #tpu.memory_space<hbm>> -> memref<624x128xf32, #tpu.memory_space<hbm>>
      %dma_wait3A_88 = arith.constant 0 : i32
      %dma_wait3A_89 = tpu.memref_slice %arg11[%mul3A_72, %dma_wait3A_88] : memref<10000x128xf32, #tpu.memory_space<vmem_shared>> -> memref<624x128xf32, #tpu.memory_space<vmem_shared>>
      tpu.wait_dma2 semaphore(%run_scoped3A : memref<!tpu.dma_semaphore, #tpu.memory_space<semaphore_mem>>) src(%dma_wait3A_89 : memref<624x128xf32, #tpu.memory_space<vmem_shared>>) dst(%dma_wait3A_87 : memref<624x128xf32, #tpu.memory_space<hbm>>)
      tpu.yield
    }) : () -> ()
    %eq3A_75 = arith.constant 0 : i32
    %eq3A_76 = arith.cmpi eq, %arg1, %eq3A_75 : i32
    %convert_element_type3A_77 = arith.extui %eq3A_76 : i1 to i32
    %cond3A_78 = arith.constant 0 : i32
    %cond3A_79 = arith.cmpi ne, %convert_element_type3A_77, %cond3A_78 : i32
    scf.if %cond3A_79 {
      "tpu.region"() ({
        %run_scoped3A = tpu.sem_alloc : memref<!tpu.dma_semaphore, #tpu.memory_space<semaphore_mem>>
        %dma_start3A_80 = arith.constant 9984 : i32
        %dma_start3A_81 = arith.constant 0 : i32
        %dma_start3A_82 = tpu.memref_slice %arg5[%arg0, %dma_start3A_80, %dma_start3A_81] : memref<2x10000x128xf32, #tpu.memory_space<hbm>> -> memref<1x16x128xf32, #tpu.memory_space<hbm>>
        %dma_start3A_83 = tpu.memref_squeeze %dma_start3A_82 : memref<1x16x128xf32, #tpu.memory_space<hbm>> -> memref<16x128xf32, #tpu.memory_space<hbm>>
        %dma_start3A_84 = arith.constant 9984 : i32
        %dma_start3A_85 = arith.constant 0 : i32
        %dma_start3A_86 = tpu.memref_slice %arg11[%dma_start3A_84, %dma_start3A_85] : memref<10000x128xf32, #tpu.memory_space<vmem_shared>> -> memref<16x128xf32, #tpu.memory_space<vmem_shared>>
        tpu.enqueue_dma source(%dma_start3A_86 : memref<16x128xf32, #tpu.memory_space<vmem_shared>>) target(%dma_start3A_83 : memref<16x128xf32, #tpu.memory_space<hbm>>) target_semaphore(%run_scoped3A : memref<!tpu.dma_semaphore, #tpu.memory_space<semaphore_mem>>)
        %dma_wait3A_87 = arith.constant 9984 : i32
        %dma_wait3A_88 = arith.constant 0 : i32
        %dma_wait3A_89 = tpu.memref_slice %arg5[%arg0, %dma_wait3A_87, %dma_wait3A_88] : memref<2x10000x128xf32, #tpu.memory_space<hbm>> -> memref<1x16x128xf32, #tpu.memory_space<hbm>>
        %dma_wait3A_90 = tpu.memref_squeeze %dma_wait3A_89 : memref<1x16x128xf32, #tpu.memory_space<hbm>> -> memref<16x128xf32, #tpu.memory_space<hbm>>
        %dma_wait3A_91 = arith.constant 9984 : i32
        %dma_wait3A_92 = arith.constant 0 : i32
        %dma_wait3A_93 = tpu.memref_slice %arg11[%dma_wait3A_91, %dma_wait3A_92] : memref<10000x128xf32, #tpu.memory_space<vmem_shared>> -> memref<16x128xf32, #tpu.memory_space<vmem_shared>>
        tpu.wait_dma2 semaphore(%run_scoped3A : memref<!tpu.dma_semaphore, #tpu.memory_space<semaphore_mem>>) src(%dma_wait3A_93 : memref<16x128xf32, #tpu.memory_space<vmem_shared>>) dst(%dma_wait3A_90 : memref<16x128xf32, #tpu.memory_space<hbm>>)
        tpu.yield
      }) : () -> ()
    } else {
    }
    return
  }
}

#map = affine_map<(d0, d1) -> (0, 0)>
#map1 = affine_map<(d0, d1) -> (0)>
#map2 = affine_map<(d0, d1) -> (0, 0, 0)>
module attributes {stable_mosaic.version = 14 : i64} {
  func.func @_sc_agg(%arg0: i32, %arg1: i32, %arg2: memref<10000x128xf32, #tpu.memory_space<hbm>>, %arg3: memref<320000xi32, #tpu.memory_space<hbm>>, %arg4: memref<320000xi32, #tpu.memory_space<hbm>>, %arg5: memref<2x10000x128xf32, #tpu.memory_space<hbm>>, %arg6: memref<10000xi32, #tpu.memory_space<vmem>>, %arg7: memref<10000xi32, #tpu.memory_space<vmem>>, %arg8: memref<80x128xf32, #tpu.memory_space<vmem>>, %arg9: memref<80x128xf32, #tpu.memory_space<vmem>>, %arg10: memref<80x128xf32, #tpu.memory_space<vmem>>, %arg11: memref<10000x128xf32, #tpu.memory_space<vmem_shared>>, %arg12: memref<!tpu.dma_semaphore, #tpu.memory_space<semaphore_mem>>, %arg13: memref<!tpu.dma_semaphore, #tpu.memory_space<semaphore_mem>>, %arg14: memref<!tpu.dma_semaphore, #tpu.memory_space<semaphore_mem>>, %arg15: memref<!tpu.dma_semaphore, #tpu.memory_space<semaphore_mem>>, %arg16: memref<!tpu.dma_semaphore, #tpu.memory_space<semaphore_mem>>, %arg17: memref<!tpu.dma_semaphore, #tpu.memory_space<semaphore_mem>>) attributes {dimension_semantics = [#tpu.dimension_semantics<core_parallel>, #tpu.dimension_semantics<subcore_parallel>], iteration_bounds = array<i64: 2, 16>, scalar_prefetch = 0 : i64, scratch_operands = 12 : i64, tpu.core_type = #tpu.core_type<sc_vector_subcore>, window_params = [{transform_indices = #map}, {transform_indices = #map1}, {transform_indices = #map1}, {transform_indices = #map2}]} {
    %mul3A = arith.constant 16 : i32
    %mul3A_0 = arith.muli %arg0, %mul3A : i32
    %add3A = arith.addi %mul3A_0, %arg1 : i32
    %scan3A = arith.constant 0 : i32
    %scan3A_1 = arith.constant 0 : i32
    %scan3A_2 = arith.constant 8 : i32
    %scan3A_3 = arith.addi %scan3A_1, %scan3A_2 : i32
    %scan3A_4 = arith.constant 1 : i32
    %scan3A_5 = scf.for %scan3A_80 = %scan3A_1 to %scan3A_3 step %scan3A_4 iter_args(%scan3A_81 = %scan3A) -> (i32)  : i32 {
      %scan3A_82 = arith.constant 0 : i32
      %scan3A_83 = arith.constant 0 : i32
      %scan3A_84 = arith.constant 8 : i32
      %scan3A_85 = arith.addi %scan3A_83, %scan3A_84 : i32
      %scan3A_86 = arith.constant 1 : i32
      %scan3A_87 = scf.for %scan3A_89 = %scan3A_83 to %scan3A_85 step %scan3A_86 iter_args(%scan3A_90 = %scan3A_82) -> (i32)  : i32 {
        %broadcast_in_dim3A = arith.constant 0.000000e+00 : f32
        %broadcast_in_dim3A_91 = vector.broadcast %broadcast_in_dim3A : f32 to vector<16xf32>
        %mul3A_92 = arith.constant 16 : i32
        %mul3A_93 = arith.muli %scan3A_89, %mul3A_92 : i32
        %swap3A = arith.index_cast %scan3A_80 : i32 to index
        %swap3A_94 = arith.index_cast %mul3A_93 : i32 to index
        %swap3A_95 = tpu.vector_load %arg8[%swap3A, %swap3A_94] {strides = array<i32>} : memref<80x128xf32, #tpu.memory_space<vmem>>, vector<1x16xf32>,
        %swap3A_96 = vector.shape_cast %swap3A_95 : vector<1x16xf32> to vector<16xf32>
        %swap3A_97 = vector.shape_cast %broadcast_in_dim3A_91 : vector<16xf32> to vector<1x16xf32>
        tpu.vector_store %arg8[%swap3A, %swap3A_94], %swap3A_97 {strides = array<i32>} : memref<80x128xf32, #tpu.memory_space<vmem>>, vector<1x16xf32>,
        %scan3A_98 = arith.constant 0 : i32
        scf.yield %scan3A_98 : i32
      }
      %scan3A_88 = arith.constant 8 : i32
      scf.yield %scan3A_87 : i32
    }
    %scan3A_6 = arith.constant 8 : i32
    %scan3A_7 = arith.constant 0 : i32
    %scan3A_8 = arith.constant 0 : i32
    %scan3A_9 = arith.constant 78 : i32
    %scan3A_10 = arith.addi %scan3A_8, %scan3A_9 : i32
    %scan3A_11 = arith.constant 1 : i32
    %scan3A_12 = scf.for %scan3A_80 = %scan3A_8 to %scan3A_10 step %scan3A_11 iter_args(%scan3A_81 = %scan3A_7) -> (i32)  : i32 {
      %mul3A_82 = arith.constant 624 : i32
      %mul3A_83 = arith.muli %arg1, %mul3A_82 : i32
      %mul3A_84 = arith.constant 8 : i32
      %mul3A_85 = arith.muli %scan3A_80, %mul3A_84 : i32
      %add3A_86 = arith.addi %mul3A_83, %mul3A_85 : i32
      "tpu.region"() ({
        %run_scoped3A = tpu.sem_alloc : memref<!tpu.dma_semaphore, #tpu.memory_space<semaphore_mem>>
        %dma_start3A_88 = arith.constant 0 : i32
        %dma_start3A_89 = arith.constant 0 : i32
        %dma_start3A_90 = tpu.memref_slice %arg8[%dma_start3A_88, %dma_start3A_89] : memref<80x128xf32, #tpu.memory_space<vmem>> -> memref<8x128xf32, #tpu.memory_space<vmem>>
        %dma_start3A_91 = arith.constant 0 : i32
        %dma_start3A_92 = tpu.memref_slice %arg11[%add3A_86, %dma_start3A_91] : memref<10000x128xf32, #tpu.memory_space<vmem_shared>> -> memref<8x128xf32, #tpu.memory_space<vmem_shared>>
        %dma_start3A_93 = arith.constant 0 : i32
        %dma_start3A_94 = tpu.memref_slice %arg11[%add3A_86, %dma_start3A_93] : memref<10000x128xf32, #tpu.memory_space<vmem_shared>> -> memref<8x128xf32, #tpu.memory_space<vmem_shared>>
        %dma_start3A_95 = arith.constant 0 : i32
        %dma_start3A_96 = arith.constant 0 : i32
        %dma_start3A_97 = tpu.memref_slice %arg8[%dma_start3A_95, %dma_start3A_96] : memref<80x128xf32, #tpu.memory_space<vmem>> -> memref<8x128xf32, #tpu.memory_space<vmem>>
        tpu.enqueue_dma source(%dma_start3A_97 : memref<8x128xf32, #tpu.memory_space<vmem>>) target(%dma_start3A_94 : memref<8x128xf32, #tpu.memory_space<vmem_shared>>) target_semaphore(%run_scoped3A : memref<!tpu.dma_semaphore, #tpu.memory_space<semaphore_mem>>)
        %dma_wait3A_98 = arith.constant 0 : i32
        %dma_wait3A_99 = arith.constant 0 : i32
        %dma_wait3A_100 = tpu.memref_slice %arg8[%dma_wait3A_98, %dma_wait3A_99] : memref<80x128xf32, #tpu.memory_space<vmem>> -> memref<8x128xf32, #tpu.memory_space<vmem>>
        %dma_wait3A_101 = arith.constant 0 : i32
        %dma_wait3A_102 = tpu.memref_slice %arg11[%add3A_86, %dma_wait3A_101] : memref<10000x128xf32, #tpu.memory_space<vmem_shared>> -> memref<8x128xf32, #tpu.memory_space<vmem_shared>>
        %dma_wait3A_103 = arith.constant 0 : i32
        %dma_wait3A_104 = tpu.memref_slice %arg11[%add3A_86, %dma_wait3A_103] : memref<10000x128xf32, #tpu.memory_space<vmem_shared>> -> memref<8x128xf32, #tpu.memory_space<vmem_shared>>
        %dma_wait3A_105 = arith.constant 0 : i32
        %dma_wait3A_106 = arith.constant 0 : i32
        %dma_wait3A_107 = tpu.memref_slice %arg8[%dma_wait3A_105, %dma_wait3A_106] : memref<80x128xf32, #tpu.memory_space<vmem>> -> memref<8x128xf32, #tpu.memory_space<vmem>>
        tpu.wait_dma2 semaphore(%run_scoped3A : memref<!tpu.dma_semaphore, #tpu.memory_space<semaphore_mem>>) src(%dma_wait3A_107 : memref<8x128xf32, #tpu.memory_space<vmem>>) dst(%dma_wait3A_104 : memref<8x128xf32, #tpu.memory_space<vmem_shared>>)
        tpu.yield
      }) : () -> ()
      %scan3A_87 = arith.constant 0 : i32
      scf.yield %scan3A_87 : i32
    }
    %scan3A_13 = arith.constant 78 : i32
    %eq3A = arith.constant 0 : i32
    %eq3A_14 = arith.cmpi eq, %arg1, %eq3A : i32
    %convert_element_type3A = arith.extui %eq3A_14 : i1 to i32
    %cond3A = arith.constant 0 : i32
    %cond3A_15 = arith.cmpi ne, %convert_element_type3A, %cond3A : i32
    scf.if %cond3A_15 {
      %scan3A_80 = arith.constant 0 : i32
      %scan3A_81 = arith.constant 0 : i32
      %scan3A_82 = arith.constant 2 : i32
      %scan3A_83 = arith.addi %scan3A_81, %scan3A_82 : i32
      %scan3A_84 = arith.constant 1 : i32
      %scan3A_85 = scf.for %scan3A_87 = %scan3A_81 to %scan3A_83 step %scan3A_84 iter_args(%scan3A_88 = %scan3A_80) -> (i32)  : i32 {
        %mul3A_89 = arith.constant 8 : i32
        %mul3A_90 = arith.muli %scan3A_87, %mul3A_89 : i32
        %add3A_91 = arith.constant 9984 : i32
        %add3A_92 = arith.addi %add3A_91, %mul3A_90 : i32
        "tpu.region"() ({
          %run_scoped3A = tpu.sem_alloc : memref<!tpu.dma_semaphore, #tpu.memory_space<semaphore_mem>>
          %dma_start3A_94 = arith.constant 0 : i32
          %dma_start3A_95 = arith.constant 0 : i32
          %dma_start3A_96 = tpu.memref_slice %arg8[%dma_start3A_94, %dma_start3A_95] : memref<80x128xf32, #tpu.memory_space<vmem>> -> memref<8x128xf32, #tpu.memory_space<vmem>>
          %dma_start3A_97 = arith.constant 0 : i32
          %dma_start3A_98 = tpu.memref_slice %arg11[%add3A_92, %dma_start3A_97] : memref<10000x128xf32, #tpu.memory_space<vmem_shared>> -> memref<8x128xf32, #tpu.memory_space<vmem_shared>>
          %dma_start3A_99 = arith.constant 0 : i32
          %dma_start3A_100 = tpu.memref_slice %arg11[%add3A_92, %dma_start3A_99] : memref<10000x128xf32, #tpu.memory_space<vmem_shared>> -> memref<8x128xf32, #tpu.memory_space<vmem_shared>>
          %dma_start3A_101 = arith.constant 0 : i32
          %dma_start3A_102 = arith.constant 0 : i32
          %dma_start3A_103 = tpu.memref_slice %arg8[%dma_start3A_101, %dma_start3A_102] : memref<80x128xf32, #tpu.memory_space<vmem>> -> memref<8x128xf32, #tpu.memory_space<vmem>>
          tpu.enqueue_dma source(%dma_start3A_103 : memref<8x128xf32, #tpu.memory_space<vmem>>) target(%dma_start3A_100 : memref<8x128xf32, #tpu.memory_space<vmem_shared>>) target_semaphore(%run_scoped3A : memref<!tpu.dma_semaphore, #tpu.memory_space<semaphore_mem>>)
          %dma_wait3A_104 = arith.constant 0 : i32
          %dma_wait3A_105 = arith.constant 0 : i32
          %dma_wait3A_106 = tpu.memref_slice %arg8[%dma_wait3A_104, %dma_wait3A_105] : memref<80x128xf32, #tpu.memory_space<vmem>> -> memref<8x128xf32, #tpu.memory_space<vmem>>
          %dma_wait3A_107 = arith.constant 0 : i32
          %dma_wait3A_108 = tpu.memref_slice %arg11[%add3A_92, %dma_wait3A_107] : memref<10000x128xf32, #tpu.memory_space<vmem_shared>> -> memref<8x128xf32, #tpu.memory_space<vmem_shared>>
          %dma_wait3A_109 = arith.constant 0 : i32
          %dma_wait3A_110 = tpu.memref_slice %arg11[%add3A_92, %dma_wait3A_109] : memref<10000x128xf32, #tpu.memory_space<vmem_shared>> -> memref<8x128xf32, #tpu.memory_space<vmem_shared>>
          %dma_wait3A_111 = arith.constant 0 : i32
          %dma_wait3A_112 = arith.constant 0 : i32
          %dma_wait3A_113 = tpu.memref_slice %arg8[%dma_wait3A_111, %dma_wait3A_112] : memref<80x128xf32, #tpu.memory_space<vmem>> -> memref<8x128xf32, #tpu.memory_space<vmem>>
          tpu.wait_dma2 semaphore(%run_scoped3A : memref<!tpu.dma_semaphore, #tpu.memory_space<semaphore_mem>>) src(%dma_wait3A_113 : memref<8x128xf32, #tpu.memory_space<vmem>>) dst(%dma_wait3A_110 : memref<8x128xf32, #tpu.memory_space<vmem_shared>>)
          tpu.yield
        }) : () -> ()
        %scan3A_93 = arith.constant 0 : i32
        scf.yield %scan3A_93 : i32
      }
      %scan3A_86 = arith.constant 2 : i32
    } else {
    }
    %mul3A_16 = arith.constant 10000 : i32
    %mul3A_17 = arith.muli %add3A, %mul3A_16 : i32
    "tpu.region"() ({
      %run_scoped3A = tpu.sem_alloc : memref<!tpu.dma_semaphore, #tpu.memory_space<semaphore_mem>>
      %dma_start3A_80 = tpu.memref_slice %arg3[%mul3A_17] : memref<320000xi32, #tpu.memory_space<hbm>> -> memref<10000xi32, #tpu.memory_space<hbm>>
      %dma_start3A_81 = tpu.memref_slice %arg3[%mul3A_17] : memref<320000xi32, #tpu.memory_space<hbm>> -> memref<10000xi32, #tpu.memory_space<hbm>>
      tpu.enqueue_dma source(%dma_start3A_81 : memref<10000xi32, #tpu.memory_space<hbm>>) target(%arg6 : memref<10000xi32, #tpu.memory_space<vmem>>) target_semaphore(%run_scoped3A : memref<!tpu.dma_semaphore, #tpu.memory_space<semaphore_mem>>)
      %dma_wait3A_82 = tpu.memref_slice %arg3[%mul3A_17] : memref<320000xi32, #tpu.memory_space<hbm>> -> memref<10000xi32, #tpu.memory_space<hbm>>
      %dma_wait3A_83 = tpu.memref_slice %arg3[%mul3A_17] : memref<320000xi32, #tpu.memory_space<hbm>> -> memref<10000xi32, #tpu.memory_space<hbm>>
      tpu.wait_dma2 semaphore(%run_scoped3A : memref<!tpu.dma_semaphore, #tpu.memory_space<semaphore_mem>>) src(%dma_wait3A_83 : memref<10000xi32, #tpu.memory_space<hbm>>) dst(%arg6 : memref<10000xi32, #tpu.memory_space<vmem>>)
      tpu.yield
    }) : () -> ()
    %mul3A_18 = arith.constant 10000 : i32
    %mul3A_19 = arith.muli %add3A, %mul3A_18 : i32
    "tpu.region"() ({
      %run_scoped3A = tpu.sem_alloc : memref<!tpu.dma_semaphore, #tpu.memory_space<semaphore_mem>>
      %dma_start3A_80 = tpu.memref_slice %arg4[%mul3A_19] : memref<320000xi32, #tpu.memory_space<hbm>> -> memref<10000xi32, #tpu.memory_space<hbm>>
      %dma_start3A_81 = tpu.memref_slice %arg4[%mul3A_19] : memref<320000xi32, #tpu.memory_space<hbm>> -> memref<10000xi32, #tpu.memory_space<hbm>>
      tpu.enqueue_dma source(%dma_start3A_81 : memref<10000xi32, #tpu.memory_space<hbm>>) target(%arg7 : memref<10000xi32, #tpu.memory_space<vmem>>) target_semaphore(%run_scoped3A : memref<!tpu.dma_semaphore, #tpu.memory_space<semaphore_mem>>)
      %dma_wait3A_82 = tpu.memref_slice %arg4[%mul3A_19] : memref<320000xi32, #tpu.memory_space<hbm>> -> memref<10000xi32, #tpu.memory_space<hbm>>
      %dma_wait3A_83 = tpu.memref_slice %arg4[%mul3A_19] : memref<320000xi32, #tpu.memory_space<hbm>> -> memref<10000xi32, #tpu.memory_space<hbm>>
      tpu.wait_dma2 semaphore(%run_scoped3A : memref<!tpu.dma_semaphore, #tpu.memory_space<semaphore_mem>>) src(%dma_wait3A_83 : memref<10000xi32, #tpu.memory_space<hbm>>) dst(%arg7 : memref<10000xi32, #tpu.memory_space<vmem>>)
      tpu.yield
    }) : () -> ()
    %barrier3A = arith.constant 0 : index
    tpu.barrier barrier_id(%barrier3A)
    %dma_start3A = arith.constant 0 : i32
    %dma_start3A_20 = tpu.memref_slice %arg6[%dma_start3A] : memref<10000xi32, #tpu.memory_space<vmem>> -> memref<80xi32, #tpu.memory_space<vmem>>
    %dma_start3A_21 = arith.constant 0 : i32
    %dma_start3A_22 = arith.constant 0 : i32
    %dma_start3A_23 = tpu.memref_slice %arg2[%dma_start3A_21, %dma_start3A_22] : memref<10000x128xf32, #tpu.memory_space<hbm>> -> memref<10000x128xf32, #tpu.memory_space<hbm>>
    tpu.enqueue_indirect_dma source(%dma_start3A_23 : memref<10000x128xf32, #tpu.memory_space<hbm>>) target(%arg8 : memref<80x128xf32, #tpu.memory_space<vmem>>) offsets(%dma_start3A_20 : memref<80xi32, #tpu.memory_space<vmem>>) semaphore(%arg12 : memref<!tpu.dma_semaphore, #tpu.memory_space<semaphore_mem>>)
    %dma_start3A_24 = arith.constant 80 : i32
    %dma_start3A_25 = tpu.memref_slice %arg6[%dma_start3A_24] : memref<10000xi32, #tpu.memory_space<vmem>> -> memref<80xi32, #tpu.memory_space<vmem>>
    %dma_start3A_26 = arith.constant 0 : i32
    %dma_start3A_27 = arith.constant 0 : i32
    %dma_start3A_28 = tpu.memref_slice %arg2[%dma_start3A_26, %dma_start3A_27] : memref<10000x128xf32, #tpu.memory_space<hbm>> -> memref<10000x128xf32, #tpu.memory_space<hbm>>
    tpu.enqueue_indirect_dma source(%dma_start3A_28 : memref<10000x128xf32, #tpu.memory_space<hbm>>) target(%arg9 : memref<80x128xf32, #tpu.memory_space<vmem>>) offsets(%dma_start3A_25 : memref<80xi32, #tpu.memory_space<vmem>>) semaphore(%arg13 : memref<!tpu.dma_semaphore, #tpu.memory_space<semaphore_mem>>)
    %scan3A_29 = arith.constant 0 : i32
    %scan3A_30 = arith.constant 0 : i32
    %scan3A_31 = arith.constant 41 : i32
    %scan3A_32 = arith.addi %scan3A_30, %scan3A_31 : i32
    %scan3A_33 = arith.constant 1 : i32
    %scan3A_34 = scf.for %scan3A_80 = %scan3A_30 to %scan3A_32 step %scan3A_33 iter_args(%scan3A_81 = %scan3A_29) -> (i32)  : i32 {
      %mul3A_82 = arith.constant 3 : i32
      %mul3A_83 = arith.muli %mul3A_82, %scan3A_80 : i32
      %add3A_84 = arith.constant 2 : i32
      %add3A_85 = arith.addi %mul3A_83, %add3A_84 : i32
      %add3A_86 = arith.constant 0 : i32
      %add3A_87 = arith.addi %add3A_85, %add3A_86 : i32
      %ge3A = arith.constant 3 : i32
      %ge3A_88 = arith.cmpi sge, %add3A_87, %ge3A : i32
      %convert_element_type3A_89 = arith.extui %ge3A_88 : i1 to i32
      %cond3A_90 = arith.constant 0 : i32
      %cond3A_91 = arith.cmpi ne, %convert_element_type3A_89, %cond3A_90 : i32
      scf.if %cond3A_91 {
        %sub3A_180 = arith.constant 3 : i32
        %sub3A_181 = arith.subi %add3A_87, %sub3A_180 : i32
        %mul3A_182 = arith.constant 80 : i32
        %mul3A_183 = arith.muli %sub3A_181, %mul3A_182 : i32
        %dma_wait3A_184 = tpu.memref_slice %arg7[%mul3A_183] : memref<10000xi32, #tpu.memory_space<vmem>> -> memref<80xi32, #tpu.memory_space<vmem>>
        %dma_wait3A_185 = arith.constant 0 : i32
        %dma_wait3A_186 = arith.constant 0 : i32
        %dma_wait3A_187 = tpu.memref_slice %arg11[%dma_wait3A_185, %dma_wait3A_186] : memref<10000x128xf32, #tpu.memory_space<vmem_shared>> -> memref<10000x128xf32, #tpu.memory_space<vmem_shared>>
        tpu.wait_indirect_dma semaphore(%arg17 : memref<!tpu.dma_semaphore, #tpu.memory_space<semaphore_mem>>) src(%arg10 : memref<80x128xf32, #tpu.memory_space<vmem>>) dst(%dma_wait3A_187 : memref<10000x128xf32, #tpu.memory_space<vmem_shared>>)
      } else {
      }
      %mul3A_92 = arith.constant 80 : i32
      %mul3A_93 = arith.muli %add3A_87, %mul3A_92 : i32
      %dma_start3A_94 = tpu.memref_slice %arg6[%mul3A_93] : memref<10000xi32, #tpu.memory_space<vmem>> -> memref<80xi32, #tpu.memory_space<vmem>>
      %dma_start3A_95 = arith.constant 0 : i32
      %dma_start3A_96 = arith.constant 0 : i32
      %dma_start3A_97 = tpu.memref_slice %arg2[%dma_start3A_95, %dma_start3A_96] : memref<10000x128xf32, #tpu.memory_space<hbm>> -> memref<10000x128xf32, #tpu.memory_space<hbm>>
      tpu.enqueue_indirect_dma source(%dma_start3A_97 : memref<10000x128xf32, #tpu.memory_space<hbm>>) target(%arg10 : memref<80x128xf32, #tpu.memory_space<vmem>>) offsets(%dma_start3A_94 : memref<80xi32, #tpu.memory_space<vmem>>) semaphore(%arg14 : memref<!tpu.dma_semaphore, #tpu.memory_space<semaphore_mem>>)
      %sub3A = arith.constant 2 : i32
      %sub3A_98 = arith.subi %add3A_87, %sub3A : i32
      %mul3A_99 = arith.constant 80 : i32
      %mul3A_100 = arith.muli %sub3A_98, %mul3A_99 : i32
      %dma_wait3A_101 = tpu.memref_slice %arg6[%mul3A_100] : memref<10000xi32, #tpu.memory_space<vmem>> -> memref<80xi32, #tpu.memory_space<vmem>>
      %dma_wait3A_102 = arith.constant 0 : i32
      %dma_wait3A_103 = arith.constant 0 : i32
      %dma_wait3A_104 = tpu.memref_slice %arg2[%dma_wait3A_102, %dma_wait3A_103] : memref<10000x128xf32, #tpu.memory_space<hbm>> -> memref<10000x128xf32, #tpu.memory_space<hbm>>
      tpu.wait_indirect_dma semaphore(%arg12 : memref<!tpu.dma_semaphore, #tpu.memory_space<semaphore_mem>>) src(%dma_wait3A_104 : memref<10000x128xf32, #tpu.memory_space<hbm>>) dst(%arg8 : memref<80x128xf32, #tpu.memory_space<vmem>>)
      %sub3A_105 = arith.constant 2 : i32
      %sub3A_106 = arith.subi %add3A_87, %sub3A_105 : i32
      %mul3A_107 = arith.constant 80 : i32
      %mul3A_108 = arith.muli %sub3A_106, %mul3A_107 : i32
      %dma_start3A_109 = tpu.memref_slice %arg7[%mul3A_108] : memref<10000xi32, #tpu.memory_space<vmem>> -> memref<80xi32, #tpu.memory_space<vmem>>
      %dma_start3A_110 = arith.constant 0 : i32
      %dma_start3A_111 = arith.constant 0 : i32
      %dma_start3A_112 = tpu.memref_slice %arg11[%dma_start3A_110, %dma_start3A_111] : memref<10000x128xf32, #tpu.memory_space<vmem_shared>> -> memref<10000x128xf32, #tpu.memory_space<vmem_shared>>
      tpu.enqueue_indirect_dma source(%arg8 : memref<80x128xf32, #tpu.memory_space<vmem>>) target(%dma_start3A_112 : memref<10000x128xf32, #tpu.memory_space<vmem_shared>>) offsets(%dma_start3A_109 : memref<80xi32, #tpu.memory_space<vmem>>) semaphore(%arg15 : memref<!tpu.dma_semaphore, #tpu.memory_space<semaphore_mem>>) {add = true}
      %mul3A_113 = arith.constant 3 : i32
      %mul3A_114 = arith.muli %mul3A_113, %scan3A_80 : i32
      %add3A_115 = arith.constant 2 : i32
      %add3A_116 = arith.addi %mul3A_114, %add3A_115 : i32
      %add3A_117 = arith.constant 1 : i32
      %add3A_118 = arith.addi %add3A_116, %add3A_117 : i32
      %ge3A_119 = arith.constant 3 : i32
      %ge3A_120 = arith.cmpi sge, %add3A_118, %ge3A_119 : i32
      %convert_element_type3A_121 = arith.extui %ge3A_120 : i1 to i32
      %cond3A_122 = arith.constant 0 : i32
      %cond3A_123 = arith.cmpi ne, %convert_element_type3A_121, %cond3A_122 : i32
      scf.if %cond3A_123 {
        %sub3A_180 = arith.constant 3 : i32
        %sub3A_181 = arith.subi %add3A_118, %sub3A_180 : i32
        %mul3A_182 = arith.constant 80 : i32
        %mul3A_183 = arith.muli %sub3A_181, %mul3A_182 : i32
        %dma_wait3A_184 = tpu.memref_slice %arg7[%mul3A_183] : memref<10000xi32, #tpu.memory_space<vmem>> -> memref<80xi32, #tpu.memory_space<vmem>>
        %dma_wait3A_185 = arith.constant 0 : i32
        %dma_wait3A_186 = arith.constant 0 : i32
        %dma_wait3A_187 = tpu.memref_slice %arg11[%dma_wait3A_185, %dma_wait3A_186] : memref<10000x128xf32, #tpu.memory_space<vmem_shared>> -> memref<10000x128xf32, #tpu.memory_space<vmem_shared>>
        tpu.wait_indirect_dma semaphore(%arg15 : memref<!tpu.dma_semaphore, #tpu.memory_space<semaphore_mem>>) src(%arg8 : memref<80x128xf32, #tpu.memory_space<vmem>>) dst(%dma_wait3A_187 : memref<10000x128xf32, #tpu.memory_space<vmem_shared>>)
      } else {
      }
      %mul3A_124 = arith.constant 80 : i32
      %mul3A_125 = arith.muli %add3A_118, %mul3A_124 : i32
      %dma_start3A_126 = tpu.memref_slice %arg6[%mul3A_125] : memref<10000xi32, #tpu.memory_space<vmem>> -> memref<80xi32, #tpu.memory_space<vmem>>
      %dma_start3A_127 = arith.constant 0 : i32
      %dma_start3A_128 = arith.constant 0 : i32
      %dma_start3A_129 = tpu.memref_slice %arg2[%dma_start3A_127, %dma_start3A_128] : memref<10000x128xf32, #tpu.memory_space<hbm>> -> memref<10000x128xf32, #tpu.memory_space<hbm>>
      tpu.enqueue_indirect_dma source(%dma_start3A_129 : memref<10000x128xf32, #tpu.memory_space<hbm>>) target(%arg8 : memref<80x128xf32, #tpu.memory_space<vmem>>) offsets(%dma_start3A_126 : memref<80xi32, #tpu.memory_space<vmem>>) semaphore(%arg12 : memref<!tpu.dma_semaphore, #tpu.memory_space<semaphore_mem>>)
      %sub3A_130 = arith.constant 2 : i32
      %sub3A_131 = arith.subi %add3A_118, %sub3A_130 : i32
      %mul3A_132 = arith.constant 80 : i32
      %mul3A_133 = arith.muli %sub3A_131, %mul3A_132 : i32
      %dma_wait3A_134 = tpu.memref_slice %arg6[%mul3A_133] : memref<10000xi32, #tpu.memory_space<vmem>> -> memref<80xi32, #tpu.memory_space<vmem>>
      %dma_wait3A_135 = arith.constant 0 : i32
      %dma_wait3A_136 = arith.constant 0 : i32
      %dma_wait3A_137 = tpu.memref_slice %arg2[%dma_wait3A_135, %dma_wait3A_136] : memref<10000x128xf32, #tpu.memory_space<hbm>> -> memref<10000x128xf32, #tpu.memory_space<hbm>>
      tpu.wait_indirect_dma semaphore(%arg13 : memref<!tpu.dma_semaphore, #tpu.memory_space<semaphore_mem>>) src(%dma_wait3A_137 : memref<10000x128xf32, #tpu.memory_space<hbm>>) dst(%arg9 : memref<80x128xf32, #tpu.memory_space<vmem>>)
      %sub3A_138 = arith.constant 2 : i32
      %sub3A_139 = arith.subi %add3A_118, %sub3A_138 : i32
      %mul3A_140 = arith.constant 80 : i32
      %mul3A_141 = arith.muli %sub3A_139, %mul3A_140 : i32
      %dma_start3A_142 = tpu.memref_slice %arg7[%mul3A_141] : memref<10000xi32, #tpu.memory_space<vmem>> -> memref<80xi32, #tpu.memory_space<vmem>>
      %dma_start3A_143 = arith.constant 0 : i32
      %dma_start3A_144 = arith.constant 0 : i32
      %dma_start3A_145 = tpu.memref_slice %arg11[%dma_start3A_143, %dma_start3A_144] : memref<10000x128xf32, #tpu.memory_space<vmem_shared>> -> memref<10000x128xf32, #tpu.memory_space<vmem_shared>>
      tpu.enqueue_indirect_dma source(%arg9 : memref<80x128xf32, #tpu.memory_space<vmem>>) target(%dma_start3A_145 : memref<10000x128xf32, #tpu.memory_space<vmem_shared>>) offsets(%dma_start3A_142 : memref<80xi32, #tpu.memory_space<vmem>>) semaphore(%arg16 : memref<!tpu.dma_semaphore, #tpu.memory_space<semaphore_mem>>) {add = true}
      %mul3A_146 = arith.constant 3 : i32
      %mul3A_147 = arith.muli %mul3A_146, %scan3A_80 : i32
      %add3A_148 = arith.constant 2 : i32
      %add3A_149 = arith.addi %mul3A_147, %add3A_148 : i32
      %add3A_150 = arith.constant 2 : i32
      %add3A_151 = arith.addi %add3A_149, %add3A_150 : i32
      %ge3A_152 = arith.constant 3 : i32
      %ge3A_153 = arith.cmpi sge, %add3A_151, %ge3A_152 : i32
      %convert_element_type3A_154 = arith.extui %ge3A_153 : i1 to i32
      %cond3A_155 = arith.constant 0 : i32
      %cond3A_156 = arith.cmpi ne, %convert_element_type3A_154, %cond3A_155 : i32
      scf.if %cond3A_156 {
        %sub3A_180 = arith.constant 3 : i32
        %sub3A_181 = arith.subi %add3A_151, %sub3A_180 : i32
        %mul3A_182 = arith.constant 80 : i32
        %mul3A_183 = arith.muli %sub3A_181, %mul3A_182 : i32
        %dma_wait3A_184 = tpu.memref_slice %arg7[%mul3A_183] : memref<10000xi32, #tpu.memory_space<vmem>> -> memref<80xi32, #tpu.memory_space<vmem>>
        %dma_wait3A_185 = arith.constant 0 : i32
        %dma_wait3A_186 = arith.constant 0 : i32
        %dma_wait3A_187 = tpu.memref_slice %arg11[%dma_wait3A_185, %dma_wait3A_186] : memref<10000x128xf32, #tpu.memory_space<vmem_shared>> -> memref<10000x128xf32, #tpu.memory_space<vmem_shared>>
        tpu.wait_indirect_dma semaphore(%arg16 : memref<!tpu.dma_semaphore, #tpu.memory_space<semaphore_mem>>) src(%arg9 : memref<80x128xf32, #tpu.memory_space<vmem>>) dst(%dma_wait3A_187 : memref<10000x128xf32, #tpu.memory_space<vmem_shared>>)
      } else {
      }
      %mul3A_157 = arith.constant 80 : i32
      %mul3A_158 = arith.muli %add3A_151, %mul3A_157 : i32
      %dma_start3A_159 = tpu.memref_slice %arg6[%mul3A_158] : memref<10000xi32, #tpu.memory_space<vmem>> -> memref<80xi32, #tpu.memory_space<vmem>>
      %dma_start3A_160 = arith.constant 0 : i32
      %dma_start3A_161 = arith.constant 0 : i32
      %dma_start3A_162 = tpu.memref_slice %arg2[%dma_start3A_160, %dma_start3A_161] : memref<10000x128xf32, #tpu.memory_space<hbm>> -> memref<10000x128xf32, #tpu.memory_space<hbm>>
      tpu.enqueue_indirect_dma source(%dma_start3A_162 : memref<10000x128xf32, #tpu.memory_space<hbm>>) target(%arg9 : memref<80x128xf32, #tpu.memory_space<vmem>>) offsets(%dma_start3A_159 : memref<80xi32, #tpu.memory_space<vmem>>) semaphore(%arg13 : memref<!tpu.dma_semaphore, #tpu.memory_space<semaphore_mem>>)
      %sub3A_163 = arith.constant 2 : i32
      %sub3A_164 = arith.subi %add3A_151, %sub3A_163 : i32
      %mul3A_165 = arith.constant 80 : i32
      %mul3A_166 = arith.muli %sub3A_164, %mul3A_165 : i32
      %dma_wait3A_167 = tpu.memref_slice %arg6[%mul3A_166] : memref<10000xi32, #tpu.memory_space<vmem>> -> memref<80xi32, #tpu.memory_space<vmem>>
      %dma_wait3A_168 = arith.constant 0 : i32
      %dma_wait3A_169 = arith.constant 0 : i32
      %dma_wait3A_170 = tpu.memref_slice %arg2[%dma_wait3A_168, %dma_wait3A_169] : memref<10000x128xf32, #tpu.memory_space<hbm>> -> memref<10000x128xf32, #tpu.memory_space<hbm>>
      tpu.wait_indirect_dma semaphore(%arg14 : memref<!tpu.dma_semaphore, #tpu.memory_space<semaphore_mem>>) src(%dma_wait3A_170 : memref<10000x128xf32, #tpu.memory_space<hbm>>) dst(%arg10 : memref<80x128xf32, #tpu.memory_space<vmem>>)
      %sub3A_171 = arith.constant 2 : i32
      %sub3A_172 = arith.subi %add3A_151, %sub3A_171 : i32
      %mul3A_173 = arith.constant 80 : i32
      %mul3A_174 = arith.muli %sub3A_172, %mul3A_173 : i32
      %dma_start3A_175 = tpu.memref_slice %arg7[%mul3A_174] : memref<10000xi32, #tpu.memory_space<vmem>> -> memref<80xi32, #tpu.memory_space<vmem>>
      %dma_start3A_176 = arith.constant 0 : i32
      %dma_start3A_177 = arith.constant 0 : i32
      %dma_start3A_178 = tpu.memref_slice %arg11[%dma_start3A_176, %dma_start3A_177] : memref<10000x128xf32, #tpu.memory_space<vmem_shared>> -> memref<10000x128xf32, #tpu.memory_space<vmem_shared>>
      tpu.enqueue_indirect_dma source(%arg10 : memref<80x128xf32, #tpu.memory_space<vmem>>) target(%dma_start3A_178 : memref<10000x128xf32, #tpu.memory_space<vmem_shared>>) offsets(%dma_start3A_175 : memref<80xi32, #tpu.memory_space<vmem>>) semaphore(%arg17 : memref<!tpu.dma_semaphore, #tpu.memory_space<semaphore_mem>>) {add = true}
      %scan3A_179 = arith.constant 0 : i32
      scf.yield %scan3A_179 : i32
    }
    %scan3A_35 = arith.constant 41 : i32
    %dma_wait3A = arith.constant 9840 : i32
    %dma_wait3A_36 = tpu.memref_slice %arg6[%dma_wait3A] : memref<10000xi32, #tpu.memory_space<vmem>> -> memref<80xi32, #tpu.memory_space<vmem>>
    %dma_wait3A_37 = arith.constant 0 : i32
    %dma_wait3A_38 = arith.constant 0 : i32
    %dma_wait3A_39 = tpu.memref_slice %arg2[%dma_wait3A_37, %dma_wait3A_38] : memref<10000x128xf32, #tpu.memory_space<hbm>> -> memref<10000x128xf32, #tpu.memory_space<hbm>>
    tpu.wait_indirect_dma semaphore(%arg12 : memref<!tpu.dma_semaphore, #tpu.memory_space<semaphore_mem>>) src(%dma_wait3A_39 : memref<10000x128xf32, #tpu.memory_space<hbm>>) dst(%arg8 : memref<80x128xf32, #tpu.memory_space<vmem>>)
    %dma_start3A_40 = arith.constant 9840 : i32
    %dma_start3A_41 = tpu.memref_slice %arg7[%dma_start3A_40] : memref<10000xi32, #tpu.memory_space<vmem>> -> memref<80xi32, #tpu.memory_space<vmem>>
    %dma_start3A_42 = arith.constant 0 : i32
    %dma_start3A_43 = arith.constant 0 : i32
    %dma_start3A_44 = tpu.memref_slice %arg11[%dma_start3A_42, %dma_start3A_43] : memref<10000x128xf32, #tpu.memory_space<vmem_shared>> -> memref<10000x128xf32, #tpu.memory_space<vmem_shared>>
    tpu.enqueue_indirect_dma source(%arg8 : memref<80x128xf32, #tpu.memory_space<vmem>>) target(%dma_start3A_44 : memref<10000x128xf32, #tpu.memory_space<vmem_shared>>) offsets(%dma_start3A_41 : memref<80xi32, #tpu.memory_space<vmem>>) semaphore(%arg15 : memref<!tpu.dma_semaphore, #tpu.memory_space<semaphore_mem>>) {add = true}
    %dma_wait3A_45 = arith.constant 9920 : i32
    %dma_wait3A_46 = tpu.memref_slice %arg6[%dma_wait3A_45] : memref<10000xi32, #tpu.memory_space<vmem>> -> memref<80xi32, #tpu.memory_space<vmem>>
    %dma_wait3A_47 = arith.constant 0 : i32
    %dma_wait3A_48 = arith.constant 0 : i32
    %dma_wait3A_49 = tpu.memref_slice %arg2[%dma_wait3A_47, %dma_wait3A_48] : memref<10000x128xf32, #tpu.memory_space<hbm>> -> memref<10000x128xf32, #tpu.memory_space<hbm>>
    tpu.wait_indirect_dma semaphore(%arg13 : memref<!tpu.dma_semaphore, #tpu.memory_space<semaphore_mem>>) src(%dma_wait3A_49 : memref<10000x128xf32, #tpu.memory_space<hbm>>) dst(%arg9 : memref<80x128xf32, #tpu.memory_space<vmem>>)
    %dma_start3A_50 = arith.constant 9920 : i32
    %dma_start3A_51 = tpu.memref_slice %arg7[%dma_start3A_50] : memref<10000xi32, #tpu.memory_space<vmem>> -> memref<80xi32, #tpu.memory_space<vmem>>
    %dma_start3A_52 = arith.constant 0 : i32
    %dma_start3A_53 = arith.constant 0 : i32
    %dma_start3A_54 = tpu.memref_slice %arg11[%dma_start3A_52, %dma_start3A_53] : memref<10000x128xf32, #tpu.memory_space<vmem_shared>> -> memref<10000x128xf32, #tpu.memory_space<vmem_shared>>
    tpu.enqueue_indirect_dma source(%arg9 : memref<80x128xf32, #tpu.memory_space<vmem>>) target(%dma_start3A_54 : memref<10000x128xf32, #tpu.memory_space<vmem_shared>>) offsets(%dma_start3A_51 : memref<80xi32, #tpu.memory_space<vmem>>) semaphore(%arg16 : memref<!tpu.dma_semaphore, #tpu.memory_space<semaphore_mem>>) {add = true}
    %dma_wait3A_55 = arith.constant 9760 : i32
    %dma_wait3A_56 = tpu.memref_slice %arg7[%dma_wait3A_55] : memref<10000xi32, #tpu.memory_space<vmem>> -> memref<80xi32, #tpu.memory_space<vmem>>
    %dma_wait3A_57 = arith.constant 0 : i32
    %dma_wait3A_58 = arith.constant 0 : i32
    %dma_wait3A_59 = tpu.memref_slice %arg11[%dma_wait3A_57, %dma_wait3A_58] : memref<10000x128xf32, #tpu.memory_space<vmem_shared>> -> memref<10000x128xf32, #tpu.memory_space<vmem_shared>>
    tpu.wait_indirect_dma semaphore(%arg17 : memref<!tpu.dma_semaphore, #tpu.memory_space<semaphore_mem>>) src(%arg10 : memref<80x128xf32, #tpu.memory_space<vmem>>) dst(%dma_wait3A_59 : memref<10000x128xf32, #tpu.memory_space<vmem_shared>>)
    %dma_wait3A_60 = arith.constant 9840 : i32
    %dma_wait3A_61 = tpu.memref_slice %arg7[%dma_wait3A_60] : memref<10000xi32, #tpu.memory_space<vmem>> -> memref<80xi32, #tpu.memory_space<vmem>>
    %dma_wait3A_62 = arith.constant 0 : i32
    %dma_wait3A_63 = arith.constant 0 : i32
    %dma_wait3A_64 = tpu.memref_slice %arg11[%dma_wait3A_62, %dma_wait3A_63] : memref<10000x128xf32, #tpu.memory_space<vmem_shared>> -> memref<10000x128xf32, #tpu.memory_space<vmem_shared>>
    tpu.wait_indirect_dma semaphore(%arg15 : memref<!tpu.dma_semaphore, #tpu.memory_space<semaphore_mem>>) src(%arg8 : memref<80x128xf32, #tpu.memory_space<vmem>>) dst(%dma_wait3A_64 : memref<10000x128xf32, #tpu.memory_space<vmem_shared>>)
    %dma_wait3A_65 = arith.constant 9920 : i32
    %dma_wait3A_66 = tpu.memref_slice %arg7[%dma_wait3A_65] : memref<10000xi32, #tpu.memory_space<vmem>> -> memref<80xi32, #tpu.memory_space<vmem>>
    %dma_wait3A_67 = arith.constant 0 : i32
    %dma_wait3A_68 = arith.constant 0 : i32
    %dma_wait3A_69 = tpu.memref_slice %arg11[%dma_wait3A_67, %dma_wait3A_68] : memref<10000x128xf32, #tpu.memory_space<vmem_shared>> -> memref<10000x128xf32, #tpu.memory_space<vmem_shared>>
    tpu.wait_indirect_dma semaphore(%arg16 : memref<!tpu.dma_semaphore, #tpu.memory_space<semaphore_mem>>) src(%arg9 : memref<80x128xf32, #tpu.memory_space<vmem>>) dst(%dma_wait3A_69 : memref<10000x128xf32, #tpu.memory_space<vmem_shared>>)
    %barrier3A_70 = arith.constant 0 : index
    tpu.barrier barrier_id(%barrier3A_70)
    %mul3A_71 = arith.constant 624 : i32
    %mul3A_72 = arith.muli %arg1, %mul3A_71 : i32
    %mul3A_73 = arith.constant 624 : i32
    %mul3A_74 = arith.muli %arg1, %mul3A_73 : i32
    "tpu.region"() ({
      %run_scoped3A = tpu.sem_alloc : memref<!tpu.dma_semaphore, #tpu.memory_space<semaphore_mem>>
      %dma_start3A_80 = arith.constant 0 : i32
      %dma_start3A_81 = tpu.memref_slice %arg5[%arg0, %mul3A_74, %dma_start3A_80] : memref<2x10000x128xf32, #tpu.memory_space<hbm>> -> memref<1x624x128xf32, #tpu.memory_space<hbm>>
      %dma_start3A_82 = tpu.memref_squeeze %dma_start3A_81 : memref<1x624x128xf32, #tpu.memory_space<hbm>> -> memref<624x128xf32, #tpu.memory_space<hbm>>
      %dma_start3A_83 = arith.constant 0 : i32
      %dma_start3A_84 = tpu.memref_slice %arg11[%mul3A_72, %dma_start3A_83] : memref<10000x128xf32, #tpu.memory_space<vmem_shared>> -> memref<624x128xf32, #tpu.memory_space<vmem_shared>>
      tpu.enqueue_dma source(%dma_start3A_84 : memref<624x128xf32, #tpu.memory_space<vmem_shared>>) target(%dma_start3A_82 : memref<624x128xf32, #tpu.memory_space<hbm>>) target_semaphore(%run_scoped3A : memref<!tpu.dma_semaphore, #tpu.memory_space<semaphore_mem>>)
      %dma_wait3A_85 = arith.constant 0 : i32
      %dma_wait3A_86 = tpu.memref_slice %arg5[%arg0, %mul3A_74, %dma_wait3A_85] : memref<2x10000x128xf32, #tpu.memory_space<hbm>> -> memref<1x624x128xf32, #tpu.memory_space<hbm>>
      %dma_wait3A_87 = tpu.memref_squeeze %dma_wait3A_86 : memref<1x624x128xf32, #tpu.memory_space<hbm>> -> memref<624x128xf32, #tpu.memory_space<hbm>>
      %dma_wait3A_88 = arith.constant 0 : i32
      %dma_wait3A_89 = tpu.memref_slice %arg11[%mul3A_72, %dma_wait3A_88] : memref<10000x128xf32, #tpu.memory_space<vmem_shared>> -> memref<624x128xf32, #tpu.memory_space<vmem_shared>>
      tpu.wait_dma2 semaphore(%run_scoped3A : memref<!tpu.dma_semaphore, #tpu.memory_space<semaphore_mem>>) src(%dma_wait3A_89 : memref<624x128xf32, #tpu.memory_space<vmem_shared>>) dst(%dma_wait3A_87 : memref<624x128xf32, #tpu.memory_space<hbm>>)
      tpu.yield
    }) : () -> ()
    %eq3A_75 = arith.constant 0 : i32
    %eq3A_76 = arith.cmpi eq, %arg1, %eq3A_75 : i32
    %convert_element_type3A_77 = arith.extui %eq3A_76 : i1 to i32
    %cond3A_78 = arith.constant 0 : i32
    %cond3A_79 = arith.cmpi ne, %convert_element_type3A_77, %cond3A_78 : i32
    scf.if %cond3A_79 {
      "tpu.region"() ({
        %run_scoped3A = tpu.sem_alloc : memref<!tpu.dma_semaphore, #tpu.memory_space<semaphore_mem>>
        %dma_start3A_80 = arith.constant 9984 : i32
        %dma_start3A_81 = arith.constant 0 : i32
        %dma_start3A_82 = tpu.memref_slice %arg5[%arg0, %dma_start3A_80, %dma_start3A_81] : memref<2x10000x128xf32, #tpu.memory_space<hbm>> -> memref<1x16x128xf32, #tpu.memory_space<hbm>>
        %dma_start3A_83 = tpu.memref_squeeze %dma_start3A_82 : memref<1x16x128xf32, #tpu.memory_space<hbm>> -> memref<16x128xf32, #tpu.memory_space<hbm>>
        %dma_start3A_84 = arith.constant 9984 : i32
        %dma_start3A_85 = arith.constant 0 : i32
        %dma_start3A_86 = tpu.memref_slice %arg11[%dma_start3A_84, %dma_start3A_85] : memref<10000x128xf32, #tpu.memory_space<vmem_shared>> -> memref<16x128xf32, #tpu.memory_space<vmem_shared>>
        tpu.enqueue_dma source(%dma_start3A_86 : memref<16x128xf32, #tpu.memory_space<vmem_shared>>) target(%dma_start3A_83 : memref<16x128xf32, #tpu.memory_space<hbm>>) target_semaphore(%run_scoped3A : memref<!tpu.dma_semaphore, #tpu.memory_space<semaphore_mem>>)
        %dma_wait3A_87 = arith.constant 9984 : i32
        %dma_wait3A_88 = arith.constant 0 : i32
        %dma_wait3A_89 = tpu.memref_slice %arg5[%arg0, %dma_wait3A_87, %dma_wait3A_88] : memref<2x10000x128xf32, #tpu.memory_space<hbm>> -> memref<1x16x128xf32, #tpu.memory_space<hbm>>
        %dma_wait3A_90 = tpu.memref_squeeze %dma_wait3A_89 : memref<1x16x128xf32, #tpu.memory_space<hbm>> -> memref<16x128xf32, #tpu.memory_space<hbm>>
        %dma_wait3A_91 = arith.constant 9984 : i32
        %dma_wait3A_92 = arith.constant 0 : i32
        %dma_wait3A_93 = tpu.memref_slice %arg11[%dma_wait3A_91, %dma_wait3A_92] : memref<10000x128xf32, #tpu.memory_space<vmem_shared>> -> memref<16x128xf32, #tpu.memory_space<vmem_shared>>
        tpu.wait_dma2 semaphore(%run_scoped3A : memref<!tpu.dma_semaphore, #tpu.memory_space<semaphore_mem>>) src(%dma_wait3A_93 : memref<16x128xf32, #tpu.memory_space<vmem_shared>>) dst(%dma_wait3A_90 : memref<16x128xf32, #tpu.memory_space<hbm>>)
        tpu.yield
      }) : () -> ()
    } else {
    }
    return
  }
}

#map = affine_map<(d0, d1) -> (0, 0)>
#map1 = affine_map<(d0, d1) -> (0)>
#map2 = affine_map<(d0, d1) -> (0, 0, 0)>
module attributes {stable_mosaic.version = 14 : i64} {
  func.func @_sc_agg(%arg0: i32, %arg1: i32, %arg2: memref<10000x128xf32, #tpu.memory_space<hbm>>, %arg3: memref<320000xi32, #tpu.memory_space<hbm>>, %arg4: memref<320000xi32, #tpu.memory_space<hbm>>, %arg5: memref<2x10000x128xf32, #tpu.memory_space<hbm>>, %arg6: memref<10000xi32, #tpu.memory_space<vmem>>, %arg7: memref<10000xi32, #tpu.memory_space<vmem>>, %arg8: memref<80x128xf32, #tpu.memory_space<vmem>>, %arg9: memref<80x128xf32, #tpu.memory_space<vmem>>, %arg10: memref<80x128xf32, #tpu.memory_space<vmem>>, %arg11: memref<10000x128xf32, #tpu.memory_space<vmem_shared>>, %arg12: memref<!tpu.dma_semaphore, #tpu.memory_space<semaphore_mem>>, %arg13: memref<!tpu.dma_semaphore, #tpu.memory_space<semaphore_mem>>, %arg14: memref<!tpu.dma_semaphore, #tpu.memory_space<semaphore_mem>>, %arg15: memref<!tpu.dma_semaphore, #tpu.memory_space<semaphore_mem>>, %arg16: memref<!tpu.dma_semaphore, #tpu.memory_space<semaphore_mem>>, %arg17: memref<!tpu.dma_semaphore, #tpu.memory_space<semaphore_mem>>) attributes {dimension_semantics = [#tpu.dimension_semantics<core_parallel>, #tpu.dimension_semantics<subcore_parallel>], iteration_bounds = array<i64: 2, 16>, scalar_prefetch = 0 : i64, scratch_operands = 12 : i64, tpu.core_type = #tpu.core_type<sc_vector_subcore>, window_params = [{transform_indices = #map}, {transform_indices = #map1}, {transform_indices = #map1}, {transform_indices = #map2}]} {
    %mul3A = arith.constant 16 : i32
    %mul3A_0 = arith.muli %arg0, %mul3A : i32
    %add3A = arith.addi %mul3A_0, %arg1 : i32
    %scan3A = arith.constant 0 : i32
    %scan3A_1 = arith.constant 0 : i32
    %scan3A_2 = arith.constant 8 : i32
    %scan3A_3 = arith.addi %scan3A_1, %scan3A_2 : i32
    %scan3A_4 = arith.constant 1 : i32
    %scan3A_5 = scf.for %scan3A_80 = %scan3A_1 to %scan3A_3 step %scan3A_4 iter_args(%scan3A_81 = %scan3A) -> (i32)  : i32 {
      %scan3A_82 = arith.constant 0 : i32
      %scan3A_83 = arith.constant 0 : i32
      %scan3A_84 = arith.constant 8 : i32
      %scan3A_85 = arith.addi %scan3A_83, %scan3A_84 : i32
      %scan3A_86 = arith.constant 1 : i32
      %scan3A_87 = scf.for %scan3A_89 = %scan3A_83 to %scan3A_85 step %scan3A_86 iter_args(%scan3A_90 = %scan3A_82) -> (i32)  : i32 {
        %broadcast_in_dim3A = arith.constant 0.000000e+00 : f32
        %broadcast_in_dim3A_91 = vector.broadcast %broadcast_in_dim3A : f32 to vector<16xf32>
        %mul3A_92 = arith.constant 16 : i32
        %mul3A_93 = arith.muli %scan3A_89, %mul3A_92 : i32
        %swap3A = arith.index_cast %scan3A_80 : i32 to index
        %swap3A_94 = arith.index_cast %mul3A_93 : i32 to index
        %swap3A_95 = tpu.vector_load %arg8[%swap3A, %swap3A_94] {strides = array<i32>} : memref<80x128xf32, #tpu.memory_space<vmem>>, vector<1x16xf32>,
        %swap3A_96 = vector.shape_cast %swap3A_95 : vector<1x16xf32> to vector<16xf32>
        %swap3A_97 = vector.shape_cast %broadcast_in_dim3A_91 : vector<16xf32> to vector<1x16xf32>
        tpu.vector_store %arg8[%swap3A, %swap3A_94], %swap3A_97 {strides = array<i32>} : memref<80x128xf32, #tpu.memory_space<vmem>>, vector<1x16xf32>,
        %scan3A_98 = arith.constant 0 : i32
        scf.yield %scan3A_98 : i32
      }
      %scan3A_88 = arith.constant 8 : i32
      scf.yield %scan3A_87 : i32
    }
    %scan3A_6 = arith.constant 8 : i32
    %scan3A_7 = arith.constant 0 : i32
    %scan3A_8 = arith.constant 0 : i32
    %scan3A_9 = arith.constant 78 : i32
    %scan3A_10 = arith.addi %scan3A_8, %scan3A_9 : i32
    %scan3A_11 = arith.constant 1 : i32
    %scan3A_12 = scf.for %scan3A_80 = %scan3A_8 to %scan3A_10 step %scan3A_11 iter_args(%scan3A_81 = %scan3A_7) -> (i32)  : i32 {
      %mul3A_82 = arith.constant 624 : i32
      %mul3A_83 = arith.muli %arg1, %mul3A_82 : i32
      %mul3A_84 = arith.constant 8 : i32
      %mul3A_85 = arith.muli %scan3A_80, %mul3A_84 : i32
      %add3A_86 = arith.addi %mul3A_83, %mul3A_85 : i32
      "tpu.region"() ({
        %run_scoped3A = tpu.sem_alloc : memref<!tpu.dma_semaphore, #tpu.memory_space<semaphore_mem>>
        %dma_start3A_88 = arith.constant 0 : i32
        %dma_start3A_89 = arith.constant 0 : i32
        %dma_start3A_90 = tpu.memref_slice %arg8[%dma_start3A_88, %dma_start3A_89] : memref<80x128xf32, #tpu.memory_space<vmem>> -> memref<8x128xf32, #tpu.memory_space<vmem>>
        %dma_start3A_91 = arith.constant 0 : i32
        %dma_start3A_92 = tpu.memref_slice %arg11[%add3A_86, %dma_start3A_91] : memref<10000x128xf32, #tpu.memory_space<vmem_shared>> -> memref<8x128xf32, #tpu.memory_space<vmem_shared>>
        %dma_start3A_93 = arith.constant 0 : i32
        %dma_start3A_94 = tpu.memref_slice %arg11[%add3A_86, %dma_start3A_93] : memref<10000x128xf32, #tpu.memory_space<vmem_shared>> -> memref<8x128xf32, #tpu.memory_space<vmem_shared>>
        %dma_start3A_95 = arith.constant 0 : i32
        %dma_start3A_96 = arith.constant 0 : i32
        %dma_start3A_97 = tpu.memref_slice %arg8[%dma_start3A_95, %dma_start3A_96] : memref<80x128xf32, #tpu.memory_space<vmem>> -> memref<8x128xf32, #tpu.memory_space<vmem>>
        tpu.enqueue_dma source(%dma_start3A_97 : memref<8x128xf32, #tpu.memory_space<vmem>>) target(%dma_start3A_94 : memref<8x128xf32, #tpu.memory_space<vmem_shared>>) target_semaphore(%run_scoped3A : memref<!tpu.dma_semaphore, #tpu.memory_space<semaphore_mem>>)
        %dma_wait3A_98 = arith.constant 0 : i32
        %dma_wait3A_99 = arith.constant 0 : i32
        %dma_wait3A_100 = tpu.memref_slice %arg8[%dma_wait3A_98, %dma_wait3A_99] : memref<80x128xf32, #tpu.memory_space<vmem>> -> memref<8x128xf32, #tpu.memory_space<vmem>>
        %dma_wait3A_101 = arith.constant 0 : i32
        %dma_wait3A_102 = tpu.memref_slice %arg11[%add3A_86, %dma_wait3A_101] : memref<10000x128xf32, #tpu.memory_space<vmem_shared>> -> memref<8x128xf32, #tpu.memory_space<vmem_shared>>
        %dma_wait3A_103 = arith.constant 0 : i32
        %dma_wait3A_104 = tpu.memref_slice %arg11[%add3A_86, %dma_wait3A_103] : memref<10000x128xf32, #tpu.memory_space<vmem_shared>> -> memref<8x128xf32, #tpu.memory_space<vmem_shared>>
        %dma_wait3A_105 = arith.constant 0 : i32
        %dma_wait3A_106 = arith.constant 0 : i32
        %dma_wait3A_107 = tpu.memref_slice %arg8[%dma_wait3A_105, %dma_wait3A_106] : memref<80x128xf32, #tpu.memory_space<vmem>> -> memref<8x128xf32, #tpu.memory_space<vmem>>
        tpu.wait_dma2 semaphore(%run_scoped3A : memref<!tpu.dma_semaphore, #tpu.memory_space<semaphore_mem>>) src(%dma_wait3A_107 : memref<8x128xf32, #tpu.memory_space<vmem>>) dst(%dma_wait3A_104 : memref<8x128xf32, #tpu.memory_space<vmem_shared>>)
        tpu.yield
      }) : () -> ()
      %scan3A_87 = arith.constant 0 : i32
      scf.yield %scan3A_87 : i32
    }
    %scan3A_13 = arith.constant 78 : i32
    %eq3A = arith.constant 0 : i32
    %eq3A_14 = arith.cmpi eq, %arg1, %eq3A : i32
    %convert_element_type3A = arith.extui %eq3A_14 : i1 to i32
    %cond3A = arith.constant 0 : i32
    %cond3A_15 = arith.cmpi ne, %convert_element_type3A, %cond3A : i32
    scf.if %cond3A_15 {
      %scan3A_80 = arith.constant 0 : i32
      %scan3A_81 = arith.constant 0 : i32
      %scan3A_82 = arith.constant 2 : i32
      %scan3A_83 = arith.addi %scan3A_81, %scan3A_82 : i32
      %scan3A_84 = arith.constant 1 : i32
      %scan3A_85 = scf.for %scan3A_87 = %scan3A_81 to %scan3A_83 step %scan3A_84 iter_args(%scan3A_88 = %scan3A_80) -> (i32)  : i32 {
        %mul3A_89 = arith.constant 8 : i32
        %mul3A_90 = arith.muli %scan3A_87, %mul3A_89 : i32
        %add3A_91 = arith.constant 9984 : i32
        %add3A_92 = arith.addi %add3A_91, %mul3A_90 : i32
        "tpu.region"() ({
          %run_scoped3A = tpu.sem_alloc : memref<!tpu.dma_semaphore, #tpu.memory_space<semaphore_mem>>
          %dma_start3A_94 = arith.constant 0 : i32
          %dma_start3A_95 = arith.constant 0 : i32
          %dma_start3A_96 = tpu.memref_slice %arg8[%dma_start3A_94, %dma_start3A_95] : memref<80x128xf32, #tpu.memory_space<vmem>> -> memref<8x128xf32, #tpu.memory_space<vmem>>
          %dma_start3A_97 = arith.constant 0 : i32
          %dma_start3A_98 = tpu.memref_slice %arg11[%add3A_92, %dma_start3A_97] : memref<10000x128xf32, #tpu.memory_space<vmem_shared>> -> memref<8x128xf32, #tpu.memory_space<vmem_shared>>
          %dma_start3A_99 = arith.constant 0 : i32
          %dma_start3A_100 = tpu.memref_slice %arg11[%add3A_92, %dma_start3A_99] : memref<10000x128xf32, #tpu.memory_space<vmem_shared>> -> memref<8x128xf32, #tpu.memory_space<vmem_shared>>
          %dma_start3A_101 = arith.constant 0 : i32
          %dma_start3A_102 = arith.constant 0 : i32
          %dma_start3A_103 = tpu.memref_slice %arg8[%dma_start3A_101, %dma_start3A_102] : memref<80x128xf32, #tpu.memory_space<vmem>> -> memref<8x128xf32, #tpu.memory_space<vmem>>
          tpu.enqueue_dma source(%dma_start3A_103 : memref<8x128xf32, #tpu.memory_space<vmem>>) target(%dma_start3A_100 : memref<8x128xf32, #tpu.memory_space<vmem_shared>>) target_semaphore(%run_scoped3A : memref<!tpu.dma_semaphore, #tpu.memory_space<semaphore_mem>>)
          %dma_wait3A_104 = arith.constant 0 : i32
          %dma_wait3A_105 = arith.constant 0 : i32
          %dma_wait3A_106 = tpu.memref_slice %arg8[%dma_wait3A_104, %dma_wait3A_105] : memref<80x128xf32, #tpu.memory_space<vmem>> -> memref<8x128xf32, #tpu.memory_space<vmem>>
          %dma_wait3A_107 = arith.constant 0 : i32
          %dma_wait3A_108 = tpu.memref_slice %arg11[%add3A_92, %dma_wait3A_107] : memref<10000x128xf32, #tpu.memory_space<vmem_shared>> -> memref<8x128xf32, #tpu.memory_space<vmem_shared>>
          %dma_wait3A_109 = arith.constant 0 : i32
          %dma_wait3A_110 = tpu.memref_slice %arg11[%add3A_92, %dma_wait3A_109] : memref<10000x128xf32, #tpu.memory_space<vmem_shared>> -> memref<8x128xf32, #tpu.memory_space<vmem_shared>>
          %dma_wait3A_111 = arith.constant 0 : i32
          %dma_wait3A_112 = arith.constant 0 : i32
          %dma_wait3A_113 = tpu.memref_slice %arg8[%dma_wait3A_111, %dma_wait3A_112] : memref<80x128xf32, #tpu.memory_space<vmem>> -> memref<8x128xf32, #tpu.memory_space<vmem>>
          tpu.wait_dma2 semaphore(%run_scoped3A : memref<!tpu.dma_semaphore, #tpu.memory_space<semaphore_mem>>) src(%dma_wait3A_113 : memref<8x128xf32, #tpu.memory_space<vmem>>) dst(%dma_wait3A_110 : memref<8x128xf32, #tpu.memory_space<vmem_shared>>)
          tpu.yield
        }) : () -> ()
        %scan3A_93 = arith.constant 0 : i32
        scf.yield %scan3A_93 : i32
      }
      %scan3A_86 = arith.constant 2 : i32
    } else {
    }
    %mul3A_16 = arith.constant 10000 : i32
    %mul3A_17 = arith.muli %add3A, %mul3A_16 : i32
    "tpu.region"() ({
      %run_scoped3A = tpu.sem_alloc : memref<!tpu.dma_semaphore, #tpu.memory_space<semaphore_mem>>
      %dma_start3A_80 = tpu.memref_slice %arg3[%mul3A_17] : memref<320000xi32, #tpu.memory_space<hbm>> -> memref<10000xi32, #tpu.memory_space<hbm>>
      %dma_start3A_81 = tpu.memref_slice %arg3[%mul3A_17] : memref<320000xi32, #tpu.memory_space<hbm>> -> memref<10000xi32, #tpu.memory_space<hbm>>
      tpu.enqueue_dma source(%dma_start3A_81 : memref<10000xi32, #tpu.memory_space<hbm>>) target(%arg6 : memref<10000xi32, #tpu.memory_space<vmem>>) target_semaphore(%run_scoped3A : memref<!tpu.dma_semaphore, #tpu.memory_space<semaphore_mem>>)
      %dma_wait3A_82 = tpu.memref_slice %arg3[%mul3A_17] : memref<320000xi32, #tpu.memory_space<hbm>> -> memref<10000xi32, #tpu.memory_space<hbm>>
      %dma_wait3A_83 = tpu.memref_slice %arg3[%mul3A_17] : memref<320000xi32, #tpu.memory_space<hbm>> -> memref<10000xi32, #tpu.memory_space<hbm>>
      tpu.wait_dma2 semaphore(%run_scoped3A : memref<!tpu.dma_semaphore, #tpu.memory_space<semaphore_mem>>) src(%dma_wait3A_83 : memref<10000xi32, #tpu.memory_space<hbm>>) dst(%arg6 : memref<10000xi32, #tpu.memory_space<vmem>>)
      tpu.yield
    }) : () -> ()
    %mul3A_18 = arith.constant 10000 : i32
    %mul3A_19 = arith.muli %add3A, %mul3A_18 : i32
    "tpu.region"() ({
      %run_scoped3A = tpu.sem_alloc : memref<!tpu.dma_semaphore, #tpu.memory_space<semaphore_mem>>
      %dma_start3A_80 = tpu.memref_slice %arg4[%mul3A_19] : memref<320000xi32, #tpu.memory_space<hbm>> -> memref<10000xi32, #tpu.memory_space<hbm>>
      %dma_start3A_81 = tpu.memref_slice %arg4[%mul3A_19] : memref<320000xi32, #tpu.memory_space<hbm>> -> memref<10000xi32, #tpu.memory_space<hbm>>
      tpu.enqueue_dma source(%dma_start3A_81 : memref<10000xi32, #tpu.memory_space<hbm>>) target(%arg7 : memref<10000xi32, #tpu.memory_space<vmem>>) target_semaphore(%run_scoped3A : memref<!tpu.dma_semaphore, #tpu.memory_space<semaphore_mem>>)
      %dma_wait3A_82 = tpu.memref_slice %arg4[%mul3A_19] : memref<320000xi32, #tpu.memory_space<hbm>> -> memref<10000xi32, #tpu.memory_space<hbm>>
      %dma_wait3A_83 = tpu.memref_slice %arg4[%mul3A_19] : memref<320000xi32, #tpu.memory_space<hbm>> -> memref<10000xi32, #tpu.memory_space<hbm>>
      tpu.wait_dma2 semaphore(%run_scoped3A : memref<!tpu.dma_semaphore, #tpu.memory_space<semaphore_mem>>) src(%dma_wait3A_83 : memref<10000xi32, #tpu.memory_space<hbm>>) dst(%arg7 : memref<10000xi32, #tpu.memory_space<vmem>>)
      tpu.yield
    }) : () -> ()
    %barrier3A = arith.constant 0 : index
    tpu.barrier barrier_id(%barrier3A)
    %dma_start3A = arith.constant 0 : i32
    %dma_start3A_20 = tpu.memref_slice %arg6[%dma_start3A] : memref<10000xi32, #tpu.memory_space<vmem>> -> memref<80xi32, #tpu.memory_space<vmem>>
    %dma_start3A_21 = arith.constant 0 : i32
    %dma_start3A_22 = arith.constant 0 : i32
    %dma_start3A_23 = tpu.memref_slice %arg2[%dma_start3A_21, %dma_start3A_22] : memref<10000x128xf32, #tpu.memory_space<hbm>> -> memref<10000x128xf32, #tpu.memory_space<hbm>>
    tpu.enqueue_indirect_dma source(%dma_start3A_23 : memref<10000x128xf32, #tpu.memory_space<hbm>>) target(%arg8 : memref<80x128xf32, #tpu.memory_space<vmem>>) offsets(%dma_start3A_20 : memref<80xi32, #tpu.memory_space<vmem>>) semaphore(%arg12 : memref<!tpu.dma_semaphore, #tpu.memory_space<semaphore_mem>>)
    %dma_start3A_24 = arith.constant 80 : i32
    %dma_start3A_25 = tpu.memref_slice %arg6[%dma_start3A_24] : memref<10000xi32, #tpu.memory_space<vmem>> -> memref<80xi32, #tpu.memory_space<vmem>>
    %dma_start3A_26 = arith.constant 0 : i32
    %dma_start3A_27 = arith.constant 0 : i32
    %dma_start3A_28 = tpu.memref_slice %arg2[%dma_start3A_26, %dma_start3A_27] : memref<10000x128xf32, #tpu.memory_space<hbm>> -> memref<10000x128xf32, #tpu.memory_space<hbm>>
    tpu.enqueue_indirect_dma source(%dma_start3A_28 : memref<10000x128xf32, #tpu.memory_space<hbm>>) target(%arg9 : memref<80x128xf32, #tpu.memory_space<vmem>>) offsets(%dma_start3A_25 : memref<80xi32, #tpu.memory_space<vmem>>) semaphore(%arg13 : memref<!tpu.dma_semaphore, #tpu.memory_space<semaphore_mem>>)
    %scan3A_29 = arith.constant 0 : i32
    %scan3A_30 = arith.constant 0 : i32
    %scan3A_31 = arith.constant 41 : i32
    %scan3A_32 = arith.addi %scan3A_30, %scan3A_31 : i32
    %scan3A_33 = arith.constant 1 : i32
    %scan3A_34 = scf.for %scan3A_80 = %scan3A_30 to %scan3A_32 step %scan3A_33 iter_args(%scan3A_81 = %scan3A_29) -> (i32)  : i32 {
      %mul3A_82 = arith.constant 3 : i32
      %mul3A_83 = arith.muli %mul3A_82, %scan3A_80 : i32
      %add3A_84 = arith.constant 2 : i32
      %add3A_85 = arith.addi %mul3A_83, %add3A_84 : i32
      %add3A_86 = arith.constant 0 : i32
      %add3A_87 = arith.addi %add3A_85, %add3A_86 : i32
      %ge3A = arith.constant 3 : i32
      %ge3A_88 = arith.cmpi sge, %add3A_87, %ge3A : i32
      %convert_element_type3A_89 = arith.extui %ge3A_88 : i1 to i32
      %cond3A_90 = arith.constant 0 : i32
      %cond3A_91 = arith.cmpi ne, %convert_element_type3A_89, %cond3A_90 : i32
      scf.if %cond3A_91 {
        %sub3A_180 = arith.constant 3 : i32
        %sub3A_181 = arith.subi %add3A_87, %sub3A_180 : i32
        %mul3A_182 = arith.constant 80 : i32
        %mul3A_183 = arith.muli %sub3A_181, %mul3A_182 : i32
        %dma_wait3A_184 = tpu.memref_slice %arg7[%mul3A_183] : memref<10000xi32, #tpu.memory_space<vmem>> -> memref<80xi32, #tpu.memory_space<vmem>>
        %dma_wait3A_185 = arith.constant 0 : i32
        %dma_wait3A_186 = arith.constant 0 : i32
        %dma_wait3A_187 = tpu.memref_slice %arg11[%dma_wait3A_185, %dma_wait3A_186] : memref<10000x128xf32, #tpu.memory_space<vmem_shared>> -> memref<10000x128xf32, #tpu.memory_space<vmem_shared>>
        tpu.wait_indirect_dma semaphore(%arg17 : memref<!tpu.dma_semaphore, #tpu.memory_space<semaphore_mem>>) src(%arg10 : memref<80x128xf32, #tpu.memory_space<vmem>>) dst(%dma_wait3A_187 : memref<10000x128xf32, #tpu.memory_space<vmem_shared>>)
      } else {
      }
      %mul3A_92 = arith.constant 80 : i32
      %mul3A_93 = arith.muli %add3A_87, %mul3A_92 : i32
      %dma_start3A_94 = tpu.memref_slice %arg6[%mul3A_93] : memref<10000xi32, #tpu.memory_space<vmem>> -> memref<80xi32, #tpu.memory_space<vmem>>
      %dma_start3A_95 = arith.constant 0 : i32
      %dma_start3A_96 = arith.constant 0 : i32
      %dma_start3A_97 = tpu.memref_slice %arg2[%dma_start3A_95, %dma_start3A_96] : memref<10000x128xf32, #tpu.memory_space<hbm>> -> memref<10000x128xf32, #tpu.memory_space<hbm>>
      tpu.enqueue_indirect_dma source(%dma_start3A_97 : memref<10000x128xf32, #tpu.memory_space<hbm>>) target(%arg10 : memref<80x128xf32, #tpu.memory_space<vmem>>) offsets(%dma_start3A_94 : memref<80xi32, #tpu.memory_space<vmem>>) semaphore(%arg14 : memref<!tpu.dma_semaphore, #tpu.memory_space<semaphore_mem>>)
      %sub3A = arith.constant 2 : i32
      %sub3A_98 = arith.subi %add3A_87, %sub3A : i32
      %mul3A_99 = arith.constant 80 : i32
      %mul3A_100 = arith.muli %sub3A_98, %mul3A_99 : i32
      %dma_wait3A_101 = tpu.memref_slice %arg6[%mul3A_100] : memref<10000xi32, #tpu.memory_space<vmem>> -> memref<80xi32, #tpu.memory_space<vmem>>
      %dma_wait3A_102 = arith.constant 0 : i32
      %dma_wait3A_103 = arith.constant 0 : i32
      %dma_wait3A_104 = tpu.memref_slice %arg2[%dma_wait3A_102, %dma_wait3A_103] : memref<10000x128xf32, #tpu.memory_space<hbm>> -> memref<10000x128xf32, #tpu.memory_space<hbm>>
      tpu.wait_indirect_dma semaphore(%arg12 : memref<!tpu.dma_semaphore, #tpu.memory_space<semaphore_mem>>) src(%dma_wait3A_104 : memref<10000x128xf32, #tpu.memory_space<hbm>>) dst(%arg8 : memref<80x128xf32, #tpu.memory_space<vmem>>)
      %sub3A_105 = arith.constant 2 : i32
      %sub3A_106 = arith.subi %add3A_87, %sub3A_105 : i32
      %mul3A_107 = arith.constant 80 : i32
      %mul3A_108 = arith.muli %sub3A_106, %mul3A_107 : i32
      %dma_start3A_109 = tpu.memref_slice %arg7[%mul3A_108] : memref<10000xi32, #tpu.memory_space<vmem>> -> memref<80xi32, #tpu.memory_space<vmem>>
      %dma_start3A_110 = arith.constant 0 : i32
      %dma_start3A_111 = arith.constant 0 : i32
      %dma_start3A_112 = tpu.memref_slice %arg11[%dma_start3A_110, %dma_start3A_111] : memref<10000x128xf32, #tpu.memory_space<vmem_shared>> -> memref<10000x128xf32, #tpu.memory_space<vmem_shared>>
      tpu.enqueue_indirect_dma source(%arg8 : memref<80x128xf32, #tpu.memory_space<vmem>>) target(%dma_start3A_112 : memref<10000x128xf32, #tpu.memory_space<vmem_shared>>) offsets(%dma_start3A_109 : memref<80xi32, #tpu.memory_space<vmem>>) semaphore(%arg15 : memref<!tpu.dma_semaphore, #tpu.memory_space<semaphore_mem>>) {add = true}
      %mul3A_113 = arith.constant 3 : i32
      %mul3A_114 = arith.muli %mul3A_113, %scan3A_80 : i32
      %add3A_115 = arith.constant 2 : i32
      %add3A_116 = arith.addi %mul3A_114, %add3A_115 : i32
      %add3A_117 = arith.constant 1 : i32
      %add3A_118 = arith.addi %add3A_116, %add3A_117 : i32
      %ge3A_119 = arith.constant 3 : i32
      %ge3A_120 = arith.cmpi sge, %add3A_118, %ge3A_119 : i32
      %convert_element_type3A_121 = arith.extui %ge3A_120 : i1 to i32
      %cond3A_122 = arith.constant 0 : i32
      %cond3A_123 = arith.cmpi ne, %convert_element_type3A_121, %cond3A_122 : i32
      scf.if %cond3A_123 {
        %sub3A_180 = arith.constant 3 : i32
        %sub3A_181 = arith.subi %add3A_118, %sub3A_180 : i32
        %mul3A_182 = arith.constant 80 : i32
        %mul3A_183 = arith.muli %sub3A_181, %mul3A_182 : i32
        %dma_wait3A_184 = tpu.memref_slice %arg7[%mul3A_183] : memref<10000xi32, #tpu.memory_space<vmem>> -> memref<80xi32, #tpu.memory_space<vmem>>
        %dma_wait3A_185 = arith.constant 0 : i32
        %dma_wait3A_186 = arith.constant 0 : i32
        %dma_wait3A_187 = tpu.memref_slice %arg11[%dma_wait3A_185, %dma_wait3A_186] : memref<10000x128xf32, #tpu.memory_space<vmem_shared>> -> memref<10000x128xf32, #tpu.memory_space<vmem_shared>>
        tpu.wait_indirect_dma semaphore(%arg15 : memref<!tpu.dma_semaphore, #tpu.memory_space<semaphore_mem>>) src(%arg8 : memref<80x128xf32, #tpu.memory_space<vmem>>) dst(%dma_wait3A_187 : memref<10000x128xf32, #tpu.memory_space<vmem_shared>>)
      } else {
      }
      %mul3A_124 = arith.constant 80 : i32
      %mul3A_125 = arith.muli %add3A_118, %mul3A_124 : i32
      %dma_start3A_126 = tpu.memref_slice %arg6[%mul3A_125] : memref<10000xi32, #tpu.memory_space<vmem>> -> memref<80xi32, #tpu.memory_space<vmem>>
      %dma_start3A_127 = arith.constant 0 : i32
      %dma_start3A_128 = arith.constant 0 : i32
      %dma_start3A_129 = tpu.memref_slice %arg2[%dma_start3A_127, %dma_start3A_128] : memref<10000x128xf32, #tpu.memory_space<hbm>> -> memref<10000x128xf32, #tpu.memory_space<hbm>>
      tpu.enqueue_indirect_dma source(%dma_start3A_129 : memref<10000x128xf32, #tpu.memory_space<hbm>>) target(%arg8 : memref<80x128xf32, #tpu.memory_space<vmem>>) offsets(%dma_start3A_126 : memref<80xi32, #tpu.memory_space<vmem>>) semaphore(%arg12 : memref<!tpu.dma_semaphore, #tpu.memory_space<semaphore_mem>>)
      %sub3A_130 = arith.constant 2 : i32
      %sub3A_131 = arith.subi %add3A_118, %sub3A_130 : i32
      %mul3A_132 = arith.constant 80 : i32
      %mul3A_133 = arith.muli %sub3A_131, %mul3A_132 : i32
      %dma_wait3A_134 = tpu.memref_slice %arg6[%mul3A_133] : memref<10000xi32, #tpu.memory_space<vmem>> -> memref<80xi32, #tpu.memory_space<vmem>>
      %dma_wait3A_135 = arith.constant 0 : i32
      %dma_wait3A_136 = arith.constant 0 : i32
      %dma_wait3A_137 = tpu.memref_slice %arg2[%dma_wait3A_135, %dma_wait3A_136] : memref<10000x128xf32, #tpu.memory_space<hbm>> -> memref<10000x128xf32, #tpu.memory_space<hbm>>
      tpu.wait_indirect_dma semaphore(%arg13 : memref<!tpu.dma_semaphore, #tpu.memory_space<semaphore_mem>>) src(%dma_wait3A_137 : memref<10000x128xf32, #tpu.memory_space<hbm>>) dst(%arg9 : memref<80x128xf32, #tpu.memory_space<vmem>>)
      %sub3A_138 = arith.constant 2 : i32
      %sub3A_139 = arith.subi %add3A_118, %sub3A_138 : i32
      %mul3A_140 = arith.constant 80 : i32
      %mul3A_141 = arith.muli %sub3A_139, %mul3A_140 : i32
      %dma_start3A_142 = tpu.memref_slice %arg7[%mul3A_141] : memref<10000xi32, #tpu.memory_space<vmem>> -> memref<80xi32, #tpu.memory_space<vmem>>
      %dma_start3A_143 = arith.constant 0 : i32
      %dma_start3A_144 = arith.constant 0 : i32
      %dma_start3A_145 = tpu.memref_slice %arg11[%dma_start3A_143, %dma_start3A_144] : memref<10000x128xf32, #tpu.memory_space<vmem_shared>> -> memref<10000x128xf32, #tpu.memory_space<vmem_shared>>
      tpu.enqueue_indirect_dma source(%arg9 : memref<80x128xf32, #tpu.memory_space<vmem>>) target(%dma_start3A_145 : memref<10000x128xf32, #tpu.memory_space<vmem_shared>>) offsets(%dma_start3A_142 : memref<80xi32, #tpu.memory_space<vmem>>) semaphore(%arg16 : memref<!tpu.dma_semaphore, #tpu.memory_space<semaphore_mem>>) {add = true}
      %mul3A_146 = arith.constant 3 : i32
      %mul3A_147 = arith.muli %mul3A_146, %scan3A_80 : i32
      %add3A_148 = arith.constant 2 : i32
      %add3A_149 = arith.addi %mul3A_147, %add3A_148 : i32
      %add3A_150 = arith.constant 2 : i32
      %add3A_151 = arith.addi %add3A_149, %add3A_150 : i32
      %ge3A_152 = arith.constant 3 : i32
      %ge3A_153 = arith.cmpi sge, %add3A_151, %ge3A_152 : i32
      %convert_element_type3A_154 = arith.extui %ge3A_153 : i1 to i32
      %cond3A_155 = arith.constant 0 : i32
      %cond3A_156 = arith.cmpi ne, %convert_element_type3A_154, %cond3A_155 : i32
      scf.if %cond3A_156 {
        %sub3A_180 = arith.constant 3 : i32
        %sub3A_181 = arith.subi %add3A_151, %sub3A_180 : i32
        %mul3A_182 = arith.constant 80 : i32
        %mul3A_183 = arith.muli %sub3A_181, %mul3A_182 : i32
        %dma_wait3A_184 = tpu.memref_slice %arg7[%mul3A_183] : memref<10000xi32, #tpu.memory_space<vmem>> -> memref<80xi32, #tpu.memory_space<vmem>>
        %dma_wait3A_185 = arith.constant 0 : i32
        %dma_wait3A_186 = arith.constant 0 : i32
        %dma_wait3A_187 = tpu.memref_slice %arg11[%dma_wait3A_185, %dma_wait3A_186] : memref<10000x128xf32, #tpu.memory_space<vmem_shared>> -> memref<10000x128xf32, #tpu.memory_space<vmem_shared>>
        tpu.wait_indirect_dma semaphore(%arg16 : memref<!tpu.dma_semaphore, #tpu.memory_space<semaphore_mem>>) src(%arg9 : memref<80x128xf32, #tpu.memory_space<vmem>>) dst(%dma_wait3A_187 : memref<10000x128xf32, #tpu.memory_space<vmem_shared>>)
      } else {
      }
      %mul3A_157 = arith.constant 80 : i32
      %mul3A_158 = arith.muli %add3A_151, %mul3A_157 : i32
      %dma_start3A_159 = tpu.memref_slice %arg6[%mul3A_158] : memref<10000xi32, #tpu.memory_space<vmem>> -> memref<80xi32, #tpu.memory_space<vmem>>
      %dma_start3A_160 = arith.constant 0 : i32
      %dma_start3A_161 = arith.constant 0 : i32
      %dma_start3A_162 = tpu.memref_slice %arg2[%dma_start3A_160, %dma_start3A_161] : memref<10000x128xf32, #tpu.memory_space<hbm>> -> memref<10000x128xf32, #tpu.memory_space<hbm>>
      tpu.enqueue_indirect_dma source(%dma_start3A_162 : memref<10000x128xf32, #tpu.memory_space<hbm>>) target(%arg9 : memref<80x128xf32, #tpu.memory_space<vmem>>) offsets(%dma_start3A_159 : memref<80xi32, #tpu.memory_space<vmem>>) semaphore(%arg13 : memref<!tpu.dma_semaphore, #tpu.memory_space<semaphore_mem>>)
      %sub3A_163 = arith.constant 2 : i32
      %sub3A_164 = arith.subi %add3A_151, %sub3A_163 : i32
      %mul3A_165 = arith.constant 80 : i32
      %mul3A_166 = arith.muli %sub3A_164, %mul3A_165 : i32
      %dma_wait3A_167 = tpu.memref_slice %arg6[%mul3A_166] : memref<10000xi32, #tpu.memory_space<vmem>> -> memref<80xi32, #tpu.memory_space<vmem>>
      %dma_wait3A_168 = arith.constant 0 : i32
      %dma_wait3A_169 = arith.constant 0 : i32
      %dma_wait3A_170 = tpu.memref_slice %arg2[%dma_wait3A_168, %dma_wait3A_169] : memref<10000x128xf32, #tpu.memory_space<hbm>> -> memref<10000x128xf32, #tpu.memory_space<hbm>>
      tpu.wait_indirect_dma semaphore(%arg14 : memref<!tpu.dma_semaphore, #tpu.memory_space<semaphore_mem>>) src(%dma_wait3A_170 : memref<10000x128xf32, #tpu.memory_space<hbm>>) dst(%arg10 : memref<80x128xf32, #tpu.memory_space<vmem>>)
      %sub3A_171 = arith.constant 2 : i32
      %sub3A_172 = arith.subi %add3A_151, %sub3A_171 : i32
      %mul3A_173 = arith.constant 80 : i32
      %mul3A_174 = arith.muli %sub3A_172, %mul3A_173 : i32
      %dma_start3A_175 = tpu.memref_slice %arg7[%mul3A_174] : memref<10000xi32, #tpu.memory_space<vmem>> -> memref<80xi32, #tpu.memory_space<vmem>>
      %dma_start3A_176 = arith.constant 0 : i32
      %dma_start3A_177 = arith.constant 0 : i32
      %dma_start3A_178 = tpu.memref_slice %arg11[%dma_start3A_176, %dma_start3A_177] : memref<10000x128xf32, #tpu.memory_space<vmem_shared>> -> memref<10000x128xf32, #tpu.memory_space<vmem_shared>>
      tpu.enqueue_indirect_dma source(%arg10 : memref<80x128xf32, #tpu.memory_space<vmem>>) target(%dma_start3A_178 : memref<10000x128xf32, #tpu.memory_space<vmem_shared>>) offsets(%dma_start3A_175 : memref<80xi32, #tpu.memory_space<vmem>>) semaphore(%arg17 : memref<!tpu.dma_semaphore, #tpu.memory_space<semaphore_mem>>) {add = true}
      %scan3A_179 = arith.constant 0 : i32
      scf.yield %scan3A_179 : i32
    }
    %scan3A_35 = arith.constant 41 : i32
    %dma_wait3A = arith.constant 9840 : i32
    %dma_wait3A_36 = tpu.memref_slice %arg6[%dma_wait3A] : memref<10000xi32, #tpu.memory_space<vmem>> -> memref<80xi32, #tpu.memory_space<vmem>>
    %dma_wait3A_37 = arith.constant 0 : i32
    %dma_wait3A_38 = arith.constant 0 : i32
    %dma_wait3A_39 = tpu.memref_slice %arg2[%dma_wait3A_37, %dma_wait3A_38] : memref<10000x128xf32, #tpu.memory_space<hbm>> -> memref<10000x128xf32, #tpu.memory_space<hbm>>
    tpu.wait_indirect_dma semaphore(%arg12 : memref<!tpu.dma_semaphore, #tpu.memory_space<semaphore_mem>>) src(%dma_wait3A_39 : memref<10000x128xf32, #tpu.memory_space<hbm>>) dst(%arg8 : memref<80x128xf32, #tpu.memory_space<vmem>>)
    %dma_start3A_40 = arith.constant 9840 : i32
    %dma_start3A_41 = tpu.memref_slice %arg7[%dma_start3A_40] : memref<10000xi32, #tpu.memory_space<vmem>> -> memref<80xi32, #tpu.memory_space<vmem>>
    %dma_start3A_42 = arith.constant 0 : i32
    %dma_start3A_43 = arith.constant 0 : i32
    %dma_start3A_44 = tpu.memref_slice %arg11[%dma_start3A_42, %dma_start3A_43] : memref<10000x128xf32, #tpu.memory_space<vmem_shared>> -> memref<10000x128xf32, #tpu.memory_space<vmem_shared>>
    tpu.enqueue_indirect_dma source(%arg8 : memref<80x128xf32, #tpu.memory_space<vmem>>) target(%dma_start3A_44 : memref<10000x128xf32, #tpu.memory_space<vmem_shared>>) offsets(%dma_start3A_41 : memref<80xi32, #tpu.memory_space<vmem>>) semaphore(%arg15 : memref<!tpu.dma_semaphore, #tpu.memory_space<semaphore_mem>>) {add = true}
    %dma_wait3A_45 = arith.constant 9920 : i32
    %dma_wait3A_46 = tpu.memref_slice %arg6[%dma_wait3A_45] : memref<10000xi32, #tpu.memory_space<vmem>> -> memref<80xi32, #tpu.memory_space<vmem>>
    %dma_wait3A_47 = arith.constant 0 : i32
    %dma_wait3A_48 = arith.constant 0 : i32
    %dma_wait3A_49 = tpu.memref_slice %arg2[%dma_wait3A_47, %dma_wait3A_48] : memref<10000x128xf32, #tpu.memory_space<hbm>> -> memref<10000x128xf32, #tpu.memory_space<hbm>>
    tpu.wait_indirect_dma semaphore(%arg13 : memref<!tpu.dma_semaphore, #tpu.memory_space<semaphore_mem>>) src(%dma_wait3A_49 : memref<10000x128xf32, #tpu.memory_space<hbm>>) dst(%arg9 : memref<80x128xf32, #tpu.memory_space<vmem>>)
    %dma_start3A_50 = arith.constant 9920 : i32
    %dma_start3A_51 = tpu.memref_slice %arg7[%dma_start3A_50] : memref<10000xi32, #tpu.memory_space<vmem>> -> memref<80xi32, #tpu.memory_space<vmem>>
    %dma_start3A_52 = arith.constant 0 : i32
    %dma_start3A_53 = arith.constant 0 : i32
    %dma_start3A_54 = tpu.memref_slice %arg11[%dma_start3A_52, %dma_start3A_53] : memref<10000x128xf32, #tpu.memory_space<vmem_shared>> -> memref<10000x128xf32, #tpu.memory_space<vmem_shared>>
    tpu.enqueue_indirect_dma source(%arg9 : memref<80x128xf32, #tpu.memory_space<vmem>>) target(%dma_start3A_54 : memref<10000x128xf32, #tpu.memory_space<vmem_shared>>) offsets(%dma_start3A_51 : memref<80xi32, #tpu.memory_space<vmem>>) semaphore(%arg16 : memref<!tpu.dma_semaphore, #tpu.memory_space<semaphore_mem>>) {add = true}
    %dma_wait3A_55 = arith.constant 9760 : i32
    %dma_wait3A_56 = tpu.memref_slice %arg7[%dma_wait3A_55] : memref<10000xi32, #tpu.memory_space<vmem>> -> memref<80xi32, #tpu.memory_space<vmem>>
    %dma_wait3A_57 = arith.constant 0 : i32
    %dma_wait3A_58 = arith.constant 0 : i32
    %dma_wait3A_59 = tpu.memref_slice %arg11[%dma_wait3A_57, %dma_wait3A_58] : memref<10000x128xf32, #tpu.memory_space<vmem_shared>> -> memref<10000x128xf32, #tpu.memory_space<vmem_shared>>
    tpu.wait_indirect_dma semaphore(%arg17 : memref<!tpu.dma_semaphore, #tpu.memory_space<semaphore_mem>>) src(%arg10 : memref<80x128xf32, #tpu.memory_space<vmem>>) dst(%dma_wait3A_59 : memref<10000x128xf32, #tpu.memory_space<vmem_shared>>)
    %dma_wait3A_60 = arith.constant 9840 : i32
    %dma_wait3A_61 = tpu.memref_slice %arg7[%dma_wait3A_60] : memref<10000xi32, #tpu.memory_space<vmem>> -> memref<80xi32, #tpu.memory_space<vmem>>
    %dma_wait3A_62 = arith.constant 0 : i32
    %dma_wait3A_63 = arith.constant 0 : i32
    %dma_wait3A_64 = tpu.memref_slice %arg11[%dma_wait3A_62, %dma_wait3A_63] : memref<10000x128xf32, #tpu.memory_space<vmem_shared>> -> memref<10000x128xf32, #tpu.memory_space<vmem_shared>>
    tpu.wait_indirect_dma semaphore(%arg15 : memref<!tpu.dma_semaphore, #tpu.memory_space<semaphore_mem>>) src(%arg8 : memref<80x128xf32, #tpu.memory_space<vmem>>) dst(%dma_wait3A_64 : memref<10000x128xf32, #tpu.memory_space<vmem_shared>>)
    %dma_wait3A_65 = arith.constant 9920 : i32
    %dma_wait3A_66 = tpu.memref_slice %arg7[%dma_wait3A_65] : memref<10000xi32, #tpu.memory_space<vmem>> -> memref<80xi32, #tpu.memory_space<vmem>>
    %dma_wait3A_67 = arith.constant 0 : i32
    %dma_wait3A_68 = arith.constant 0 : i32
    %dma_wait3A_69 = tpu.memref_slice %arg11[%dma_wait3A_67, %dma_wait3A_68] : memref<10000x128xf32, #tpu.memory_space<vmem_shared>> -> memref<10000x128xf32, #tpu.memory_space<vmem_shared>>
    tpu.wait_indirect_dma semaphore(%arg16 : memref<!tpu.dma_semaphore, #tpu.memory_space<semaphore_mem>>) src(%arg9 : memref<80x128xf32, #tpu.memory_space<vmem>>) dst(%dma_wait3A_69 : memref<10000x128xf32, #tpu.memory_space<vmem_shared>>)
    %barrier3A_70 = arith.constant 0 : index
    tpu.barrier barrier_id(%barrier3A_70)
    %mul3A_71 = arith.constant 624 : i32
    %mul3A_72 = arith.muli %arg1, %mul3A_71 : i32
    %mul3A_73 = arith.constant 624 : i32
    %mul3A_74 = arith.muli %arg1, %mul3A_73 : i32
    "tpu.region"() ({
      %run_scoped3A = tpu.sem_alloc : memref<!tpu.dma_semaphore, #tpu.memory_space<semaphore_mem>>
      %dma_start3A_80 = arith.constant 0 : i32
      %dma_start3A_81 = tpu.memref_slice %arg5[%arg0, %mul3A_74, %dma_start3A_80] : memref<2x10000x128xf32, #tpu.memory_space<hbm>> -> memref<1x624x128xf32, #tpu.memory_space<hbm>>
      %dma_start3A_82 = tpu.memref_squeeze %dma_start3A_81 : memref<1x624x128xf32, #tpu.memory_space<hbm>> -> memref<624x128xf32, #tpu.memory_space<hbm>>
      %dma_start3A_83 = arith.constant 0 : i32
      %dma_start3A_84 = tpu.memref_slice %arg11[%mul3A_72, %dma_start3A_83] : memref<10000x128xf32, #tpu.memory_space<vmem_shared>> -> memref<624x128xf32, #tpu.memory_space<vmem_shared>>
      tpu.enqueue_dma source(%dma_start3A_84 : memref<624x128xf32, #tpu.memory_space<vmem_shared>>) target(%dma_start3A_82 : memref<624x128xf32, #tpu.memory_space<hbm>>) target_semaphore(%run_scoped3A : memref<!tpu.dma_semaphore, #tpu.memory_space<semaphore_mem>>)
      %dma_wait3A_85 = arith.constant 0 : i32
      %dma_wait3A_86 = tpu.memref_slice %arg5[%arg0, %mul3A_74, %dma_wait3A_85] : memref<2x10000x128xf32, #tpu.memory_space<hbm>> -> memref<1x624x128xf32, #tpu.memory_space<hbm>>
      %dma_wait3A_87 = tpu.memref_squeeze %dma_wait3A_86 : memref<1x624x128xf32, #tpu.memory_space<hbm>> -> memref<624x128xf32, #tpu.memory_space<hbm>>
      %dma_wait3A_88 = arith.constant 0 : i32
      %dma_wait3A_89 = tpu.memref_slice %arg11[%mul3A_72, %dma_wait3A_88] : memref<10000x128xf32, #tpu.memory_space<vmem_shared>> -> memref<624x128xf32, #tpu.memory_space<vmem_shared>>
      tpu.wait_dma2 semaphore(%run_scoped3A : memref<!tpu.dma_semaphore, #tpu.memory_space<semaphore_mem>>) src(%dma_wait3A_89 : memref<624x128xf32, #tpu.memory_space<vmem_shared>>) dst(%dma_wait3A_87 : memref<624x128xf32, #tpu.memory_space<hbm>>)
      tpu.yield
    }) : () -> ()
    %eq3A_75 = arith.constant 0 : i32
    %eq3A_76 = arith.cmpi eq, %arg1, %eq3A_75 : i32
    %convert_element_type3A_77 = arith.extui %eq3A_76 : i1 to i32
    %cond3A_78 = arith.constant 0 : i32
    %cond3A_79 = arith.cmpi ne, %convert_element_type3A_77, %cond3A_78 : i32
    scf.if %cond3A_79 {
      "tpu.region"() ({
        %run_scoped3A = tpu.sem_alloc : memref<!tpu.dma_semaphore, #tpu.memory_space<semaphore_mem>>
        %dma_start3A_80 = arith.constant 9984 : i32
        %dma_start3A_81 = arith.constant 0 : i32
        %dma_start3A_82 = tpu.memref_slice %arg5[%arg0, %dma_start3A_80, %dma_start3A_81] : memref<2x10000x128xf32, #tpu.memory_space<hbm>> -> memref<1x16x128xf32, #tpu.memory_space<hbm>>
        %dma_start3A_83 = tpu.memref_squeeze %dma_start3A_82 : memref<1x16x128xf32, #tpu.memory_space<hbm>> -> memref<16x128xf32, #tpu.memory_space<hbm>>
        %dma_start3A_84 = arith.constant 9984 : i32
        %dma_start3A_85 = arith.constant 0 : i32
        %dma_start3A_86 = tpu.memref_slice %arg11[%dma_start3A_84, %dma_start3A_85] : memref<10000x128xf32, #tpu.memory_space<vmem_shared>> -> memref<16x128xf32, #tpu.memory_space<vmem_shared>>
        tpu.enqueue_dma source(%dma_start3A_86 : memref<16x128xf32, #tpu.memory_space<vmem_shared>>) target(%dma_start3A_83 : memref<16x128xf32, #tpu.memory_space<hbm>>) target_semaphore(%run_scoped3A : memref<!tpu.dma_semaphore, #tpu.memory_space<semaphore_mem>>)
        %dma_wait3A_87 = arith.constant 9984 : i32
        %dma_wait3A_88 = arith.constant 0 : i32
        %dma_wait3A_89 = tpu.memref_slice %arg5[%arg0, %dma_wait3A_87, %dma_wait3A_88] : memref<2x10000x128xf32, #tpu.memory_space<hbm>> -> memref<1x16x128xf32, #tpu.memory_space<hbm>>
        %dma_wait3A_90 = tpu.memref_squeeze %dma_wait3A_89 : memref<1x16x128xf32, #tpu.memory_space<hbm>> -> memref<16x128xf32, #tpu.memory_space<hbm>>
        %dma_wait3A_91 = arith.constant 9984 : i32
        %dma_wait3A_92 = arith.constant 0 : i32
        %dma_wait3A_93 = tpu.memref_slice %arg11[%dma_wait3A_91, %dma_wait3A_92] : memref<10000x128xf32, #tpu.memory_space<vmem_shared>> -> memref<16x128xf32, #tpu.memory_space<vmem_shared>>
        tpu.wait_dma2 semaphore(%run_scoped3A : memref<!tpu.dma_semaphore, #tpu.memory_space<semaphore_mem>>) src(%dma_wait3A_93 : memref<16x128xf32, #tpu.memory_space<vmem_shared>>) dst(%dma_wait3A_90 : memref<16x128xf32, #tpu.memory_space<hbm>>)
        tpu.yield
      }) : () -> ()
    } else {
    }
    return
  }
}

#map = affine_map<(d0, d1) -> (0)>
#map1 = affine_map<(d0, d1) -> (0, 0, 0)>
module attributes {stable_mosaic.version = 14 : i64} {
  func.func @_sc_cnt(%arg0: i32, %arg1: i32, %arg2: memref<320000xi32, #tpu.memory_space<hbm>>, %arg3: memref<2x10000x128xf32, #tpu.memory_space<hbm>>, %arg4: memref<10000xi32, #tpu.memory_space<vmem>>, %arg5: memref<80x128xf32, #tpu.memory_space<vmem>>, %arg6: memref<8x128xf32, #tpu.memory_space<vmem>>, %arg7: memref<10000x128xf32, #tpu.memory_space<vmem_shared>>, %arg8: memref<!tpu.dma_semaphore, #tpu.memory_space<semaphore_mem>>) attributes {dimension_semantics = [#tpu.dimension_semantics<core_parallel>, #tpu.dimension_semantics<subcore_parallel>], iteration_bounds = array<i64: 2, 16>, scalar_prefetch = 0 : i64, scratch_operands = 5 : i64, tpu.core_type = #tpu.core_type<sc_vector_subcore>, window_params = [{transform_indices = #map}, {transform_indices = #map1}]} {
    %mul3A = arith.constant 16 : i32
    %mul3A_0 = arith.muli %arg0, %mul3A : i32
    %add3A = arith.addi %mul3A_0, %arg1 : i32
    %scan3A = arith.constant 0 : i32
    %scan3A_1 = arith.constant 0 : i32
    %scan3A_2 = arith.constant 80 : i32
    %scan3A_3 = arith.addi %scan3A_1, %scan3A_2 : i32
    %scan3A_4 = arith.constant 1 : i32
    %scan3A_5 = scf.for %scan3A_42 = %scan3A_1 to %scan3A_3 step %scan3A_4 iter_args(%scan3A_43 = %scan3A) -> (i32)  : i32 {
      %scan3A_44 = arith.constant 0 : i32
      %scan3A_45 = arith.constant 0 : i32
      %scan3A_46 = arith.constant 8 : i32
      %scan3A_47 = arith.addi %scan3A_45, %scan3A_46 : i32
      %scan3A_48 = arith.constant 1 : i32
      %scan3A_49 = scf.for %scan3A_51 = %scan3A_45 to %scan3A_47 step %scan3A_48 iter_args(%scan3A_52 = %scan3A_44) -> (i32)  : i32 {
        %broadcast_in_dim3A = arith.constant 1.000000e+00 : f32
        %broadcast_in_dim3A_53 = vector.broadcast %broadcast_in_dim3A : f32 to vector<16xf32>
        %mul3A_54 = arith.constant 16 : i32
        %mul3A_55 = arith.muli %scan3A_51, %mul3A_54 : i32
        %swap3A = arith.index_cast %scan3A_42 : i32 to index
        %swap3A_56 = arith.index_cast %mul3A_55 : i32 to index
        %swap3A_57 = tpu.vector_load %arg5[%swap3A, %swap3A_56] {strides = array<i32>} : memref<80x128xf32, #tpu.memory_space<vmem>>, vector<1x16xf32>,
        %swap3A_58 = vector.shape_cast %swap3A_57 : vector<1x16xf32> to vector<16xf32>
        %swap3A_59 = vector.shape_cast %broadcast_in_dim3A_53 : vector<16xf32> to vector<1x16xf32>
        tpu.vector_store %arg5[%swap3A, %swap3A_56], %swap3A_59 {strides = array<i32>} : memref<80x128xf32, #tpu.memory_space<vmem>>, vector<1x16xf32>,
        %scan3A_60 = arith.constant 0 : i32
        scf.yield %scan3A_60 : i32
      }
      %scan3A_50 = arith.constant 8 : i32
      scf.yield %scan3A_49 : i32
    }
    %scan3A_6 = arith.constant 80 : i32
    %scan3A_7 = arith.constant 0 : i32
    %scan3A_8 = arith.constant 0 : i32
    %scan3A_9 = arith.constant 8 : i32
    %scan3A_10 = arith.addi %scan3A_8, %scan3A_9 : i32
    %scan3A_11 = arith.constant 1 : i32
    %scan3A_12 = scf.for %scan3A_42 = %scan3A_8 to %scan3A_10 step %scan3A_11 iter_args(%scan3A_43 = %scan3A_7) -> (i32)  : i32 {
      %scan3A_44 = arith.constant 0 : i32
      %scan3A_45 = arith.constant 0 : i32
      %scan3A_46 = arith.constant 8 : i32
      %scan3A_47 = arith.addi %scan3A_45, %scan3A_46 : i32
      %scan3A_48 = arith.constant 1 : i32
      %scan3A_49 = scf.for %scan3A_51 = %scan3A_45 to %scan3A_47 step %scan3A_48 iter_args(%scan3A_52 = %scan3A_44) -> (i32)  : i32 {
        %broadcast_in_dim3A = arith.constant 0.000000e+00 : f32
        %broadcast_in_dim3A_53 = vector.broadcast %broadcast_in_dim3A : f32 to vector<16xf32>
        %mul3A_54 = arith.constant 16 : i32
        %mul3A_55 = arith.muli %scan3A_51, %mul3A_54 : i32
        %swap3A = arith.index_cast %scan3A_42 : i32 to index
        %swap3A_56 = arith.index_cast %mul3A_55 : i32 to index
        %swap3A_57 = tpu.vector_load %arg6[%swap3A, %swap3A_56] {strides = array<i32>} : memref<8x128xf32, #tpu.memory_space<vmem>>, vector<1x16xf32>,
        %swap3A_58 = vector.shape_cast %swap3A_57 : vector<1x16xf32> to vector<16xf32>
        %swap3A_59 = vector.shape_cast %broadcast_in_dim3A_53 : vector<16xf32> to vector<1x16xf32>
        tpu.vector_store %arg6[%swap3A, %swap3A_56], %swap3A_59 {strides = array<i32>} : memref<8x128xf32, #tpu.memory_space<vmem>>, vector<1x16xf32>,
        %scan3A_60 = arith.constant 0 : i32
        scf.yield %scan3A_60 : i32
      }
      %scan3A_50 = arith.constant 8 : i32
      scf.yield %scan3A_49 : i32
    }
    %scan3A_13 = arith.constant 8 : i32
    %scan3A_14 = arith.constant 0 : i32
    %scan3A_15 = arith.constant 0 : i32
    %scan3A_16 = arith.constant 78 : i32
    %scan3A_17 = arith.addi %scan3A_15, %scan3A_16 : i32
    %scan3A_18 = arith.constant 1 : i32
    %scan3A_19 = scf.for %scan3A_42 = %scan3A_15 to %scan3A_17 step %scan3A_18 iter_args(%scan3A_43 = %scan3A_14) -> (i32)  : i32 {
      %mul3A_44 = arith.constant 624 : i32
      %mul3A_45 = arith.muli %arg1, %mul3A_44 : i32
      %mul3A_46 = arith.constant 8 : i32
      %mul3A_47 = arith.muli %scan3A_42, %mul3A_46 : i32
      %add3A_48 = arith.addi %mul3A_45, %mul3A_47 : i32
      "tpu.region"() ({
        %run_scoped3A = tpu.sem_alloc : memref<!tpu.dma_semaphore, #tpu.memory_space<semaphore_mem>>
        %dma_start3A = arith.constant 0 : i32
        %dma_start3A_50 = tpu.memref_slice %arg7[%add3A_48, %dma_start3A] : memref<10000x128xf32, #tpu.memory_space<vmem_shared>> -> memref<8x128xf32, #tpu.memory_space<vmem_shared>>
        %dma_start3A_51 = arith.constant 0 : i32
        %dma_start3A_52 = tpu.memref_slice %arg7[%add3A_48, %dma_start3A_51] : memref<10000x128xf32, #tpu.memory_space<vmem_shared>> -> memref<8x128xf32, #tpu.memory_space<vmem_shared>>
        tpu.enqueue_dma source(%arg6 : memref<8x128xf32, #tpu.memory_space<vmem>>) target(%dma_start3A_52 : memref<8x128xf32, #tpu.memory_space<vmem_shared>>) target_semaphore(%run_scoped3A : memref<!tpu.dma_semaphore, #tpu.memory_space<semaphore_mem>>)
        %dma_wait3A = arith.constant 0 : i32
        %dma_wait3A_53 = tpu.memref_slice %arg7[%add3A_48, %dma_wait3A] : memref<10000x128xf32, #tpu.memory_space<vmem_shared>> -> memref<8x128xf32, #tpu.memory_space<vmem_shared>>
        %dma_wait3A_54 = arith.constant 0 : i32
        %dma_wait3A_55 = tpu.memref_slice %arg7[%add3A_48, %dma_wait3A_54] : memref<10000x128xf32, #tpu.memory_space<vmem_shared>> -> memref<8x128xf32, #tpu.memory_space<vmem_shared>>
        tpu.wait_dma2 semaphore(%run_scoped3A : memref<!tpu.dma_semaphore, #tpu.memory_space<semaphore_mem>>) src(%arg6 : memref<8x128xf32, #tpu.memory_space<vmem>>) dst(%dma_wait3A_55 : memref<8x128xf32, #tpu.memory_space<vmem_shared>>)
        tpu.yield
      }) : () -> ()
      %scan3A_49 = arith.constant 0 : i32
      scf.yield %scan3A_49 : i32
    }
    %scan3A_20 = arith.constant 78 : i32
    %eq3A = arith.constant 0 : i32
    %eq3A_21 = arith.cmpi eq, %arg1, %eq3A : i32
    %convert_element_type3A = arith.extui %eq3A_21 : i1 to i32
    %cond3A = arith.constant 0 : i32
    %cond3A_22 = arith.cmpi ne, %convert_element_type3A, %cond3A : i32
    scf.if %cond3A_22 {
      %scan3A_42 = arith.constant 0 : i32
      %scan3A_43 = arith.constant 0 : i32
      %scan3A_44 = arith.constant 2 : i32
      %scan3A_45 = arith.addi %scan3A_43, %scan3A_44 : i32
      %scan3A_46 = arith.constant 1 : i32
      %scan3A_47 = scf.for %scan3A_49 = %scan3A_43 to %scan3A_45 step %scan3A_46 iter_args(%scan3A_50 = %scan3A_42) -> (i32)  : i32 {
        %mul3A_51 = arith.constant 8 : i32
        %mul3A_52 = arith.muli %scan3A_49, %mul3A_51 : i32
        %add3A_53 = arith.constant 9984 : i32
        %add3A_54 = arith.addi %add3A_53, %mul3A_52 : i32
        "tpu.region"() ({
          %run_scoped3A = tpu.sem_alloc : memref<!tpu.dma_semaphore, #tpu.memory_space<semaphore_mem>>
          %dma_start3A = arith.constant 0 : i32
          %dma_start3A_56 = tpu.memref_slice %arg7[%add3A_54, %dma_start3A] : memref<10000x128xf32, #tpu.memory_space<vmem_shared>> -> memref<8x128xf32, #tpu.memory_space<vmem_shared>>
          %dma_start3A_57 = arith.constant 0 : i32
          %dma_start3A_58 = tpu.memref_slice %arg7[%add3A_54, %dma_start3A_57] : memref<10000x128xf32, #tpu.memory_space<vmem_shared>> -> memref<8x128xf32, #tpu.memory_space<vmem_shared>>
          tpu.enqueue_dma source(%arg6 : memref<8x128xf32, #tpu.memory_space<vmem>>) target(%dma_start3A_58 : memref<8x128xf32, #tpu.memory_space<vmem_shared>>) target_semaphore(%run_scoped3A : memref<!tpu.dma_semaphore, #tpu.memory_space<semaphore_mem>>)
          %dma_wait3A = arith.constant 0 : i32
          %dma_wait3A_59 = tpu.memref_slice %arg7[%add3A_54, %dma_wait3A] : memref<10000x128xf32, #tpu.memory_space<vmem_shared>> -> memref<8x128xf32, #tpu.memory_space<vmem_shared>>
          %dma_wait3A_60 = arith.constant 0 : i32
          %dma_wait3A_61 = tpu.memref_slice %arg7[%add3A_54, %dma_wait3A_60] : memref<10000x128xf32, #tpu.memory_space<vmem_shared>> -> memref<8x128xf32, #tpu.memory_space<vmem_shared>>
          tpu.wait_dma2 semaphore(%run_scoped3A : memref<!tpu.dma_semaphore, #tpu.memory_space<semaphore_mem>>) src(%arg6 : memref<8x128xf32, #tpu.memory_space<vmem>>) dst(%dma_wait3A_61 : memref<8x128xf32, #tpu.memory_space<vmem_shared>>)
          tpu.yield
        }) : () -> ()
        %scan3A_55 = arith.constant 0 : i32
        scf.yield %scan3A_55 : i32
      }
      %scan3A_48 = arith.constant 2 : i32
    } else {
    }
    %mul3A_23 = arith.constant 10000 : i32
    %mul3A_24 = arith.muli %add3A, %mul3A_23 : i32
    "tpu.region"() ({
      %run_scoped3A = tpu.sem_alloc : memref<!tpu.dma_semaphore, #tpu.memory_space<semaphore_mem>>
      %dma_start3A = tpu.memref_slice %arg2[%mul3A_24] : memref<320000xi32, #tpu.memory_space<hbm>> -> memref<10000xi32, #tpu.memory_space<hbm>>
      %dma_start3A_42 = tpu.memref_slice %arg2[%mul3A_24] : memref<320000xi32, #tpu.memory_space<hbm>> -> memref<10000xi32, #tpu.memory_space<hbm>>
      tpu.enqueue_dma source(%dma_start3A_42 : memref<10000xi32, #tpu.memory_space<hbm>>) target(%arg4 : memref<10000xi32, #tpu.memory_space<vmem>>) target_semaphore(%run_scoped3A : memref<!tpu.dma_semaphore, #tpu.memory_space<semaphore_mem>>)
      %dma_wait3A = tpu.memref_slice %arg2[%mul3A_24] : memref<320000xi32, #tpu.memory_space<hbm>> -> memref<10000xi32, #tpu.memory_space<hbm>>
      %dma_wait3A_43 = tpu.memref_slice %arg2[%mul3A_24] : memref<320000xi32, #tpu.memory_space<hbm>> -> memref<10000xi32, #tpu.memory_space<hbm>>
      tpu.wait_dma2 semaphore(%run_scoped3A : memref<!tpu.dma_semaphore, #tpu.memory_space<semaphore_mem>>) src(%dma_wait3A_43 : memref<10000xi32, #tpu.memory_space<hbm>>) dst(%arg4 : memref<10000xi32, #tpu.memory_space<vmem>>)
      tpu.yield
    }) : () -> ()
    %barrier3A = arith.constant 0 : index
    tpu.barrier barrier_id(%barrier3A)
    %scan3A_25 = arith.constant 0 : i32
    %scan3A_26 = arith.constant 0 : i32
    %scan3A_27 = arith.constant 25 : i32
    %scan3A_28 = arith.addi %scan3A_26, %scan3A_27 : i32
    %scan3A_29 = arith.constant 1 : i32
    %scan3A_30 = scf.for %scan3A_42 = %scan3A_26 to %scan3A_28 step %scan3A_29 iter_args(%scan3A_43 = %scan3A_25) -> (i32)  : i32 {
      %mul3A_44 = arith.constant 5 : i32
      %mul3A_45 = arith.muli %scan3A_42, %mul3A_44 : i32
      %add3A_46 = arith.constant 0 : i32
      %add3A_47 = arith.addi %mul3A_45, %add3A_46 : i32
      %mul3A_48 = arith.constant 80 : i32
      %mul3A_49 = arith.muli %add3A_47, %mul3A_48 : i32
      %dma_start3A = tpu.memref_slice %arg4[%mul3A_49] : memref<10000xi32, #tpu.memory_space<vmem>> -> memref<80xi32, #tpu.memory_space<vmem>>
      %dma_start3A_50 = arith.constant 0 : i32
      %dma_start3A_51 = arith.constant 0 : i32
      %dma_start3A_52 = tpu.memref_slice %arg7[%dma_start3A_50, %dma_start3A_51] : memref<10000x128xf32, #tpu.memory_space<vmem_shared>> -> memref<10000x128xf32, #tpu.memory_space<vmem_shared>>
      tpu.enqueue_indirect_dma source(%arg5 : memref<80x128xf32, #tpu.memory_space<vmem>>) target(%dma_start3A_52 : memref<10000x128xf32, #tpu.memory_space<vmem_shared>>) offsets(%dma_start3A : memref<80xi32, #tpu.memory_space<vmem>>) semaphore(%arg8 : memref<!tpu.dma_semaphore, #tpu.memory_space<semaphore_mem>>) {add = true}
      %mul3A_53 = arith.constant 5 : i32
      %mul3A_54 = arith.muli %scan3A_42, %mul3A_53 : i32
      %add3A_55 = arith.constant 1 : i32
      %add3A_56 = arith.addi %mul3A_54, %add3A_55 : i32
      %mul3A_57 = arith.constant 80 : i32
      %mul3A_58 = arith.muli %add3A_56, %mul3A_57 : i32
      %dma_start3A_59 = tpu.memref_slice %arg4[%mul3A_58] : memref<10000xi32, #tpu.memory_space<vmem>> -> memref<80xi32, #tpu.memory_space<vmem>>
      %dma_start3A_60 = arith.constant 0 : i32
      %dma_start3A_61 = arith.constant 0 : i32
      %dma_start3A_62 = tpu.memref_slice %arg7[%dma_start3A_60, %dma_start3A_61] : memref<10000x128xf32, #tpu.memory_space<vmem_shared>> -> memref<10000x128xf32, #tpu.memory_space<vmem_shared>>
      tpu.enqueue_indirect_dma source(%arg5 : memref<80x128xf32, #tpu.memory_space<vmem>>) target(%dma_start3A_62 : memref<10000x128xf32, #tpu.memory_space<vmem_shared>>) offsets(%dma_start3A_59 : memref<80xi32, #tpu.memory_space<vmem>>) semaphore(%arg8 : memref<!tpu.dma_semaphore, #tpu.memory_space<semaphore_mem>>) {add = true}
      %mul3A_63 = arith.constant 5 : i32
      %mul3A_64 = arith.muli %scan3A_42, %mul3A_63 : i32
      %add3A_65 = arith.constant 2 : i32
      %add3A_66 = arith.addi %mul3A_64, %add3A_65 : i32
      %mul3A_67 = arith.constant 80 : i32
      %mul3A_68 = arith.muli %add3A_66, %mul3A_67 : i32
      %dma_start3A_69 = tpu.memref_slice %arg4[%mul3A_68] : memref<10000xi32, #tpu.memory_space<vmem>> -> memref<80xi32, #tpu.memory_space<vmem>>
      %dma_start3A_70 = arith.constant 0 : i32
      %dma_start3A_71 = arith.constant 0 : i32
      %dma_start3A_72 = tpu.memref_slice %arg7[%dma_start3A_70, %dma_start3A_71] : memref<10000x128xf32, #tpu.memory_space<vmem_shared>> -> memref<10000x128xf32, #tpu.memory_space<vmem_shared>>
      tpu.enqueue_indirect_dma source(%arg5 : memref<80x128xf32, #tpu.memory_space<vmem>>) target(%dma_start3A_72 : memref<10000x128xf32, #tpu.memory_space<vmem_shared>>) offsets(%dma_start3A_69 : memref<80xi32, #tpu.memory_space<vmem>>) semaphore(%arg8 : memref<!tpu.dma_semaphore, #tpu.memory_space<semaphore_mem>>) {add = true}
      %mul3A_73 = arith.constant 5 : i32
      %mul3A_74 = arith.muli %scan3A_42, %mul3A_73 : i32
      %add3A_75 = arith.constant 3 : i32
      %add3A_76 = arith.addi %mul3A_74, %add3A_75 : i32
      %mul3A_77 = arith.constant 80 : i32
      %mul3A_78 = arith.muli %add3A_76, %mul3A_77 : i32
      %dma_start3A_79 = tpu.memref_slice %arg4[%mul3A_78] : memref<10000xi32, #tpu.memory_space<vmem>> -> memref<80xi32, #tpu.memory_space<vmem>>
      %dma_start3A_80 = arith.constant 0 : i32
      %dma_start3A_81 = arith.constant 0 : i32
      %dma_start3A_82 = tpu.memref_slice %arg7[%dma_start3A_80, %dma_start3A_81] : memref<10000x128xf32, #tpu.memory_space<vmem_shared>> -> memref<10000x128xf32, #tpu.memory_space<vmem_shared>>
      tpu.enqueue_indirect_dma source(%arg5 : memref<80x128xf32, #tpu.memory_space<vmem>>) target(%dma_start3A_82 : memref<10000x128xf32, #tpu.memory_space<vmem_shared>>) offsets(%dma_start3A_79 : memref<80xi32, #tpu.memory_space<vmem>>) semaphore(%arg8 : memref<!tpu.dma_semaphore, #tpu.memory_space<semaphore_mem>>) {add = true}
      %mul3A_83 = arith.constant 5 : i32
      %mul3A_84 = arith.muli %scan3A_42, %mul3A_83 : i32
      %add3A_85 = arith.constant 4 : i32
      %add3A_86 = arith.addi %mul3A_84, %add3A_85 : i32
      %mul3A_87 = arith.constant 80 : i32
      %mul3A_88 = arith.muli %add3A_86, %mul3A_87 : i32
      %dma_start3A_89 = tpu.memref_slice %arg4[%mul3A_88] : memref<10000xi32, #tpu.memory_space<vmem>> -> memref<80xi32, #tpu.memory_space<vmem>>
      %dma_start3A_90 = arith.constant 0 : i32
      %dma_start3A_91 = arith.constant 0 : i32
      %dma_start3A_92 = tpu.memref_slice %arg7[%dma_start3A_90, %dma_start3A_91] : memref<10000x128xf32, #tpu.memory_space<vmem_shared>> -> memref<10000x128xf32, #tpu.memory_space<vmem_shared>>
      tpu.enqueue_indirect_dma source(%arg5 : memref<80x128xf32, #tpu.memory_space<vmem>>) target(%dma_start3A_92 : memref<10000x128xf32, #tpu.memory_space<vmem_shared>>) offsets(%dma_start3A_89 : memref<80xi32, #tpu.memory_space<vmem>>) semaphore(%arg8 : memref<!tpu.dma_semaphore, #tpu.memory_space<semaphore_mem>>) {add = true}
      %mul3A_93 = arith.constant 5 : i32
      %mul3A_94 = arith.muli %scan3A_42, %mul3A_93 : i32
      %add3A_95 = arith.constant 0 : i32
      %add3A_96 = arith.addi %mul3A_94, %add3A_95 : i32
      %mul3A_97 = arith.constant 80 : i32
      %mul3A_98 = arith.muli %add3A_96, %mul3A_97 : i32
      %dma_wait3A = tpu.memref_slice %arg4[%mul3A_98] : memref<10000xi32, #tpu.memory_space<vmem>> -> memref<80xi32, #tpu.memory_space<vmem>>
      %dma_wait3A_99 = arith.constant 0 : i32
      %dma_wait3A_100 = arith.constant 0 : i32
      %dma_wait3A_101 = tpu.memref_slice %arg7[%dma_wait3A_99, %dma_wait3A_100] : memref<10000x128xf32, #tpu.memory_space<vmem_shared>> -> memref<10000x128xf32, #tpu.memory_space<vmem_shared>>
      tpu.wait_indirect_dma semaphore(%arg8 : memref<!tpu.dma_semaphore, #tpu.memory_space<semaphore_mem>>) src(%arg5 : memref<80x128xf32, #tpu.memory_space<vmem>>) dst(%dma_wait3A_101 : memref<10000x128xf32, #tpu.memory_space<vmem_shared>>)
      %mul3A_102 = arith.constant 5 : i32
      %mul3A_103 = arith.muli %scan3A_42, %mul3A_102 : i32
      %add3A_104 = arith.constant 1 : i32
      %add3A_105 = arith.addi %mul3A_103, %add3A_104 : i32
      %mul3A_106 = arith.constant 80 : i32
      %mul3A_107 = arith.muli %add3A_105, %mul3A_106 : i32
      %dma_wait3A_108 = tpu.memref_slice %arg4[%mul3A_107] : memref<10000xi32, #tpu.memory_space<vmem>> -> memref<80xi32, #tpu.memory_space<vmem>>
      %dma_wait3A_109 = arith.constant 0 : i32
      %dma_wait3A_110 = arith.constant 0 : i32
      %dma_wait3A_111 = tpu.memref_slice %arg7[%dma_wait3A_109, %dma_wait3A_110] : memref<10000x128xf32, #tpu.memory_space<vmem_shared>> -> memref<10000x128xf32, #tpu.memory_space<vmem_shared>>
      tpu.wait_indirect_dma semaphore(%arg8 : memref<!tpu.dma_semaphore, #tpu.memory_space<semaphore_mem>>) src(%arg5 : memref<80x128xf32, #tpu.memory_space<vmem>>) dst(%dma_wait3A_111 : memref<10000x128xf32, #tpu.memory_space<vmem_shared>>)
      %mul3A_112 = arith.constant 5 : i32
      %mul3A_113 = arith.muli %scan3A_42, %mul3A_112 : i32
      %add3A_114 = arith.constant 2 : i32
      %add3A_115 = arith.addi %mul3A_113, %add3A_114 : i32
      %mul3A_116 = arith.constant 80 : i32
      %mul3A_117 = arith.muli %add3A_115, %mul3A_116 : i32
      %dma_wait3A_118 = tpu.memref_slice %arg4[%mul3A_117] : memref<10000xi32, #tpu.memory_space<vmem>> -> memref<80xi32, #tpu.memory_space<vmem>>
      %dma_wait3A_119 = arith.constant 0 : i32
      %dma_wait3A_120 = arith.constant 0 : i32
      %dma_wait3A_121 = tpu.memref_slice %arg7[%dma_wait3A_119, %dma_wait3A_120] : memref<10000x128xf32, #tpu.memory_space<vmem_shared>> -> memref<10000x128xf32, #tpu.memory_space<vmem_shared>>
      tpu.wait_indirect_dma semaphore(%arg8 : memref<!tpu.dma_semaphore, #tpu.memory_space<semaphore_mem>>) src(%arg5 : memref<80x128xf32, #tpu.memory_space<vmem>>) dst(%dma_wait3A_121 : memref<10000x128xf32, #tpu.memory_space<vmem_shared>>)
      %mul3A_122 = arith.constant 5 : i32
      %mul3A_123 = arith.muli %scan3A_42, %mul3A_122 : i32
      %add3A_124 = arith.constant 3 : i32
      %add3A_125 = arith.addi %mul3A_123, %add3A_124 : i32
      %mul3A_126 = arith.constant 80 : i32
      %mul3A_127 = arith.muli %add3A_125, %mul3A_126 : i32
      %dma_wait3A_128 = tpu.memref_slice %arg4[%mul3A_127] : memref<10000xi32, #tpu.memory_space<vmem>> -> memref<80xi32, #tpu.memory_space<vmem>>
      %dma_wait3A_129 = arith.constant 0 : i32
      %dma_wait3A_130 = arith.constant 0 : i32
      %dma_wait3A_131 = tpu.memref_slice %arg7[%dma_wait3A_129, %dma_wait3A_130] : memref<10000x128xf32, #tpu.memory_space<vmem_shared>> -> memref<10000x128xf32, #tpu.memory_space<vmem_shared>>
      tpu.wait_indirect_dma semaphore(%arg8 : memref<!tpu.dma_semaphore, #tpu.memory_space<semaphore_mem>>) src(%arg5 : memref<80x128xf32, #tpu.memory_space<vmem>>) dst(%dma_wait3A_131 : memref<10000x128xf32, #tpu.memory_space<vmem_shared>>)
      %mul3A_132 = arith.constant 5 : i32
      %mul3A_133 = arith.muli %scan3A_42, %mul3A_132 : i32
      %add3A_134 = arith.constant 4 : i32
      %add3A_135 = arith.addi %mul3A_133, %add3A_134 : i32
      %mul3A_136 = arith.constant 80 : i32
      %mul3A_137 = arith.muli %add3A_135, %mul3A_136 : i32
      %dma_wait3A_138 = tpu.memref_slice %arg4[%mul3A_137] : memref<10000xi32, #tpu.memory_space<vmem>> -> memref<80xi32, #tpu.memory_space<vmem>>
      %dma_wait3A_139 = arith.constant 0 : i32
      %dma_wait3A_140 = arith.constant 0 : i32
      %dma_wait3A_141 = tpu.memref_slice %arg7[%dma_wait3A_139, %dma_wait3A_140] : memref<10000x128xf32, #tpu.memory_space<vmem_shared>> -> memref<10000x128xf32, #tpu.memory_space<vmem_shared>>
      tpu.wait_indirect_dma semaphore(%arg8 : memref<!tpu.dma_semaphore, #tpu.memory_space<semaphore_mem>>) src(%arg5 : memref<80x128xf32, #tpu.memory_space<vmem>>) dst(%dma_wait3A_141 : memref<10000x128xf32, #tpu.memory_space<vmem_shared>>)
      %scan3A_142 = arith.constant 0 : i32
      scf.yield %scan3A_142 : i32
    }
    %scan3A_31 = arith.constant 25 : i32
    %barrier3A_32 = arith.constant 0 : index
    tpu.barrier barrier_id(%barrier3A_32)
    %mul3A_33 = arith.constant 624 : i32
    %mul3A_34 = arith.muli %arg1, %mul3A_33 : i32
    %mul3A_35 = arith.constant 624 : i32
    %mul3A_36 = arith.muli %arg1, %mul3A_35 : i32
    "tpu.region"() ({
      %run_scoped3A = tpu.sem_alloc : memref<!tpu.dma_semaphore, #tpu.memory_space<semaphore_mem>>
      %dma_start3A = arith.constant 0 : i32
      %dma_start3A_42 = tpu.memref_slice %arg3[%arg0, %mul3A_36, %dma_start3A] : memref<2x10000x128xf32, #tpu.memory_space<hbm>> -> memref<1x624x128xf32, #tpu.memory_space<hbm>>
      %dma_start3A_43 = tpu.memref_squeeze %dma_start3A_42 : memref<1x624x128xf32, #tpu.memory_space<hbm>> -> memref<624x128xf32, #tpu.memory_space<hbm>>
      %dma_start3A_44 = arith.constant 0 : i32
      %dma_start3A_45 = tpu.memref_slice %arg7[%mul3A_34, %dma_start3A_44] : memref<10000x128xf32, #tpu.memory_space<vmem_shared>> -> memref<624x128xf32, #tpu.memory_space<vmem_shared>>
      tpu.enqueue_dma source(%dma_start3A_45 : memref<624x128xf32, #tpu.memory_space<vmem_shared>>) target(%dma_start3A_43 : memref<624x128xf32, #tpu.memory_space<hbm>>) target_semaphore(%run_scoped3A : memref<!tpu.dma_semaphore, #tpu.memory_space<semaphore_mem>>)
      %dma_wait3A = arith.constant 0 : i32
      %dma_wait3A_46 = tpu.memref_slice %arg3[%arg0, %mul3A_36, %dma_wait3A] : memref<2x10000x128xf32, #tpu.memory_space<hbm>> -> memref<1x624x128xf32, #tpu.memory_space<hbm>>
      %dma_wait3A_47 = tpu.memref_squeeze %dma_wait3A_46 : memref<1x624x128xf32, #tpu.memory_space<hbm>> -> memref<624x128xf32, #tpu.memory_space<hbm>>
      %dma_wait3A_48 = arith.constant 0 : i32
      %dma_wait3A_49 = tpu.memref_slice %arg7[%mul3A_34, %dma_wait3A_48] : memref<10000x128xf32, #tpu.memory_space<vmem_shared>> -> memref<624x128xf32, #tpu.memory_space<vmem_shared>>
      tpu.wait_dma2 semaphore(%run_scoped3A : memref<!tpu.dma_semaphore, #tpu.memory_space<semaphore_mem>>) src(%dma_wait3A_49 : memref<624x128xf32, #tpu.memory_space<vmem_shared>>) dst(%dma_wait3A_47 : memref<624x128xf32, #tpu.memory_space<hbm>>)
      tpu.yield
    }) : () -> ()
    %eq3A_37 = arith.constant 0 : i32
    %eq3A_38 = arith.cmpi eq, %arg1, %eq3A_37 : i32
    %convert_element_type3A_39 = arith.extui %eq3A_38 : i1 to i32
    %cond3A_40 = arith.constant 0 : i32
    %cond3A_41 = arith.cmpi ne, %convert_element_type3A_39, %cond3A_40 : i32
    scf.if %cond3A_41 {
      "tpu.region"() ({
        %run_scoped3A = tpu.sem_alloc : memref<!tpu.dma_semaphore, #tpu.memory_space<semaphore_mem>>
        %dma_start3A = arith.constant 9984 : i32
        %dma_start3A_42 = arith.constant 0 : i32
        %dma_start3A_43 = tpu.memref_slice %arg3[%arg0, %dma_start3A, %dma_start3A_42] : memref<2x10000x128xf32, #tpu.memory_space<hbm>> -> memref<1x16x128xf32, #tpu.memory_space<hbm>>
        %dma_start3A_44 = tpu.memref_squeeze %dma_start3A_43 : memref<1x16x128xf32, #tpu.memory_space<hbm>> -> memref<16x128xf32, #tpu.memory_space<hbm>>
        %dma_start3A_45 = arith.constant 9984 : i32
        %dma_start3A_46 = arith.constant 0 : i32
        %dma_start3A_47 = tpu.memref_slice %arg7[%dma_start3A_45, %dma_start3A_46] : memref<10000x128xf32, #tpu.memory_space<vmem_shared>> -> memref<16x128xf32, #tpu.memory_space<vmem_shared>>
        tpu.enqueue_dma source(%dma_start3A_47 : memref<16x128xf32, #tpu.memory_space<vmem_shared>>) target(%dma_start3A_44 : memref<16x128xf32, #tpu.memory_space<hbm>>) target_semaphore(%run_scoped3A : memref<!tpu.dma_semaphore, #tpu.memory_space<semaphore_mem>>)
        %dma_wait3A = arith.constant 9984 : i32
        %dma_wait3A_48 = arith.constant 0 : i32
        %dma_wait3A_49 = tpu.memref_slice %arg3[%arg0, %dma_wait3A, %dma_wait3A_48] : memref<2x10000x128xf32, #tpu.memory_space<hbm>> -> memref<1x16x128xf32, #tpu.memory_space<hbm>>
        %dma_wait3A_50 = tpu.memref_squeeze %dma_wait3A_49 : memref<1x16x128xf32, #tpu.memory_space<hbm>> -> memref<16x128xf32, #tpu.memory_space<hbm>>
        %dma_wait3A_51 = arith.constant 9984 : i32
        %dma_wait3A_52 = arith.constant 0 : i32
        %dma_wait3A_53 = tpu.memref_slice %arg7[%dma_wait3A_51, %dma_wait3A_52] : memref<10000x128xf32, #tpu.memory_space<vmem_shared>> -> memref<16x128xf32, #tpu.memory_space<vmem_shared>>
        tpu.wait_dma2 semaphore(%run_scoped3A : memref<!tpu.dma_semaphore, #tpu.memory_space<semaphore_mem>>) src(%dma_wait3A_53 : memref<16x128xf32, #tpu.memory_space<vmem_shared>>) dst(%dma_wait3A_50 : memref<16x128xf32, #tpu.memory_space<hbm>>)
        tpu.yield
      }) : () -> ()
    } else {
    }
    return
  }
}

module attributes {stable_mosaic.version = 14 : i64} {
  func.func @_tc_post_body(%arg0: i32, %arg1: memref<2x1000x128xf32, #tpu.memory_space<vmem>>, %arg2: memref<2x1000x128xf32, #tpu.memory_space<vmem>>, %arg3: memref<1000x128xf32, #tpu.memory_space<vmem>>, %arg4: memref<1000x128xf32, #tpu.memory_space<vmem>>) attributes {dimension_semantics = [#tpu.dimension_semantics<arbitrary>], iteration_bounds = array<i64: 10>, scalar_prefetch = 0 : i64, scratch_operands = 0 : i64, tpu.core_type = #tpu.core_type<tc>, window_params = [{transform_indices = @transform_0, window_bounds = array<i64: 2, 1000, 128>}, {transform_indices = @transform_1, window_bounds = array<i64: 2, 1000, 128>}, {transform_indices = @transform_2, window_bounds = array<i64: 1000, 128>}, {transform_indices = @transform_3, window_bounds = array<i64: 1000, 128>}]} {
    %get3A = arith.constant 0 : index
    %get3A_0 = arith.constant 0 : index
    %get3A_1 = arith.constant 0 : index
    %get3A_2 = vector.load %arg1[%get3A, %get3A_0, %get3A_1] : memref<2x1000x128xf32, #tpu.memory_space<vmem>>, vector<1x1000x128xf32>
    %get3A_3 = vector.shape_cast %get3A_2 : vector<1x1000x128xf32> to vector<1000x128xf32>
    %get3A_4 = arith.constant 1 : index
    %get3A_5 = arith.constant 0 : index
    %get3A_6 = arith.constant 0 : index
    %get3A_7 = vector.load %arg1[%get3A_4, %get3A_5, %get3A_6] : memref<2x1000x128xf32, #tpu.memory_space<vmem>>, vector<1x1000x128xf32>
    %get3A_8 = vector.shape_cast %get3A_7 : vector<1x1000x128xf32> to vector<1000x128xf32>
    %add3A = arith.addf %get3A_3, %get3A_8 : vector<1000x128xf32>
    %get3A_9 = arith.constant 0 : index
    %get3A_10 = arith.constant 0 : index
    %get3A_11 = arith.constant 0 : index
    %get3A_12 = vector.load %arg2[%get3A_9, %get3A_10, %get3A_11] : memref<2x1000x128xf32, #tpu.memory_space<vmem>>, vector<1x1000x128xf32>
    %get3A_13 = vector.shape_cast %get3A_12 : vector<1x1000x128xf32> to vector<1000x128xf32>
    %get3A_14 = arith.constant 1 : index
    %get3A_15 = arith.constant 0 : index
    %get3A_16 = arith.constant 0 : index
    %get3A_17 = vector.load %arg2[%get3A_14, %get3A_15, %get3A_16] : memref<2x1000x128xf32, #tpu.memory_space<vmem>>, vector<1x1000x128xf32>
    %get3A_18 = vector.shape_cast %get3A_17 : vector<1x1000x128xf32> to vector<1000x128xf32>
    %add3A_19 = arith.addf %get3A_13, %get3A_18 : vector<1000x128xf32>
    %slice3A = vector.extract_strided_slice %add3A_19 {offsets = [0, 0], sizes = [1000, 1], strides = [1, 1]} : vector<1000x128xf32> to vector<1000x1xf32>
    %max3A = arith.constant 1.000000e+00 : f32
    %max3A_20 = vector.broadcast %max3A : f32 to vector<1000x1xf32>
    %max3A_21 = arith.maximumf %slice3A, %max3A_20 : vector<1000x1xf32>
    %div3A = arith.constant 1.000000e+00 : f32
    %div3A_22 = vector.broadcast %div3A : f32 to vector<1000x1xf32>
    %div3A_23 = arith.divf %div3A_22, %max3A_21 : vector<1000x1xf32>
    %mul3A = vector.broadcast %div3A_23 : vector<1000x1xf32> to vector<1000x128xf32>
    %mul3A_24 = arith.mulf %add3A, %mul3A : vector<1000x128xf32>
    %get3A_25 = arith.constant 0 : index
    %get3A_26 = arith.constant 0 : index
    %get3A_27 = vector.load %arg3[%get3A_25, %get3A_26] : memref<1000x128xf32, #tpu.memory_space<vmem>>, vector<1000x128xf32>
    %add3A_28 = arith.addf %mul3A_24, %get3A_27 : vector<1000x128xf32>
    %swap3A = arith.constant 0 : index
    %swap3A_29 = arith.constant 0 : index
    %swap3A_30 = vector.load %arg4[%swap3A, %swap3A_29] : memref<1000x128xf32, #tpu.memory_space<vmem>>, vector<1000x128xf32>
    tpu.vector_store %arg4[%swap3A, %swap3A_29], %add3A_28 {strides = array<i32>} : memref<1000x128xf32, #tpu.memory_space<vmem>>, vector<1000x128xf32>,
    return
  }
  func.func @transform_0(%arg0: i32) -> (i32, i32, i32) {
    %c0_i32 = arith.constant 0 : i32
    %c0_i32_0 = arith.constant 0 : i32
    %c0_i32_1 = arith.constant 0 : i32
    return %c0_i32, %arg0, %c0_i32_0 : i32, i32, i32
  }
  func.func @transform_1(%arg0: i32) -> (i32, i32, i32) {
    %c0_i32 = arith.constant 0 : i32
    %c0_i32_0 = arith.constant 0 : i32
    %c0_i32_1 = arith.constant 0 : i32
    return %c0_i32, %arg0, %c0_i32_0 : i32, i32, i32
  }
  func.func @transform_2(%arg0: i32) -> (i32, i32) {
    %c0_i32 = arith.constant 0 : i32
    %c0_i32_0 = arith.constant 0 : i32
    return %arg0, %c0_i32 : i32, i32
  }
  func.func @transform_3(%arg0: i32) -> (i32, i32) {
    %c0_i32 = arith.constant 0 : i32
    %c0_i32_0 = arith.constant 0 : i32
    return %arg0, %c0_i32 : i32, i32
  }
}

module attributes {stable_mosaic.version = 14 : i64} {
  func.func @_tc_pre_body(%arg0: i32, %arg1: memref<1000x128xf32, #tpu.memory_space<vmem>>, %arg2: memref<128x128xf32, #tpu.memory_space<vmem>>, %arg3: memref<128x128xf32, #tpu.memory_space<vmem>>, %arg4: memref<1x128xf32, #tpu.memory_space<vmem>>, %arg5: memref<1000x128xf32, #tpu.memory_space<vmem>>, %arg6: memref<1000x128xf32, #tpu.memory_space<vmem>>) attributes {dimension_semantics = [#tpu.dimension_semantics<arbitrary>], iteration_bounds = array<i64: 10>, scalar_prefetch = 0 : i64, scratch_operands = 0 : i64, tpu.core_type = #tpu.core_type<tc>, window_params = [{transform_indices = @transform_0, window_bounds = array<i64: 1000, 128>}, {pipeline_mode = #tpu.pipeline_mode<synchronous>, transform_indices = @transform_1, window_bounds = array<i64: 128, 128>}, {pipeline_mode = #tpu.pipeline_mode<synchronous>, transform_indices = @transform_2, window_bounds = array<i64: 128, 128>}, {pipeline_mode = #tpu.pipeline_mode<synchronous>, transform_indices = @transform_3, window_bounds = array<i64: 1, 128>}, {transform_indices = @transform_4, window_bounds = array<i64: 1000, 128>}, {transform_indices = @transform_5, window_bounds = array<i64: 1000, 128>}]} {
    %get3A = arith.constant 0 : index
    %get3A_0 = arith.constant 0 : index
    %get3A_1 = vector.load %arg1[%get3A, %get3A_0] : memref<1000x128xf32, #tpu.memory_space<vmem>>, vector<1000x128xf32>
    %get3A_2 = arith.constant 0 : index
    %get3A_3 = arith.constant 0 : index
    %get3A_4 = vector.load %arg2[%get3A_2, %get3A_3] : memref<128x128xf32, #tpu.memory_space<vmem>>, vector<128x128xf32>
    %dot_general3A = arith.constant dense<0.000000e+00> : vector<1000x128xf32>
    %dot_general3A_5 = tpu.matmul %get3A_1, %get3A_4, %dot_general3A {dimension_numbers = #tpu.dot_dimension_numbers<[1], [1], [0], [0], [0, 0, 1, 0], [], []>, transpose_lhs_hint = false} : vector<1000x128xf32>, vector<128x128xf32>, vector<1000x128xf32> -> vector<1000x128xf32>
    %swap3A = arith.constant 0 : index
    %swap3A_6 = arith.constant 0 : index
    %swap3A_7 = vector.load %arg5[%swap3A, %swap3A_6] : memref<1000x128xf32, #tpu.memory_space<vmem>>, vector<1000x128xf32>
    tpu.vector_store %arg5[%swap3A, %swap3A_6], %dot_general3A_5 {strides = array<i32>} : memref<1000x128xf32, #tpu.memory_space<vmem>>, vector<1000x128xf32>,
    %get3A_8 = arith.constant 0 : index
    %get3A_9 = arith.constant 0 : index
    %get3A_10 = vector.load %arg3[%get3A_8, %get3A_9] : memref<128x128xf32, #tpu.memory_space<vmem>>, vector<128x128xf32>
    %dot_general3A_11 = arith.constant dense<0.000000e+00> : vector<1000x128xf32>
    %dot_general3A_12 = tpu.matmul %get3A_1, %get3A_10, %dot_general3A_11 {dimension_numbers = #tpu.dot_dimension_numbers<[1], [1], [0], [0], [0, 0, 1, 0], [], []>, transpose_lhs_hint = false} : vector<1000x128xf32>, vector<128x128xf32>, vector<1000x128xf32> -> vector<1000x128xf32>
    %get3A_13 = arith.constant 0 : index
    %get3A_14 = arith.constant 0 : index
    %get3A_15 = vector.load %arg4[%get3A_13, %get3A_14] : memref<1x128xf32, #tpu.memory_space<vmem>>, vector<1x128xf32>
    %add3A = vector.broadcast %get3A_15 : vector<1x128xf32> to vector<1000x128xf32>
    %add3A_16 = arith.addf %dot_general3A_12, %add3A : vector<1000x128xf32>
    %swap3A_17 = arith.constant 0 : index
    %swap3A_18 = arith.constant 0 : index
    %swap3A_19 = vector.load %arg6[%swap3A_17, %swap3A_18] : memref<1000x128xf32, #tpu.memory_space<vmem>>, vector<1000x128xf32>
    tpu.vector_store %arg6[%swap3A_17, %swap3A_18], %add3A_16 {strides = array<i32>} : memref<1000x128xf32, #tpu.memory_space<vmem>>, vector<1000x128xf32>,
    return
  }
  func.func @transform_0(%arg0: i32) -> (i32, i32) {
    %c0_i32 = arith.constant 0 : i32
    %c0_i32_0 = arith.constant 0 : i32
    return %arg0, %c0_i32 : i32, i32
  }
  func.func @transform_1(%arg0: i32) -> (i32, i32) {
    %c0_i32 = arith.constant 0 : i32
    %c0_i32_0 = arith.constant 0 : i32
    %c0_i32_1 = arith.constant 0 : i32
    return %c0_i32, %c0_i32_0 : i32, i32
  }
  func.func @transform_2(%arg0: i32) -> (i32, i32) {
    %c0_i32 = arith.constant 0 : i32
    %c0_i32_0 = arith.constant 0 : i32
    %c0_i32_1 = arith.constant 0 : i32
    return %c0_i32, %c0_i32_0 : i32, i32
  }
  func.func @transform_3(%arg0: i32) -> (i32, i32) {
    %c0_i32 = arith.constant 0 : i32
    %c0_i32_0 = arith.constant 0 : i32
    %c0_i32_1 = arith.constant 0 : i32
    return %c0_i32, %c0_i32_0 : i32, i32
  }
  func.func @transform_4(%arg0: i32) -> (i32, i32) {
    %c0_i32 = arith.constant 0 : i32
    %c0_i32_0 = arith.constant 0 : i32
    return %arg0, %c0_i32 : i32, i32
  }
  func.func @transform_5(%arg0: i32) -> (i32, i32) {
    %c0_i32 = arith.constant 0 : i32
    %c0_i32_0 = arith.constant 0 : i32
    return %arg0, %c0_i32 : i32, i32
  }
}

module attributes {stable_mosaic.version = 14 : i64} {
  func.func @_tc_combo_body(%arg0: i32, %arg1: memref<2x1000x128xf32, #tpu.memory_space<vmem>>, %arg2: memref<2x1000x128xf32, #tpu.memory_space<vmem>>, %arg3: memref<1000x128xf32, #tpu.memory_space<vmem>>, %arg4: memref<128x128xf32, #tpu.memory_space<vmem>>, %arg5: memref<128x128xf32, #tpu.memory_space<vmem>>, %arg6: memref<1x128xf32, #tpu.memory_space<vmem>>, %arg7: memref<1000x128xf32, #tpu.memory_space<vmem>>, %arg8: memref<1000x128xf32, #tpu.memory_space<vmem>>) attributes {dimension_semantics = [#tpu.dimension_semantics<arbitrary>], iteration_bounds = array<i64: 10>, scalar_prefetch = 0 : i64, scratch_operands = 0 : i64, tpu.core_type = #tpu.core_type<tc>, window_params = [{transform_indices = @transform_0, window_bounds = array<i64: 2, 1000, 128>}, {transform_indices = @transform_1, window_bounds = array<i64: 2, 1000, 128>}, {transform_indices = @transform_2, window_bounds = array<i64: 1000, 128>}, {pipeline_mode = #tpu.pipeline_mode<synchronous>, transform_indices = @transform_3, window_bounds = array<i64: 128, 128>}, {pipeline_mode = #tpu.pipeline_mode<synchronous>, transform_indices = @transform_4, window_bounds = array<i64: 128, 128>}, {pipeline_mode = #tpu.pipeline_mode<synchronous>, transform_indices = @transform_5, window_bounds = array<i64: 1, 128>}, {transform_indices = @transform_6, window_bounds = array<i64: 1000, 128>}, {transform_indices = @transform_7, window_bounds = array<i64: 1000, 128>}]} {
    %get3A = arith.constant 0 : index
    %get3A_0 = arith.constant 0 : index
    %get3A_1 = arith.constant 0 : index
    %get3A_2 = vector.load %arg1[%get3A, %get3A_0, %get3A_1] : memref<2x1000x128xf32, #tpu.memory_space<vmem>>, vector<1x1000x128xf32>
    %get3A_3 = vector.shape_cast %get3A_2 : vector<1x1000x128xf32> to vector<1000x128xf32>
    %get3A_4 = arith.constant 1 : index
    %get3A_5 = arith.constant 0 : index
    %get3A_6 = arith.constant 0 : index
    %get3A_7 = vector.load %arg1[%get3A_4, %get3A_5, %get3A_6] : memref<2x1000x128xf32, #tpu.memory_space<vmem>>, vector<1x1000x128xf32>
    %get3A_8 = vector.shape_cast %get3A_7 : vector<1x1000x128xf32> to vector<1000x128xf32>
    %add3A = arith.addf %get3A_3, %get3A_8 : vector<1000x128xf32>
    %get3A_9 = arith.constant 0 : index
    %get3A_10 = arith.constant 0 : index
    %get3A_11 = arith.constant 0 : index
    %get3A_12 = vector.load %arg2[%get3A_9, %get3A_10, %get3A_11] : memref<2x1000x128xf32, #tpu.memory_space<vmem>>, vector<1x1000x128xf32>
    %get3A_13 = vector.shape_cast %get3A_12 : vector<1x1000x128xf32> to vector<1000x128xf32>
    %get3A_14 = arith.constant 1 : index
    %get3A_15 = arith.constant 0 : index
    %get3A_16 = arith.constant 0 : index
    %get3A_17 = vector.load %arg2[%get3A_14, %get3A_15, %get3A_16] : memref<2x1000x128xf32, #tpu.memory_space<vmem>>, vector<1x1000x128xf32>
    %get3A_18 = vector.shape_cast %get3A_17 : vector<1x1000x128xf32> to vector<1000x128xf32>
    %add3A_19 = arith.addf %get3A_13, %get3A_18 : vector<1000x128xf32>
    %slice3A = vector.extract_strided_slice %add3A_19 {offsets = [0, 0], sizes = [1000, 1], strides = [1, 1]} : vector<1000x128xf32> to vector<1000x1xf32>
    %max3A = arith.constant 1.000000e+00 : f32
    %max3A_20 = vector.broadcast %max3A : f32 to vector<1000x1xf32>
    %max3A_21 = arith.maximumf %slice3A, %max3A_20 : vector<1000x1xf32>
    %div3A = arith.constant 1.000000e+00 : f32
    %div3A_22 = vector.broadcast %div3A : f32 to vector<1000x1xf32>
    %div3A_23 = arith.divf %div3A_22, %max3A_21 : vector<1000x1xf32>
    %mul3A = vector.broadcast %div3A_23 : vector<1000x1xf32> to vector<1000x128xf32>
    %mul3A_24 = arith.mulf %add3A, %mul3A : vector<1000x128xf32>
    %get3A_25 = arith.constant 0 : index
    %get3A_26 = arith.constant 0 : index
    %get3A_27 = vector.load %arg3[%get3A_25, %get3A_26] : memref<1000x128xf32, #tpu.memory_space<vmem>>, vector<1000x128xf32>
    %add3A_28 = arith.addf %mul3A_24, %get3A_27 : vector<1000x128xf32>
    %max3A_29 = arith.constant 0.000000e+00 : f32
    %max3A_30 = vector.broadcast %max3A_29 : f32 to vector<1000x128xf32>
    %max3A_31 = arith.maximumf %add3A_28, %max3A_30 : vector<1000x128xf32>
    %get3A_32 = arith.constant 0 : index
    %get3A_33 = arith.constant 0 : index
    %get3A_34 = vector.load %arg4[%get3A_32, %get3A_33] : memref<128x128xf32, #tpu.memory_space<vmem>>, vector<128x128xf32>
    %dot_general3A = arith.constant dense<0.000000e+00> : vector<1000x128xf32>
    %dot_general3A_35 = tpu.matmul %max3A_31, %get3A_34, %dot_general3A {dimension_numbers = #tpu.dot_dimension_numbers<[1], [1], [0], [0], [0, 0, 1, 0], [], []>, transpose_lhs_hint = false} : vector<1000x128xf32>, vector<128x128xf32>, vector<1000x128xf32> -> vector<1000x128xf32>
    %swap3A = arith.constant 0 : index
    %swap3A_36 = arith.constant 0 : index
    %swap3A_37 = vector.load %arg7[%swap3A, %swap3A_36] : memref<1000x128xf32, #tpu.memory_space<vmem>>, vector<1000x128xf32>
    tpu.vector_store %arg7[%swap3A, %swap3A_36], %dot_general3A_35 {strides = array<i32>} : memref<1000x128xf32, #tpu.memory_space<vmem>>, vector<1000x128xf32>,
    %get3A_38 = arith.constant 0 : index
    %get3A_39 = arith.constant 0 : index
    %get3A_40 = vector.load %arg5[%get3A_38, %get3A_39] : memref<128x128xf32, #tpu.memory_space<vmem>>, vector<128x128xf32>
    %dot_general3A_41 = arith.constant dense<0.000000e+00> : vector<1000x128xf32>
    %dot_general3A_42 = tpu.matmul %max3A_31, %get3A_40, %dot_general3A_41 {dimension_numbers = #tpu.dot_dimension_numbers<[1], [1], [0], [0], [0, 0, 1, 0], [], []>, transpose_lhs_hint = false} : vector<1000x128xf32>, vector<128x128xf32>, vector<1000x128xf32> -> vector<1000x128xf32>
    %get3A_43 = arith.constant 0 : index
    %get3A_44 = arith.constant 0 : index
    %get3A_45 = vector.load %arg6[%get3A_43, %get3A_44] : memref<1x128xf32, #tpu.memory_space<vmem>>, vector<1x128xf32>
    %add3A_46 = vector.broadcast %get3A_45 : vector<1x128xf32> to vector<1000x128xf32>
    %add3A_47 = arith.addf %dot_general3A_42, %add3A_46 : vector<1000x128xf32>
    %swap3A_48 = arith.constant 0 : index
    %swap3A_49 = arith.constant 0 : index
    %swap3A_50 = vector.load %arg8[%swap3A_48, %swap3A_49] : memref<1000x128xf32, #tpu.memory_space<vmem>>, vector<1000x128xf32>
    tpu.vector_store %arg8[%swap3A_48, %swap3A_49], %add3A_47 {strides = array<i32>} : memref<1000x128xf32, #tpu.memory_space<vmem>>, vector<1000x128xf32>,
    return
  }
  func.func @transform_0(%arg0: i32) -> (i32, i32, i32) {
    %c0_i32 = arith.constant 0 : i32
    %c0_i32_0 = arith.constant 0 : i32
    %c0_i32_1 = arith.constant 0 : i32
    return %c0_i32, %arg0, %c0_i32_0 : i32, i32, i32
  }
  func.func @transform_1(%arg0: i32) -> (i32, i32, i32) {
    %c0_i32 = arith.constant 0 : i32
    %c0_i32_0 = arith.constant 0 : i32
    %c0_i32_1 = arith.constant 0 : i32
    return %c0_i32, %arg0, %c0_i32_0 : i32, i32, i32
  }
  func.func @transform_2(%arg0: i32) -> (i32, i32) {
    %c0_i32 = arith.constant 0 : i32
    %c0_i32_0 = arith.constant 0 : i32
    return %arg0, %c0_i32 : i32, i32
  }
  func.func @transform_3(%arg0: i32) -> (i32, i32) {
    %c0_i32 = arith.constant 0 : i32
    %c0_i32_0 = arith.constant 0 : i32
    %c0_i32_1 = arith.constant 0 : i32
    return %c0_i32, %c0_i32_0 : i32, i32
  }
  func.func @transform_4(%arg0: i32) -> (i32, i32) {
    %c0_i32 = arith.constant 0 : i32
    %c0_i32_0 = arith.constant 0 : i32
    %c0_i32_1 = arith.constant 0 : i32
    return %c0_i32, %c0_i32_0 : i32, i32
  }
  func.func @transform_5(%arg0: i32) -> (i32, i32) {
    %c0_i32 = arith.constant 0 : i32
    %c0_i32_0 = arith.constant 0 : i32
    %c0_i32_1 = arith.constant 0 : i32
    return %c0_i32, %c0_i32_0 : i32, i32
  }
  func.func @transform_6(%arg0: i32) -> (i32, i32) {
    %c0_i32 = arith.constant 0 : i32
    %c0_i32_0 = arith.constant 0 : i32
    return %arg0, %c0_i32 : i32, i32
  }
  func.func @transform_7(%arg0: i32) -> (i32, i32) {
    %c0_i32 = arith.constant 0 : i32
    %c0_i32_0 = arith.constant 0 : i32
    return %arg0, %c0_i32 : i32, i32
  }
}

</mosaic_0001>

<sc_bundles>
// kernel: kernel.10.cloned.1.call-start
scs
__scs_entry_jumppad:
0x0: {  	(pc) =	sbr.rel $0x88, $3  }
0x1: {  	(tag) =	ssettag $0x0;
	lr =	simm.s32 $0x1  }
0x2: {  	[smem:$0x3F96] =	sst lr;
	_ =	strace $0xD0000000  }
0x3: {  	_ = 	snop  }
0x4: {  	_ = 	snop  }
0x5: {  	_ = 	snop  }
0x6: {  	_ = 	snop  }
0x7: {  	_ = 	snop  }
__scs_overlays_trampoline_lowered:
0x8: {  	[smem:$0x3FA5] =	sst s0  }
0x9: {  	[smem:$0x3FA6] =	sst s1  }
0xa: {  	[smem:$0x3FA7] =	sst s2  }
0xb: {  	[smem:$0x3FA8] =	sst s3  }
0xc: {  	[smem:$0x3FA9] =	sst s4  }
0xd: {  	[smem:$0x3FAA] =	sst s5  }
0xe: {  	[smem:$0x3FAB] =	sst s6  }
0xf: {  	[smem:$0x3FAC] =	sst s7  }
0x10: {  	[smem:$0x3FAD] =	sst s8  }
0x11: {  	[smem:$0x3FAE] =	sst s9;
	s0 =	simm.s32 @!p0 $0x0  }
0x12: {  	s1 =	sld [smem:$0x3F94];
	s0 =	simm.s32 @p0 $0x1  }
0x13: {  	[smem:$0x3FAF] =	sst s0;
	s0 =	simm.s32 @!p1 $0x0  }
0x14: {  	s2 =	sld [smem:$0x3F93];
	s0 =	simm.s32 @p1 $0x1  }
0x15: {  	[smem:$0x3FB0] =	sst s0;
	s0 =	simm.s32 @!p2 $0x0  }
0x16: {  	s3 =	sld [smem:$0x3FDB];
	s0 =	simm.s32 @p2 $0x1  }
0x17: {  	s4 =	simm.s32 $0x1BF5;
	[smem:$0x3FB2] =	sst s0  }
0x18: {  	s0 =	sld [smem:$0x3F95];
	_ =	swait.ge [sflag:s4], $0x0  }
0x19: {  	s7 =	sld [smem:$0x3F96]  }
0x1a: {  	s8 =	sadd.s32 $0xFFFFE003, lr  }
0x1b: {  	s9 =	sadd.s32 $0xFFFFFEF7, lr;
	s5 =	simm.s32 $0xFFFFFFFF;
	p2 =	slt.u32 s8, $0xFFFFF086  }
0x1c: {  	p1 =	slt.u32 s9, $0xF7A;
	s5 =	simm.s32 @!p2 $0x0  }
0x1d: {  	s5 =	simm.s32 @p1 $0x1;
	p0 =	seq.s32 s7, s2  }
0x1e: {  	s7 =	smul.u32 @!p0 $0xF7A, s2;
	p2 =	seq.s32 @!p0 s5, $0x0  }
0x1f: {  	s9 =	smul.u32 $0xF7A, s1;
	s8 =	simm.s32 @!p0 $0x1BF5;
	p2 =	por !p2, p0  }
0x20: {  	[sflag:s8] =	ssyncset.s32 @!p0 $0xFFFFF086;
	s6 =	sadd.s32 @!p0 s3, s7;
	s7 =	simm.s32 @!p0 $0x108  }
0x21: {  	s3 =	sadd.s32 s3, s9;
	s6 =	sadd.s32 @!p0 $0x88, s6;
	s7 =	simm.s32 @p2 $0x1082  }
0x22: {  	[simem:s7], [sflag:s8] =	dma.local @!p0 [hbm:s6], $0xF7A  }
0x23: {  	s9 =	sor.u32 $0xD0000000, s2;
	s6 =	simm.s32 $0x108;
	_ =	swait.ge @!p0 [sflag:s8], $0x0  }
0x24: {  	s3 =	sadd.s32 $0x88, s3;
	s6 =	simm.s32 @!p1 $0x1082;
	[sflag:s4] =	ssyncset.s32 $0xFFFFF086  }
0x25: {  	[simem:s6], [sflag:s4] =	dma.local [hbm:s3], $0xF7A  }
0x26: {  	[smem:$0x3F96] =	sst s1;
	(tag) =	ssettag s2;
	_ =	strace s9  }
0x27: {  	s1 =	sld [smem:$0x3FA6]  }
0x28: {  	s2 =	sld [smem:$0x3FA7]  }
0x29: {  	s4 =	sld [smem:$0x3FA9]  }
0x2a: {  	p0 =	seq.s32 s5, $0x0;
	s5 =	sld [smem:$0x3FAA]  }
0x2b: {  	s6 =	sld [smem:$0x3FAB]  }
0x2c: {  	s7 =	sld [smem:$0x3FAC]  }
0x2d: {  	s3 =	simm.s32 $0x108;
	s8 =	sld [smem:$0x3FAD]  }
0x2e: {  	s3 =	simm.s32 @!p0 $0x1082;
	s9 =	sld [smem:$0x3FAE]  }
0x2f: {  	lr =	sadd.s32 s0, s3;
	s0 =	sld [smem:$0x3FA5]  }
0x30: {  	s3 =	sld [smem:$0x3FA8]  }
0x31: {  	[smem:$0x3FB1] =	sst s10  }
0x32: {  	s10 =	sld [smem:$0x3FAF];
	_ =	sdelay $0x3  }
0x33: {  	p0 =	seq.s32 s10, $0x1;
	s10 =	sld [smem:$0x3FB1];
	_ =	sdelay $0x3  }
0x34: {  	[smem:$0x3FB1] =	sst s10  }
0x35: {  	s10 =	sld [smem:$0x3FB0];
	_ =	sdelay $0x3  }
0x36: {  	p1 =	seq.s32 s10, $0x1;
	s10 =	sld [smem:$0x3FB1];
	_ =	sdelay $0x3  }
0x37: {  	[smem:$0x3FB1] =	sst s10  }
0x38: {  	s10 =	sld [smem:$0x3FB2]  }
0x39: {  	_ = 	snop;
	(pc) =	sbr.ind lr, $3  }
0x3a: {  	_ = 	snop  }
0x3b: {  	_ = 	snop  }
0x3c: {  	p2 =	seq.s32 s10, $0x1;
	s10 =	sld [smem:$0x3FB1]  }
0x3d: {  	_ =	shalt  }
0x3e: {  	_ =	shalt  }
0x3f: {  	_ =	shalt  }
0x40: {  	_ =	shalt  }
0x41: {  	_ =	shalt  }
0x42: {  	_ =	shalt  }
0x43: {  	_ =	shalt  }
0x44: {  	_ =	shalt  }
0x45: {  	_ =	shalt  }
0x46: {  	_ =	shalt  }
0x47: {  	_ =	shalt  }
0x48: {  	_ =	shalt  }
0x49: {  	_ =	shalt  }
0x4a: {  	_ =	shalt  }
0x4b: {  	_ =	shalt  }
0x4c: {  	_ =	shalt  }
0x4d: {  	_ =	shalt  }
0x4e: {  	_ =	shalt  }
0x4f: {  	_ =	shalt  }
0x50: {  	_ =	shalt  }
0x51: {  	_ =	shalt  }
0x52: {  	_ =	shalt  }
0x53: {  	_ =	shalt  }
0x54: {  	_ =	shalt  }
0x55: {  	_ =	shalt  }
0x56: {  	_ =	shalt  }
0x57: {  	_ =	shalt  }
0x58: {  	_ =	shalt  }
0x59: {  	_ =	shalt  }
0x5a: {  	_ =	shalt  }
0x5b: {  	_ =	shalt  }
0x5c: {  	_ =	shalt  }
0x5d: {  	_ =	shalt  }
0x5e: {  	_ =	shalt  }
0x5f: {  	_ =	shalt  }
0x60: {  	_ =	shalt  }
0x61: {  	_ =	shalt  }
0x62: {  	_ =	shalt  }
0x63: {  	_ =	shalt  }
0x64: {  	_ =	shalt  }
0x65: {  	_ =	shalt  }
0x66: {  	_ =	shalt  }
0x67: {  	_ =	shalt  }
0x68: {  	_ =	shalt  }
0x69: {  	_ =	shalt  }
0x6a: {  	_ =	shalt  }
0x6b: {  	_ =	shalt  }
0x6c: {  	_ =	shalt  }
0x6d: {  	_ =	shalt  }
0x6e: {  	_ =	shalt  }
0x6f: {  	_ =	shalt  }
0x70: {  	_ =	shalt  }
0x71: {  	_ =	shalt  }
0x72: {  	_ =	shalt  }
0x73: {  	_ =	shalt  }
0x74: {  	_ =	shalt  }
0x75: {  	_ =	shalt  }
0x76: {  	_ =	shalt  }
0x77: {  	_ =	shalt  }
0x78: {  	_ =	shalt  }
0x79: {  	_ =	shalt  }
0x7a: {  	_ =	shalt  }
0x7b: {  	_ =	shalt  }
0x7c: {  	_ =	shalt  }
0x7d: {  	_ =	shalt  }
0x7e: {  	_ =	shalt  }
0x7f: {  	_ =	shalt  }
0x80: {  	_ =	shalt  }
0x81: {  	_ =	shalt  }
0x82: {  	_ =	shalt  }
0x83: {  	_ =	shalt  }
0x84: {  	_ =	shalt  }
0x85: {  	_ =	shalt  }
0x86: {  	_ =	shalt  }
0x87: {  	_ =	shalt  }
.Lfunc_end0:
.L_simem_size_0:
called_computation_lowered:
.L_overlay_start_0:
0x88: {  	s2 =	sld [smem:$0x3FD9]  }
0x89: {  	s3 =	sld [smem:$0x3FFE];
	_ =	sdelay $0x1  }
0x8a: {  	s1 =	srdreg.scid  }
0x8b: {  	s0 =	sand.u32 $0x1, s1  }
0x8c: {  	s17 =	sshll.u32 s0, $0xA;
	s2 =	sadd.s32 s3, s2  }
0x8d: {  	s2 =	sadd.s32 s2, s17  }
0x8e: {  	[smem:$0x3FBD] =	sst s2  }
0x8f: {  	_ = 	snop  }
0x90: {  	(tm) =	ssettm $0x1  }
0x91: {  	s18 =	sld [smem:$0x3FFB];
	_ =	sdelay $0x3  }
0x92: {  	_ =	strace s18  }
0x93: {  	s2 =	sld [smem:$0x3FFC];
	_ =	sdelay $0x3  }
0x94: {  	_ =	strace s2  }
0x95: {  	s2 =	sld [smem:$0x3FFD];
	_ =	sdelay $0x3  }
0x96: {  	_ =	strace s2  }
0x97: {  	_ =	strace $0x8FFFFFFF  }
0x98: {  	s19 =	sld [smem:$0x3FDB];
	_ =	sdelay $0x1  }
0x99: {  	s20 =	simm.s32 $_scs_section_size  }
0x9a: {  	s4 =	simm.s32 $_size__tile_overlayer_lowered;
	s5 =	simm.s32 $_tile_overlayer_lowered  }
0x9b: {  	s6 =	simm.s32 $0x1BFF;
	s21 =	sshll.u32 s5, $0x1;
	s3 =	sadd.s32 s20, s19  }
0x9c: {  	s22 =	simm.s32 $0x0;
	s4 =	sshll.u32 s4, $0x1;
	s5 =	sadd.s32 s21, s3  }
0x9d: {  	[timem:s22], [sflag:s6] =	dma.local [hbm:s5], s4  }
0x9e: {  	_ =	swait.ge [sflag:s6], s4  }
0x9f: {  	s4 =	ssub.s32 $0x0, s4;
	[sflag:s6] =	ssyncset.done $0x0  }
0xa0: {  	[sflag:s6] =	ssyncadd.s32 s4;
	_ =	sdelay $0x1  }
0xa1: {  	s23 =	simm.s32 $0x1B8B  }
0xa2: {  	_ =	swait.ge [sflag:s23], $0x1  }
0xa3: {  	[sflag:s23] =	ssyncset.done $0x0  }
0xa4: {  	[sflag:s23] =	ssyncadd.s32 $0xFFFFFFFF  }
0xa5: {  	s4 =	sld [smem:$0x0]  }
0xa6: {  	s5 =	sand.u32 $0xFFFFFFFE, s1  }
0xa7: {  	p0 =	sne.s32 s1, s5  }
0xa8: {  	s5 =	sshll.u32 @p0 s5, $0xE  }
0xa9: {  	s5 =	sadd.s32 @p0 $0x11B8D, s5;
	s6 =	sshll.u32 @p0 s4, $0x11  }
0xaa: {  	s5 =	sor.u32 @p0 s6, s5  }
0xab: {  	[sflag:s5] =	ssyncadd.remote.s32 @p0 $0x1;
	_ =	sdelay $0x1  }
0xac: {  	s5 =	simm.s32 @p0 $0x1B8D  }
0xad: {  	_ =	swait.eq @p0 [sflag:s5], $0x1  }
0xae: {  	[sflag:s5] =	ssyncadd.s32 @p0 $0xFFFFFFFF  }
0xaf: {  	s6 =	sshll.u32 @!p0 s1, $0xE  }
0xb0: {  	s6 =	sor.u32 @!p0 $0x4000, s6;
	s5 =	simm.s32 @!p0 $0x1B8D  }
0xb1: {  	s4 =	sshll.u32 @!p0 s4, $0x11;
	s6 =	sadd.s32 @!p0 $0x11B8D, s6;
	_ =	swait.eq @!p0 [sflag:s5], $0x1  }
0xb2: {  	s4 =	sor.u32 @!p0 s4, s6;
	[sflag:s5] =	ssyncadd.s32 @!p0 $0xFFFFFFFF  }
0xb3: {  	s25 =	simm.s32 $0x1B8E;
	s24 =	sld [smem:$0x3FFE];
	[sflag:s4] =	ssyncadd.remote.s32 @!p0 $0x1  }
0xb4: {  	s26 =	simm.s32 $execute0_lowered;
	[smem:$0x3FD2] =	sst s25  }
0xb5: {  	s5 =	sshll.u32 s26, $0x1;
	_ =	strace $0x80000049;
	[dreg:$0x1] =	wrdreg $0xFFFFFFFF  }
0xb6: {  	s28 =	simm.s32 $_size_execute0_lowered;
	s3 =	sadd.s32 s3, s5;
	[dreg:$0x0] =	wrdreg $0x0  }
0xb7: {  	s5 =	sshll.u32 s28, $0x1;
	[dreg:$0x2] =	wrdreg s3  }
0xb8: {  	[dreg:$0x3] =	wrdreg s5  }
0xb9: {  	[dreg:$0x4] =	wrdreg $0xC0  }
0xba: {  	_ =	task [dreg:s22], $0x5FFFF  }
0xbb: {  	[dreg:$0x1] =	wrdreg $0xFFFFFFFF  }
0xbc: {  	[dreg:$0x0] =	wrdreg $0x60  }
0xbd: {  	[dreg:$0x2] =	wrdreg s24  }
0xbe: {  	[dreg:$0x3] =	wrdreg $0x53800  }
0xbf: {  	[dreg:$0x4] =	wrdreg $0x9  }
0xc0: {  	_ =	task.clear_ibuf [dreg:s22], $0x5FFFF;
	_ =	strace $0x90000049  }
0xc1: {  	s29 =	simm.s32 $0x9;
	_ =	strace $0x8000004B  }
0xc2: {  	_ =	swait.ge [sflag:s29], $0x1  }
0xc3: {  	[sflag:s29] =	ssyncadd.s32 $0xFFFFFFFF  }
0xc4: {  	_ =	strace $0x9000004B  }
0xc5: {  	_ =	sfence  }
0xc6: {  	s30 =	sld [smem:$0x0];
	_ =	sdelay $0x2  }
0xc7: {  	s31 =	sshll.u32 s1, $0xD;
	s1 =	sshrl.u32 s1, $0x2  }
0xc8: {  	s4 =	sand.u32 $0x4000, s31;
	s1 =	sadd.s32 s1, s30  }
0xc9: {  	s0 =	sor.u32 s4, s0;
	s1 =	sshll.u32 s1, $0x11  }
0xca: {  	s0 =	sor.u32 s1, s0  }
0xcb: {  	s0 =	sadd.s32 $0x8F2B, s0  }
0xcc: {  	[sflag:s0] =	ssyncadd.remote.s32 $0x1  }
0xcd: {  	_ =	sfence.sel $0xFFFF  }
0xce: {  	[dreg:$0x0] =	wrdreg $0xFFFFFFFF;
	(pc) =	sbr.abs _section_cstart, $3  }
0xcf: {  	[dreg:$0x1] =	wrdreg $0xFFFFFFFF  }
0xd0: {  	_ =	task.clear_ibuf [dreg:s22], $0x2FFFF;
	_ =	strace $0x9FFFFFFF  }
0xd1: {  	(tm) =	ssettm $0x7FFFFFFF  }
tec
execute0_lowered:
.L_overlay_start_1:
0x0: {  	(tag) =	ssettag $0x1  }
0x1: {  	s0 =	srdreg.scid;
	s5 =	rddreg [dreg:$0x0]  }
0x2: {  	s2 =	rddreg [dreg:$0x1];
	s3 =	simm.s32 $0x0;
	s12 =	simm.s32 $0x2  }
0x3: {  	s13 =	simm.s32 $0x50;
	s4 =	sand.u32 $0x1, s0;
	s0 =	stileid.u32  }
0x4: {  	s14 =	simm.s32 $0x2780;
	s15 =	simm.s32 $0x1;
	s7 =	smul.u32 $0x4E000, s0  }
0x5: {  	s1 =	sshll.u32 s4, $0x4;
	s8 =	ssub.s32 $0x2, s4;
	s4 =	smul.u32 $0x138800, s4  }
0x6: {  	[smem:$0x7FF] =	sst s3;
	s11 =	sadd.s32 $0x64800, s5;
	s10 =	smul.u32 $0x13800, s0  }
0x7: {  	p0 =	sne.s32 s0, $0x0;
	s1 =	sor.u32 s0, s1;
	s9 =	sshrl.u32 s8, $0x1  }
0x8: {  	s6 =	smul.u32 $0x4E2, s1;
	s1 =	rddreg [dreg:$0x2];
	_ =	strace $0x8000004A  }
0x9: {  	s9 =	ssub.s32 s8, s9;
	s29 =	sshrl.u32 s7, $0x2;
	s30 =	sadd.s32 s10, s4  }
0xa: {  	s31 =	sshrl.u32 s4, $0x3;
	s10 =	sadd.s32 $0x138400, s2;
	s4 =	sadd.s32 s29, s2  }
0xb: {  	s7 =	sshrl.u32 s30, $0x3;
	s8 =	sadd.s32 s11, s31;
	s6 =	sadd.s32 s6, s5  }
0xc: {  	s9 =	smax.u32 s9, $0x1;
	s5 =	sadd.s32 $0x2A00, s6;
	s6 =	sadd.s32 s11, s7  }
0xd: {  	v0 =	vimm.f32 $1.000000000e+00;
	v1 =	vimm.f32 $0.0e+00;
	s7 =	sadd.s32 $0x27000, s8;
	s8 =	sadd.s32 $0x138000, s2;
	s11 =	simm.s32 $0x4F80  }
.LBB2_1:
0xe: {  	s16 =	simm.s32 $0x70;
	s17 =	simm.s32 $0x3C0  }
.LBB2_2:
0xf: {  	p1 =	sne.s32 s17, $0x9FC0;
	[tilespmem:s16+$0x2780] =	vst v0  }
0x10: {  	[tilespmem:s16+$0x2710] =	vst v0  }
0x11: {  	[tilespmem:s16+$0x2720] =	vst v0  }
.Ltmp0:
0x12: {  	[tilespmem:s16+$0x2730] =	vst v0;
	(pc) =	sbr.rel @p1 .LBB2_2-.Ltmp0, $4  }
0x13: {  	[tilespmem:s16+$0x2740] =	vst v0  }
0x14: {  	[tilespmem:s16+$0x2750] =	vst v0  }
0x15: {  	[tilespmem:s16+$0x2760] =	vst v0  }
0x16: {  	[tilespmem:s16+$0x2770] =	vst v0;
	s16 =	sshra.s32 s17, $0x2;
	s17 =	sadd.s32 $0x200, s17  }
0x17: {  	[tilespmem:s16+$0x2780] =	vst v0  }
0x18: {  	[tilespmem:s16+$0x2710] =	vst v0  }
0x19: {  	[tilespmem:s16+$0x2720] =	vst v0  }
0x1a: {  	[tilespmem:s16+$0x2730] =	vst v0  }
0x1b: {  	[tilespmem:s16+$0x2740] =	vst v0  }
0x1c: {  	[tilespmem:s16+$0x2750] =	vst v0  }
0x1d: {  	[tilespmem:s16+$0x2760] =	vst v0  }
0x1e: {  	[tilespmem:s16+$0x2770] =	vst v0  }
0x1f: {  	[tilespmem:$0x4F80] =	vst v1  }
0x20: {  	[tilespmem:$0x4F90] =	vst v1  }
0x21: {  	[tilespmem:$0x4FA0] =	vst v1  }
0x22: {  	[tilespmem:$0x4FB0] =	vst v1  }
0x23: {  	[tilespmem:$0x4FC0] =	vst v1  }
0x24: {  	[tilespmem:$0x4FD0] =	vst v1  }
0x25: {  	[tilespmem:$0x4FE0] =	vst v1  }
0x26: {  	[tilespmem:$0x4FF0] =	vst v1  }
0x27: {  	[tilespmem:$0x5000] =	vst v1  }
0x28: {  	[tilespmem:$0x5010] =	vst v1  }
0x29: {  	[tilespmem:$0x5020] =	vst v1  }
0x2a: {  	[tilespmem:$0x5030] =	vst v1  }
0x2b: {  	[tilespmem:$0x5040] =	vst v1  }
0x2c: {  	[tilespmem:$0x5050] =	vst v1  }
0x2d: {  	[tilespmem:$0x5060] =	vst v1  }
0x2e: {  	[tilespmem:$0x5070] =	vst v1  }
0x2f: {  	[tilespmem:$0x5080] =	vst v1  }
0x30: {  	[tilespmem:$0x5090] =	vst v1  }
0x31: {  	[tilespmem:$0x50A0] =	vst v1  }
0x32: {  	[tilespmem:$0x50B0] =	vst v1  }
0x33: {  	[tilespmem:$0x50C0] =	vst v1  }
0x34: {  	[tilespmem:$0x50D0] =	vst v1  }
0x35: {  	[tilespmem:$0x50E0] =	vst v1  }
0x36: {  	[tilespmem:$0x50F0] =	vst v1  }
0x37: {  	[tilespmem:$0x5100] =	vst v1  }
0x38: {  	[tilespmem:$0x5110] =	vst v1  }
0x39: {  	[tilespmem:$0x5120] =	vst v1  }
0x3a: {  	[tilespmem:$0x5130] =	vst v1  }
0x3b: {  	[tilespmem:$0x5140] =	vst v1  }
0x3c: {  	[tilespmem:$0x5150] =	vst v1  }
0x3d: {  	[tilespmem:$0x5160] =	vst v1  }
0x3e: {  	[tilespmem:$0x5170] =	vst v1  }
0x3f: {  	[tilespmem:$0x5180] =	vst v1  }
0x40: {  	[tilespmem:$0x5190] =	vst v1  }
0x41: {  	[tilespmem:$0x51A0] =	vst v1  }
0x42: {  	[tilespmem:$0x51B0] =	vst v1  }
0x43: {  	[tilespmem:$0x51C0] =	vst v1  }
0x44: {  	[tilespmem:$0x51D0] =	vst v1  }
0x45: {  	[tilespmem:$0x51E0] =	vst v1  }
0x46: {  	[tilespmem:$0x51F0] =	vst v1  }
0x47: {  	[tilespmem:$0x5200] =	vst v1  }
0x48: {  	[tilespmem:$0x5210] =	vst v1  }
0x49: {  	[tilespmem:$0x5220] =	vst v1  }
0x4a: {  	[tilespmem:$0x5230] =	vst v1  }
0x4b: {  	[tilespmem:$0x5240] =	vst v1  }
0x4c: {  	[tilespmem:$0x5250] =	vst v1  }
0x4d: {  	[tilespmem:$0x5260] =	vst v1  }
0x4e: {  	[tilespmem:$0x5270] =	vst v1  }
0x4f: {  	[tilespmem:$0x5280] =	vst v1  }
0x50: {  	[tilespmem:$0x5290] =	vst v1  }
0x51: {  	[tilespmem:$0x52A0] =	vst v1  }
0x52: {  	[tilespmem:$0x52B0] =	vst v1  }
0x53: {  	[tilespmem:$0x52C0] =	vst v1  }
0x54: {  	[tilespmem:$0x52D0] =	vst v1  }
0x55: {  	[tilespmem:$0x52E0] =	vst v1  }
0x56: {  	[tilespmem:$0x52F0] =	vst v1  }
0x57: {  	[tilespmem:$0x5300] =	vst v1  }
0x58: {  	[tilespmem:$0x5310] =	vst v1  }
0x59: {  	[tilespmem:$0x5320] =	vst v1  }
0x5a: {  	[tilespmem:$0x5330] =	vst v1  }
0x5b: {  	[tilespmem:$0x5340] =	vst v1  }
0x5c: {  	[tilespmem:$0x5350] =	vst v1  }
0x5d: {  	[tilespmem:$0x5360] =	vst v1  }
0x5e: {  	s31 =	sadd.s32 $0x0, s4;
	[tilespmem:$0x5370] =	vst v1  }
0x5f: {  	[spmem:s31] =	stream.linear.scatter [tilespmem:s11], [sflag:$0x2], $0x400, $0x38;
	[tilespmem:$0x18C00] =	vst v63  }
0x60: {  	s16 =	simm.s32 $0x1000;
	_ =	swait.ge [sflag:s12], $0x400  }
.LBB2_4:
0x61: {  	s17 =	sshra.s32 s16, $0x2;
	[sflag:s12] =	ssyncset.done $0x0;
	p1 =	sne.s32 s16, $0x4D000  }
.Ltmp1:
0x62: {  	s17 =	sadd.s32 s17, s4;
	[sflag:s12] =	ssyncadd.s32 $0xFFFFFC00;
	(pc) =	sbr.rel @p1 .LBB2_4-.Ltmp1, $3  }
0x63: {  	[spmem:s17] =	stream.linear.scatter [tilespmem:s11], [sflag:$0x2], $0x400, $0x38;
	[tilespmem:$0x18C00] =	vst v63  }
0x64: {  	s16 =	sadd.s32 $0x1000, s16;
	_ =	sdelay $0x1  }
0x65: {  	_ =	swait.ge [sflag:s12], $0x400  }
0x66: {  	[sflag:s12] =	ssyncset.done $0x0  }
0x67: {  	s16 =	simm.s32 @!p0 $0x4F80;
	s17 =	simm.s32 @!p0 $0x2;
	[sflag:s12] =	ssyncadd.s32 $0xFFFFFC00  }
0x68: {  	[spmem:s8] =	stream.linear.scatter @!p0 [tilespmem:s16], [sflag:$0x2], $0x400, $0x38;
	[tilespmem:$0x18C00] =	vst v63  }
0x69: {  	_ =	swait.ge @!p0 [sflag:s17], $0x400  }
0x6a: {  	[sflag:s17] =	ssyncset.done @!p0 $0x0  }
0x6b: {  	[sflag:s17] =	ssyncadd.s32 @!p0 $0xFFFFFC00  }
0x6c: {  	[spmem:s10] =	stream.linear.scatter @!p0 [tilespmem:s16], [sflag:$0x2], $0x400, $0x38;
	[tilespmem:$0x18C00] =	vst v63  }
0x6d: {  	_ =	swait.ge @!p0 [sflag:s17], $0x400  }
0x6e: {  	[sflag:s17] =	ssyncset.done @!p0 $0x0  }
0x6f: {  	s25 =	simm.s32 $0x0;
	[sflag:s17] =	ssyncadd.s32 @!p0 $0xFFFFFC00  }
0x70: {  	[tilespmem:s25], [sflag:$0x2] =	stream.linear.gather [hbm4b:s5+s25], $0x2710, $0x38;
	[tilespmem:$0x18C00] =	vst v63  }
0x71: {  	_ =	swait.ge [sflag:s12], $0x2710  }
0x72: {  	[sflag:s12] =	ssyncset.done $0x0  }
0x73: {  	[sflag:s12] =	ssyncadd.s32 $0xFFFFD8F0  }
0x74: {  	s26 =	simm.s32 $0x0;
	[bflag:$0x0] =	sbarrier.arrive $0xFFFF  }
0x75: {  	[spmem:s2] =	stream.indirect.scatter.add.f32 [tilespmem:s14], [sflag:$0x1], $0x80, s26, s13, $0xb8;
	[tilespmem:$0x18C00] =	vst v63  }
0x76: {  	s28 =	simm.s32 $0x50  }
0x77: {  	[spmem:s2] =	stream.indirect.scatter.add.f32 [tilespmem:s14], [sflag:$0x1], $0x80, s28, s13, $0xb8;
	[tilespmem:$0x18C00] =	vst v63  }
0x78: {  	s29 =	simm.s32 $0xA0  }
0x79: {  	[spmem:s2] =	stream.indirect.scatter.add.f32 [tilespmem:s14], [sflag:$0x1], $0x80, s29, s13, $0xb8;
	[tilespmem:$0x18C00] =	vst v63  }
0x7a: {  	s30 =	simm.s32 $0xF0  }
0x7b: {  	[spmem:s2] =	stream.indirect.scatter.add.f32 [tilespmem:s14], [sflag:$0x1], $0x80, s30, s13, $0xb8;
	[tilespmem:$0x18C00] =	vst v63  }
0x7c: {  	s31 =	simm.s32 $0x140  }
0x7d: {  	[spmem:s2] =	stream.indirect.scatter.add.f32 [tilespmem:s14], [sflag:$0x1], $0x80, s31, s13, $0xb8;
	[tilespmem:$0x18C00] =	vst v63  }
0x7e: {  	_ =	swait.ge [sflag:s15], $0x2800  }
0x7f: {  	[sflag:s15] =	ssyncset.done $0x0  }
0x80: {  	[sflag:s15] =	ssyncadd.s32 $0xFFFFD800  }
0x81: {  	_ =	swait.ge [sflag:s15], $0x2800  }
0x82: {  	[sflag:s15] =	ssyncset.done $0x0  }
0x83: {  	[sflag:s15] =	ssyncadd.s32 $0xFFFFD800  }
0x84: {  	_ =	swait.ge [sflag:s15], $0x2800  }
0x85: {  	[sflag:s15] =	ssyncset.done $0x0  }
0x86: {  	[sflag:s15] =	ssyncadd.s32 $0xFFFFD800  }
0x87: {  	_ =	swait.ge [sflag:s15], $0x2800  }
0x88: {  	[sflag:s15] =	ssyncset.done $0x0  }
0x89: {  	[sflag:s15] =	ssyncadd.s32 $0xFFFFD800  }
0x8a: {  	_ =	swait.ge [sflag:s15], $0x2800  }
0x8b: {  	s16 =	simm.s32 $0x640;
	s17 =	simm.s32 $0xC80;
	[sflag:s15] =	ssyncset.done $0x0  }
.LBB2_6:
0x8c: {  	s18 =	sshra.s32 s16, $0x2  }
0x8d: {  	[sflag:s15] =	ssyncadd.s32 $0xFFFFD800;
	s16 =	smov.u32 s17;
	s19 =	sadd.s32 $0x640, s17  }
0x8e: {  	[spmem:s2] =	stream.indirect.scatter.add.f32 [tilespmem:s14], [sflag:$0x1], $0x80, s18, s13, $0xb8;
	[tilespmem:$0x18C00] =	vst v63  }
0x8f: {  	p1 =	sne.s32 s17, $0x9600;
	s17 =	sadd.s32 $0x50, s18  }
0x90: {  	[spmem:s2] =	stream.indirect.scatter.add.f32 [tilespmem:s14], [sflag:$0x1], $0x80, s17, s13, $0xb8;
	[tilespmem:$0x18C00] =	vst v63  }
0x91: {  	s17 =	sadd.s32 $0xA0, s18  }
0x92: {  	[spmem:s2] =	stream.indirect.scatter.add.f32 [tilespmem:s14], [sflag:$0x1], $0x80, s17, s13, $0xb8;
	[tilespmem:$0x18C00] =	vst v63  }
0x93: {  	s17 =	sadd.s32 $0xF0, s18  }
0x94: {  	[spmem:s2] =	stream.indirect.scatter.add.f32 [tilespmem:s14], [sflag:$0x1], $0x80, s17, s13, $0xb8;
	[tilespmem:$0x18C00] =	vst v63  }
0x95: {  	s17 =	sadd.s32 $0x140, s18  }
0x96: {  	[spmem:s2] =	stream.indirect.scatter.add.f32 [tilespmem:s14], [sflag:$0x1], $0x80, s17, s13, $0xb8;
	[tilespmem:$0x18C00] =	vst v63  }
0x97: {  	_ =	swait.ge [sflag:s15], $0x2800  }
0x98: {  	[sflag:s15] =	ssyncset.done $0x0  }
0x99: {  	[sflag:s15] =	ssyncadd.s32 $0xFFFFD800  }
0x9a: {  	_ =	swait.ge [sflag:s15], $0x2800  }
0x9b: {  	[sflag:s15] =	ssyncset.done $0x0  }
0x9c: {  	[sflag:s15] =	ssyncadd.s32 $0xFFFFD800  }
0x9d: {  	_ =	swait.ge [sflag:s15], $0x2800  }
0x9e: {  	[sflag:s15] =	ssyncset.done $0x0  }
0x9f: {  	[sflag:s15] =	ssyncadd.s32 $0xFFFFD800  }
.Ltmp2:
0xa0: {  	_ =	swait.ge [sflag:s15], $0x2800;
	(pc) =	sbr.rel @p1 .LBB2_6-.Ltmp2, $4  }
0xa1: {  	[sflag:s15] =	ssyncset.done $0x0  }
0xa2: {  	[sflag:s15] =	ssyncadd.s32 $0xFFFFD800  }
0xa3: {  	_ =	swait.ge [sflag:s15], $0x2800  }
0xa4: {  	s17 =	smov.u32 s19;
	[sflag:s15] =	ssyncset.done $0x0  }
0xa5: {  	s16 =	sshra.s32 s16, $0x2;
	[sflag:s15] =	ssyncadd.s32 $0xFFFFD800  }
0xa6: {  	[spmem:s2] =	stream.indirect.scatter.add.f32 [tilespmem:s14], [sflag:$0x1], $0x80, s16, s13, $0xb8;
	[tilespmem:$0x18C00] =	vst v63  }
0xa7: {  	s17 =	sadd.s32 $0x50, s16  }
0xa8: {  	[spmem:s2] =	stream.indirect.scatter.add.f32 [tilespmem:s14], [sflag:$0x1], $0x80, s17, s13, $0xb8;
	[tilespmem:$0x18C00] =	vst v63  }
0xa9: {  	s28 =	sadd.s32 $0xA0, s16  }
0xaa: {  	[spmem:s2] =	stream.indirect.scatter.add.f32 [tilespmem:s14], [sflag:$0x1], $0x80, s28, s13, $0xb8;
	[tilespmem:$0x18C00] =	vst v63  }
0xab: {  	s29 =	sadd.s32 $0xF0, s16  }
0xac: {  	[spmem:s2] =	stream.indirect.scatter.add.f32 [tilespmem:s14], [sflag:$0x1], $0x80, s29, s13, $0xb8;
	[tilespmem:$0x18C00] =	vst v63  }
0xad: {  	s16 =	sadd.s32 $0x140, s16  }
0xae: {  	[spmem:s2] =	stream.indirect.scatter.add.f32 [tilespmem:s14], [sflag:$0x1], $0x80, s16, s13, $0xb8;
	[tilespmem:$0x18C00] =	vst v63  }
0xaf: {  	_ =	swait.ge [sflag:s15], $0x2800  }
0xb0: {  	[sflag:s15] =	ssyncset.done $0x0  }
0xb1: {  	[sflag:s15] =	ssyncadd.s32 $0xFFFFD800  }
0xb2: {  	_ =	swait.ge [sflag:s15], $0x2800  }
0xb3: {  	[sflag:s15] =	ssyncset.done $0x0  }
0xb4: {  	[sflag:s15] =	ssyncadd.s32 $0xFFFFD800  }
0xb5: {  	_ =	swait.ge [sflag:s15], $0x2800  }
0xb6: {  	[sflag:s15] =	ssyncset.done $0x0  }
0xb7: {  	[sflag:s15] =	ssyncadd.s32 $0xFFFFD800  }
0xb8: {  	_ =	swait.ge [sflag:s15], $0x2800  }
0xb9: {  	[sflag:s15] =	ssyncset.done $0x0  }
0xba: {  	[sflag:s15] =	ssyncadd.s32 $0xFFFFD800  }
0xbb: {  	_ =	swait.ge [sflag:s15], $0x2800  }
0xbc: {  	[sflag:s15] =	ssyncset.done $0x0  }
0xbd: {  	s30 =	sshll.u32 s0, $0x6;
	[sflag:s15] =	ssyncadd.s32 $0xFFFFD800  }
0xbe: {  	s31 =	sshrl.u32 s4, $0x3;
	s16 =	sor.u32 $0x1C02, s30;
	[bflag:$0x0] =	sbarrier.arrive $0xFFFF  }
0xbf: {  	[hbm:s6], [sflag:s16] =	dma.local [spmem:s31], $0x2700  }
0xc0: {  	_ =	swait.ge [sflag:s12], $0x2700  }
0xc1: {  	s3 =	sadd.s32 $0x1, s3;
	[sflag:s12] =	ssyncset.done $0x0  }
0xc2: {  	p1 =	sne.s32 s3, s9;
	s17 =	sshrl.u32 @!p0 s8, $0x3;
	[sflag:s12] =	ssyncadd.s32 $0xFFFFD900  }
0xc3: {  	[hbm:s7], [sflag:s16] =	dma.local @!p0 [spmem:s17], $0x100  }
.Ltmp3:
0xc4: {  	_ = 	snop;
	(pc) =	sbr.rel @p1 .LBB2_1-.Ltmp3, $4  }
0xc5: {  	s16 =	simm.s32 @!p0 $0x2  }
0xc6: {  	_ =	swait.ge @!p0 [sflag:s16], $0x100  }
0xc7: {  	[sflag:s16] =	ssyncset.done @!p0 $0x0  }
0xc8: {  	[sflag:s16] =	ssyncadd.s32 @!p0 $0xFFFFFF00  }
0xc9: {  	_ =	sfence.sel $0x180000  }
0xca: {  	[bflag:$0x0] =	sbarrier.arrive $0xFFFF  }
0xcb: {  	_ =	strace $0x9000004A  }
0xcc: {  	s0 =	sadd.s32 @!p0 $0x100000, s1;
	[bflag:$0x2] =	sbarrier.arrive $0xFFFF  }
0xcd: {  	[sflag:s0] =	ssyncadd.tile.s32 @!p0 $0x1;
	_ =	shalt  }
.Lfunc_end2:
_tile_overlayer_lowered:
.L_overlay_start_2:
0xce: {  	(tag) =	ssettag $0x2  }
0xcf: {  	s0 =	rddreg [dreg:$0x0];
	s2 =	stileid.u32  }
0xd0: {  	s1 =	rddreg [dreg:$0x1];
	p0 =	sne.s32 s2, $0x0  }
0xd1: {  	s3 =	rddreg [dreg:$0x2];
	[bflag:$0x3] =	sbarrier.arrive $0xFFFF;
	s2 =	simm.s32 @!p0 $0x1C02  }
0xd2: {  	[timem:s3], [sflag:s2] =	dma.local @!p0 [hbm:s0], s1  }
0xd3: {  	s0 =	simm.s32 @!p0 $0x2  }
0xd4: {  	_ =	swait.ge @!p0 [sflag:s0], s1  }
0xd5: {  	s1 =	ssub.s32 @!p0 $0x0, s1;
	[sflag:s0] =	ssyncset.done @!p0 $0x0  }
0xd6: {  	[sflag:s0] =	ssyncadd.s32 @!p0 s1  }
0xd7: {  	[bflag:$0x3] =	sbarrier.arrive $0xFFFF  }
0xd8: {  	_ =	shalt  }

// kernel: kernel.13.cloned.1.call-start
scs
__scs_entry_jumppad:
0x0: {  	(pc) =	sbr.rel $0x88, $3  }
0x1: {  	(tag) =	ssettag $0x0;
	lr =	simm.s32 $0x1  }
0x2: {  	[smem:$0x3F96] =	sst lr;
	_ =	strace $0xD0000000  }
0x3: {  	_ = 	snop  }
0x4: {  	_ = 	snop  }
0x5: {  	_ = 	snop  }
0x6: {  	_ = 	snop  }
0x7: {  	_ = 	snop  }
__scs_overlays_trampoline_lowered:
0x8: {  	[smem:$0x3FA5] =	sst s0  }
0x9: {  	[smem:$0x3FA6] =	sst s1  }
0xa: {  	[smem:$0x3FA7] =	sst s2  }
0xb: {  	[smem:$0x3FA8] =	sst s3  }
0xc: {  	[smem:$0x3FA9] =	sst s4  }
0xd: {  	[smem:$0x3FAA] =	sst s5  }
0xe: {  	[smem:$0x3FAB] =	sst s6  }
0xf: {  	[smem:$0x3FAC] =	sst s7  }
0x10: {  	[smem:$0x3FAD] =	sst s8  }
0x11: {  	[smem:$0x3FAE] =	sst s9;
	s0 =	simm.s32 @!p0 $0x0  }
0x12: {  	s1 =	sld [smem:$0x3F94];
	s0 =	simm.s32 @p0 $0x1  }
0x13: {  	[smem:$0x3FAF] =	sst s0;
	s0 =	simm.s32 @!p1 $0x0  }
0x14: {  	s2 =	sld [smem:$0x3F93];
	s0 =	simm.s32 @p1 $0x1  }
0x15: {  	[smem:$0x3FB0] =	sst s0;
	s0 =	simm.s32 @!p2 $0x0  }
0x16: {  	s3 =	sld [smem:$0x3FDB];
	s0 =	simm.s32 @p2 $0x1  }
0x17: {  	s4 =	simm.s32 $0x1BF5;
	[smem:$0x3FB2] =	sst s0  }
0x18: {  	s0 =	sld [smem:$0x3F95];
	_ =	swait.ge [sflag:s4], $0x0  }
0x19: {  	s7 =	sld [smem:$0x3F96]  }
0x1a: {  	s8 =	sadd.s32 $0xFFFFE003, lr  }
0x1b: {  	s9 =	sadd.s32 $0xFFFFFEF7, lr;
	s5 =	simm.s32 $0xFFFFFFFF;
	p2 =	slt.u32 s8, $0xFFFFF086  }
0x1c: {  	p1 =	slt.u32 s9, $0xF7A;
	s5 =	simm.s32 @!p2 $0x0  }
0x1d: {  	s5 =	simm.s32 @p1 $0x1;
	p0 =	seq.s32 s7, s2  }
0x1e: {  	s7 =	smul.u32 @!p0 $0xF7A, s2;
	p2 =	seq.s32 @!p0 s5, $0x0  }
0x1f: {  	s9 =	smul.u32 $0xF7A, s1;
	s8 =	simm.s32 @!p0 $0x1BF5;
	p2 =	por !p2, p0  }
0x20: {  	[sflag:s8] =	ssyncset.s32 @!p0 $0xFFFFF086;
	s6 =	sadd.s32 @!p0 s3, s7;
	s7 =	simm.s32 @!p0 $0x108  }
0x21: {  	s3 =	sadd.s32 s3, s9;
	s6 =	sadd.s32 @!p0 $0x88, s6;
	s7 =	simm.s32 @p2 $0x1082  }
0x22: {  	[simem:s7], [sflag:s8] =	dma.local @!p0 [hbm:s6], $0xF7A  }
0x23: {  	s9 =	sor.u32 $0xD0000000, s2;
	s6 =	simm.s32 $0x108;
	_ =	swait.ge @!p0 [sflag:s8], $0x0  }
0x24: {  	s3 =	sadd.s32 $0x88, s3;
	s6 =	simm.s32 @!p1 $0x1082;
	[sflag:s4] =	ssyncset.s32 $0xFFFFF086  }
0x25: {  	[simem:s6], [sflag:s4] =	dma.local [hbm:s3], $0xF7A  }
0x26: {  	[smem:$0x3F96] =	sst s1;
	(tag) =	ssettag s2;
	_ =	strace s9  }
0x27: {  	s1 =	sld [smem:$0x3FA6]  }
0x28: {  	s2 =	sld [smem:$0x3FA7]  }
0x29: {  	s4 =	sld [smem:$0x3FA9]  }
0x2a: {  	p0 =	seq.s32 s5, $0x0;
	s5 =	sld [smem:$0x3FAA]  }
0x2b: {  	s6 =	sld [smem:$0x3FAB]  }
0x2c: {  	s7 =	sld [smem:$0x3FAC]  }
0x2d: {  	s3 =	simm.s32 $0x108;
	s8 =	sld [smem:$0x3FAD]  }
0x2e: {  	s3 =	simm.s32 @!p0 $0x1082;
	s9 =	sld [smem:$0x3FAE]  }
0x2f: {  	lr =	sadd.s32 s0, s3;
	s0 =	sld [smem:$0x3FA5]  }
0x30: {  	s3 =	sld [smem:$0x3FA8]  }
0x31: {  	[smem:$0x3FB1] =	sst s10  }
0x32: {  	s10 =	sld [smem:$0x3FAF];
	_ =	sdelay $0x3  }
0x33: {  	p0 =	seq.s32 s10, $0x1;
	s10 =	sld [smem:$0x3FB1];
	_ =	sdelay $0x3  }
0x34: {  	[smem:$0x3FB1] =	sst s10  }
0x35: {  	s10 =	sld [smem:$0x3FB0];
	_ =	sdelay $0x3  }
0x36: {  	p1 =	seq.s32 s10, $0x1;
	s10 =	sld [smem:$0x3FB1];
	_ =	sdelay $0x3  }
0x37: {  	[smem:$0x3FB1] =	sst s10  }
0x38: {  	s10 =	sld [smem:$0x3FB2]  }
0x39: {  	_ = 	snop;
	(pc) =	sbr.ind lr, $3  }
0x3a: {  	_ = 	snop  }
0x3b: {  	_ = 	snop  }
0x3c: {  	p2 =	seq.s32 s10, $0x1;
	s10 =	sld [smem:$0x3FB1]  }
0x3d: {  	_ =	shalt  }
0x3e: {  	_ =	shalt  }
0x3f: {  	_ =	shalt  }
0x40: {  	_ =	shalt  }
0x41: {  	_ =	shalt  }
0x42: {  	_ =	shalt  }
0x43: {  	_ =	shalt  }
0x44: {  	_ =	shalt  }
0x45: {  	_ =	shalt  }
0x46: {  	_ =	shalt  }
0x47: {  	_ =	shalt  }
0x48: {  	_ =	shalt  }
0x49: {  	_ =	shalt  }
0x4a: {  	_ =	shalt  }
0x4b: {  	_ =	shalt  }
0x4c: {  	_ =	shalt  }
0x4d: {  	_ =	shalt  }
0x4e: {  	_ =	shalt  }
0x4f: {  	_ =	shalt  }
0x50: {  	_ =	shalt  }
0x51: {  	_ =	shalt  }
0x52: {  	_ =	shalt  }
0x53: {  	_ =	shalt  }
0x54: {  	_ =	shalt  }
0x55: {  	_ =	shalt  }
0x56: {  	_ =	shalt  }
0x57: {  	_ =	shalt  }
0x58: {  	_ =	shalt  }
0x59: {  	_ =	shalt  }
0x5a: {  	_ =	shalt  }
0x5b: {  	_ =	shalt  }
0x5c: {  	_ =	shalt  }
0x5d: {  	_ =	shalt  }
0x5e: {  	_ =	shalt  }
0x5f: {  	_ =	shalt  }
0x60: {  	_ =	shalt  }
0x61: {  	_ =	shalt  }
0x62: {  	_ =	shalt  }
0x63: {  	_ =	shalt  }
0x64: {  	_ =	shalt  }
0x65: {  	_ =	shalt  }
0x66: {  	_ =	shalt  }
0x67: {  	_ =	shalt  }
0x68: {  	_ =	shalt  }
0x69: {  	_ =	shalt  }
0x6a: {  	_ =	shalt  }
0x6b: {  	_ =	shalt  }
0x6c: {  	_ =	shalt  }
0x6d: {  	_ =	shalt  }
0x6e: {  	_ =	shalt  }
0x6f: {  	_ =	shalt  }
0x70: {  	_ =	shalt  }
0x71: {  	_ =	shalt  }
0x72: {  	_ =	shalt  }
0x73: {  	_ =	shalt  }
0x74: {  	_ =	shalt  }
0x75: {  	_ =	shalt  }
0x76: {  	_ =	shalt  }
0x77: {  	_ =	shalt  }
0x78: {  	_ =	shalt  }
0x79: {  	_ =	shalt  }
0x7a: {  	_ =	shalt  }
0x7b: {  	_ =	shalt  }
0x7c: {  	_ =	shalt  }
0x7d: {  	_ =	shalt  }
0x7e: {  	_ =	shalt  }
0x7f: {  	_ =	shalt  }
0x80: {  	_ =	shalt  }
0x81: {  	_ =	shalt  }
0x82: {  	_ =	shalt  }
0x83: {  	_ =	shalt  }
0x84: {  	_ =	shalt  }
0x85: {  	_ =	shalt  }
0x86: {  	_ =	shalt  }
0x87: {  	_ =	shalt  }
.Lfunc_end0:
.L_simem_size_0:
called_computation.1_lowered:
.L_overlay_start_0:
0x88: {  	s2 =	sld [smem:$0x3FD9]  }
0x89: {  	s3 =	sld [smem:$0x3FFE];
	_ =	sdelay $0x1  }
0x8a: {  	s1 =	srdreg.scid  }
0x8b: {  	s0 =	sand.u32 $0x1, s1  }
0x8c: {  	s17 =	sshll.u32 s0, $0xA;
	s2 =	sadd.s32 s3, s2  }
0x8d: {  	s2 =	sadd.s32 s2, s17  }
0x8e: {  	[smem:$0x3FBD] =	sst s2  }
0x8f: {  	_ = 	snop  }
0x90: {  	s2 =	sld [smem:$0x3FD0];
	(tm) =	ssettm $0x1  }
0x91: {  	s18 =	sld [smem:$0x3FFB];
	_ =	sdelay $0x3  }
0x92: {  	_ =	strace s18  }
0x93: {  	s3 =	sld [smem:$0x3FFC];
	_ =	sdelay $0x3  }
0x94: {  	_ =	strace s3  }
0x95: {  	s3 =	sld [smem:$0x3FFD];
	_ =	sdelay $0x3  }
0x96: {  	_ =	strace s3  }
0x97: {  	_ =	strace $0x8FFFFFFF  }
0x98: {  	s19 =	sld [smem:$0x3FDB];
	_ =	sdelay $0x1  }
0x99: {  	s4 =	simm.s32 $_scs_section_size  }
0x9a: {  	s5 =	simm.s32 $_size__tile_overlayer_lowered;
	s6 =	simm.s32 $_tile_overlayer_lowered  }
0x9b: {  	s22 =	simm.s32 $0x1BFF;
	s21 =	sshll.u32 s6, $0x1;
	s3 =	sadd.s32 s4, s19  }
0x9c: {  	s7 =	simm.s32 $0x0;
	s20 =	sshll.u32 s5, $0x1;
	s5 =	sadd.s32 s21, s3  }
0x9d: {  	[timem:s7], [sflag:s22] =	dma.local [hbm:s5], s20  }
0x9e: {  	_ =	swait.ge [sflag:s22], s20  }
0x9f: {  	s4 =	ssub.s32 $0x0, s20;
	[sflag:s22] =	ssyncset.done $0x0  }
0xa0: {  	[sflag:s22] =	ssyncadd.s32 s4;
	_ =	sdelay $0x1  }
0xa1: {  	s23 =	simm.s32 $0x1B8B  }
0xa2: {  	_ =	swait.ge [sflag:s23], $0x1  }
0xa3: {  	[sflag:s23] =	ssyncset.done $0x0  }
0xa4: {  	s25 =	simm.s32 $0x1B8E;
	s24 =	sld [smem:$0x3FFE];
	[sflag:s23] =	ssyncadd.s32 $0xFFFFFFFF  }
0xa5: {  	s26 =	simm.s32 $execute0_lowered;
	[smem:$0x3FD2] =	sst s25  }
0xa6: {  	s5 =	sshll.u32 s26, $0x1;
	_ =	strace $0x80000046;
	[dreg:$0x1] =	wrdreg $0xFFFFFFFF  }
0xa7: {  	s28 =	simm.s32 $_size_execute0_lowered;
	s3 =	sadd.s32 s3, s5;
	[dreg:$0x0] =	wrdreg $0x0  }
0xa8: {  	s5 =	sshll.u32 s28, $0x1;
	[dreg:$0x2] =	wrdreg s3  }
0xa9: {  	[dreg:$0x3] =	wrdreg s5  }
0xaa: {  	[dreg:$0x4] =	wrdreg $0xC0  }
0xab: {  	_ =	task [dreg:s7], $0x5FFFF  }
0xac: {  	[dreg:$0x1] =	wrdreg $0xFFFFFFFF  }
0xad: {  	[dreg:$0x0] =	wrdreg $0x60  }
0xae: {  	[dreg:$0x2] =	wrdreg s2  }
0xaf: {  	[dreg:$0x3] =	wrdreg s24  }
0xb0: {  	[dreg:$0x4] =	wrdreg $0xC7000  }
0xb1: {  	[dreg:$0x5] =	wrdreg $0xA  }
0xb2: {  	_ =	task.clear_ibuf [dreg:s7], $0x6FFFF;
	_ =	strace $0x90000046  }
0xb3: {  	s29 =	simm.s32 $0xA;
	_ =	strace $0x80000048  }
0xb4: {  	_ =	swait.ge [sflag:s29], $0x1  }
0xb5: {  	[sflag:s29] =	ssyncadd.s32 $0xFFFFFFFF  }
0xb6: {  	_ =	strace $0x90000048  }
0xb7: {  	_ =	sfence  }
0xb8: {  	s30 =	sld [smem:$0x0];
	_ =	sdelay $0x2  }
0xb9: {  	s31 =	sshll.u32 s1, $0xD;
	s1 =	sshrl.u32 s1, $0x2  }
0xba: {  	s3 =	sand.u32 $0x4000, s31;
	s1 =	sadd.s32 s1, s30  }
0xbb: {  	s0 =	sor.u32 s3, s0;
	s1 =	sshll.u32 s1, $0x11  }
0xbc: {  	s0 =	sor.u32 s1, s0  }
0xbd: {  	s0 =	sadd.s32 $0x8F2B, s0  }
0xbe: {  	[sflag:s0] =	ssyncadd.remote.s32 $0x1  }
0xbf: {  	_ =	sfence.sel $0xFFFF  }
0xc0: {  	[dreg:$0x0] =	wrdreg $0xFFFFFFFF;
	(pc) =	sbr.abs _section_cstart, $3  }
0xc1: {  	[dreg:$0x1] =	wrdreg $0xFFFFFFFF  }
0xc2: {  	_ =	task.clear_ibuf [dreg:s7], $0x2FFFF;
	_ =	strace $0x9FFFFFFF  }
0xc3: {  	(tm) =	ssettm $0x7FFFFFFF  }
tec
execute0_lowered:
.L_overlay_start_1:
0x0: {  	(tag) =	ssettag $0x1  }
0x1: {  	s0 =	rddreg [dreg:$0x0]  }
0x2: {  	s1 =	srdreg.scid;
	s2 =	rddreg [dreg:$0x1]  }
0x3: {  	s15 =	stileid.u32;
	s3 =	rddreg [dreg:$0x2];
	s13 =	simm.s32 $0x4F00  }
0x4: {  	s14 =	simm.s32 $0x7;
	s16 =	simm.s32 $0x50;
	s17 =	simm.s32 $0x7700  }
0x5: {  	s19 =	simm.s32 $0x9F00;
	s20 =	simm.s32 $0x1;
	s21 =	simm.s32 $0x4  }
0x6: {  	s23 =	simm.s32 $0x2;
	s24 =	simm.s32 $0x27D0;
	s25 =	simm.s32 $0x5  }
0x7: {  	s28 =	simm.s32 $0x3;
	s29 =	simm.s32 $0x2820;
	s30 =	simm.s32 $0x6  }
0x8: {  	s31 =	simm.s32 $0x4DF0;
	s1 =	sand.u32 $0x1, s1;
	s6 =	smul.u32 $0x4E000, s15  }
0x9: {  	s9 =	smul.u32 $0x13800, s15;
	s12 =	sadd.s32 $0x138400, s3;
	p0 =	sne.s32 s15, $0x0  }
0xa: {  	s4 =	sshll.u32 s1, $0x4;
	s7 =	smul.u32 $0x138800, s1;
	s1 =	ssub.s32 $0x2, s1  }
0xb: {  	s5 =	sor.u32 s15, s4;
	s4 =	simm.s32 $0x0;
	s26 =	sshrl.u32 s1, $0x1  }
0xc: {  	s6 =	sshrl.u32 s6, $0x2;
	s15 =	simm.s32 $0x2780;
	s5 =	smul.u32 $0x4E2, s5  }
0xd: {  	[smem:$0x7FF] =	sst s4;
	s1 =	ssub.s32 s1, s26;
	s9 =	sadd.s32 s9, s7  }
0xe: {  	s10 =	sshrl.u32 s7, $0x3;
	s26 =	simm.s32 $0x140;
	_ =	strace $0x80000047  }
0xf: {  	s9 =	sshrl.u32 s9, $0x3;
	s11 =	smax.u32 s1, $0x1;
	s8 =	sadd.s32 s5, s2  }
0x10: {  	s2 =	sadd.s32 $0x16600, s2;
	s5 =	sadd.s32 s6, s3;
	s6 =	sadd.s32 $0xC800, s8  }
0x11: {  	s7 =	sadd.s32 $0x2A00, s8;
	s8 =	sadd.s32 s2, s9;
	s2 =	sadd.s32 s2, s10  }
0x12: {  	v0 =	vimm.f32 $0.0e+00;
	s1 =	simm.s32 $0x4E40;
	s10 =	sadd.s32 $0x138000, s3;
	s9 =	sadd.s32 $0x27000, s2  }
.LBB2_1:
0x13: {  	[tilespmem:$0x4F00] =	vst v0  }
0x14: {  	[tilespmem:$0x4F10] =	vst v0  }
0x15: {  	[tilespmem:$0x4F20] =	vst v0  }
0x16: {  	[tilespmem:$0x4F30] =	vst v0  }
0x17: {  	[tilespmem:$0x4F40] =	vst v0  }
0x18: {  	[tilespmem:$0x4F50] =	vst v0  }
0x19: {  	[tilespmem:$0x4F60] =	vst v0  }
0x1a: {  	[tilespmem:$0x4F70] =	vst v0  }
0x1b: {  	[tilespmem:$0x4F80] =	vst v0  }
0x1c: {  	[tilespmem:$0x4F90] =	vst v0  }
0x1d: {  	[tilespmem:$0x4FA0] =	vst v0  }
0x1e: {  	[tilespmem:$0x4FB0] =	vst v0  }
0x1f: {  	[tilespmem:$0x4FC0] =	vst v0  }
0x20: {  	[tilespmem:$0x4FD0] =	vst v0  }
0x21: {  	[tilespmem:$0x4FE0] =	vst v0  }
0x22: {  	[tilespmem:$0x4FF0] =	vst v0  }
0x23: {  	[tilespmem:$0x5000] =	vst v0  }
0x24: {  	[tilespmem:$0x5010] =	vst v0  }
0x25: {  	[tilespmem:$0x5020] =	vst v0  }
0x26: {  	[tilespmem:$0x5030] =	vst v0  }
0x27: {  	[tilespmem:$0x5040] =	vst v0  }
0x28: {  	[tilespmem:$0x5050] =	vst v0  }
0x29: {  	[tilespmem:$0x5060] =	vst v0  }
0x2a: {  	[tilespmem:$0x5070] =	vst v0  }
0x2b: {  	[tilespmem:$0x5080] =	vst v0  }
0x2c: {  	[tilespmem:$0x5090] =	vst v0  }
0x2d: {  	[tilespmem:$0x50A0] =	vst v0  }
0x2e: {  	[tilespmem:$0x50B0] =	vst v0  }
0x2f: {  	[tilespmem:$0x50C0] =	vst v0  }
0x30: {  	[tilespmem:$0x50D0] =	vst v0  }
0x31: {  	[tilespmem:$0x50E0] =	vst v0  }
0x32: {  	[tilespmem:$0x50F0] =	vst v0  }
0x33: {  	[tilespmem:$0x5100] =	vst v0  }
0x34: {  	[tilespmem:$0x5110] =	vst v0  }
0x35: {  	[tilespmem:$0x5120] =	vst v0  }
0x36: {  	[tilespmem:$0x5130] =	vst v0  }
0x37: {  	[tilespmem:$0x5140] =	vst v0  }
0x38: {  	[tilespmem:$0x5150] =	vst v0  }
0x39: {  	[tilespmem:$0x5160] =	vst v0  }
0x3a: {  	[tilespmem:$0x5170] =	vst v0  }
0x3b: {  	[tilespmem:$0x5180] =	vst v0  }
0x3c: {  	[tilespmem:$0x5190] =	vst v0  }
0x3d: {  	[tilespmem:$0x51A0] =	vst v0  }
0x3e: {  	[tilespmem:$0x51B0] =	vst v0  }
0x3f: {  	[tilespmem:$0x51C0] =	vst v0  }
0x40: {  	[tilespmem:$0x51D0] =	vst v0  }
0x41: {  	[tilespmem:$0x51E0] =	vst v0  }
0x42: {  	[tilespmem:$0x51F0] =	vst v0  }
0x43: {  	[tilespmem:$0x5200] =	vst v0  }
0x44: {  	[tilespmem:$0x5210] =	vst v0  }
0x45: {  	[tilespmem:$0x5220] =	vst v0  }
0x46: {  	[tilespmem:$0x5230] =	vst v0  }
0x47: {  	[tilespmem:$0x5240] =	vst v0  }
0x48: {  	[tilespmem:$0x5250] =	vst v0  }
0x49: {  	[tilespmem:$0x5260] =	vst v0  }
0x4a: {  	[tilespmem:$0x5270] =	vst v0  }
0x4b: {  	[tilespmem:$0x5280] =	vst v0  }
0x4c: {  	[tilespmem:$0x5290] =	vst v0  }
0x4d: {  	[tilespmem:$0x52A0] =	vst v0  }
0x4e: {  	[tilespmem:$0x52B0] =	vst v0  }
0x4f: {  	[tilespmem:$0x52C0] =	vst v0  }
0x50: {  	[tilespmem:$0x52D0] =	vst v0  }
0x51: {  	[tilespmem:$0x52E0] =	vst v0  }
0x52: {  	[tilespmem:$0x52F0] =	vst v0;
	s2 =	sadd.s32 $0x0, s5  }
0x53: {  	[spmem:s2] =	stream.linear.scatter [tilespmem:s13], [sflag:$0x7], $0x400, $0x38;
	[tilespmem:$0x1FF80] =	vst v63  }
0x54: {  	s18 =	simm.s32 $0x1000;
	_ =	swait.ge [sflag:s14], $0x400  }
.LBB2_2:
0x55: {  	s2 =	sshra.s32 s18, $0x2;
	[sflag:s14] =	ssyncset.done $0x0;
	p1 =	sne.s32 s18, $0x4D000  }
.Ltmp0:
0x56: {  	s2 =	sadd.s32 s2, s5;
	[sflag:s14] =	ssyncadd.s32 $0xFFFFFC00;
	(pc) =	sbr.rel @p1 .LBB2_2-.Ltmp0, $3  }
0x57: {  	[spmem:s2] =	stream.linear.scatter [tilespmem:s13], [sflag:$0x7], $0x400, $0x38;
	[tilespmem:$0x1FF80] =	vst v63  }
0x58: {  	s18 =	sadd.s32 $0x1000, s18;
	_ =	sdelay $0x1  }
0x59: {  	_ =	swait.ge [sflag:s14], $0x400  }
0x5a: {  	[sflag:s14] =	ssyncset.done $0x0  }
0x5b: {  	s2 =	simm.s32 @!p0 $0x4F00;
	s18 =	simm.s32 @!p0 $0x7;
	[sflag:s14] =	ssyncadd.s32 $0xFFFFFC00  }
0x5c: {  	[spmem:s10] =	stream.linear.scatter @!p0 [tilespmem:s2], [sflag:$0x7], $0x400, $0x38;
	[tilespmem:$0x1FF80] =	vst v63  }
0x5d: {  	_ =	swait.ge @!p0 [sflag:s18], $0x400  }
0x5e: {  	[sflag:s18] =	ssyncset.done @!p0 $0x0  }
0x5f: {  	[sflag:s18] =	ssyncadd.s32 @!p0 $0xFFFFFC00  }
0x60: {  	[spmem:s12] =	stream.linear.scatter @!p0 [tilespmem:s2], [sflag:$0x7], $0x400, $0x38;
	[tilespmem:$0x1FF80] =	vst v63  }
0x61: {  	_ =	swait.ge @!p0 [sflag:s18], $0x400  }
0x62: {  	[sflag:s18] =	ssyncset.done @!p0 $0x0  }
0x63: {  	[sflag:s18] =	ssyncadd.s32 @!p0 $0xFFFFFC00;
	s18 =	simm.s32 $0x0  }
0x64: {  	[tilespmem:s18], [sflag:$0x7] =	stream.linear.gather [hbm4b:s6+s18], $0x2710, $0x38;
	[tilespmem:$0x1FF80] =	vst v63  }
0x65: {  	_ =	swait.ge [sflag:s14], $0x2710  }
0x66: {  	[sflag:s14] =	ssyncset.done $0x0  }
0x67: {  	[sflag:s14] =	ssyncadd.s32 $0xFFFFD8F0  }
0x68: {  	[tilespmem:s15], [sflag:$0x7] =	stream.linear.gather [hbm4b:s7+s18], $0x2710, $0x38;
	[tilespmem:$0x1FF80] =	vst v63  }
0x69: {  	_ =	swait.ge [sflag:s14], $0x2710  }
0x6a: {  	[sflag:s14] =	ssyncset.done $0x0  }
0x6b: {  	[sflag:s14] =	ssyncadd.s32 $0xFFFFD8F0  }
0x6c: {  	[bflag:$0x0] =	sbarrier.arrive $0xFFFF  }
0x6d: {  	[tilespmem:s13], [sflag:$0x1] =	stream.indirect.gather [hbm4b:s0+s16], $0x80, s18, s16, $0xb8;
	[tilespmem:$0x1FF80] =	vst v63  }
0x6e: {  	_ = 	snop  }
0x6f: {  	[tilespmem:s17], [sflag:$0x2] =	stream.indirect.gather [hbm4b:s0+s16], $0x80, s16, s16, $0xb8;
	[tilespmem:$0x1FF80] =	vst v63  }
0x70: {  	s22 =	simm.s32 $0xA0  }
0x71: {  	[tilespmem:s19], [sflag:$0x3] =	stream.indirect.gather [hbm4b:s0+s16], $0x80, s22, s16, $0xb8;
	[tilespmem:$0x1FF80] =	vst v63  }
0x72: {  	_ =	swait.ge [sflag:s20], $0x2800  }
0x73: {  	[sflag:s20] =	ssyncset.done $0x0  }
0x74: {  	[sflag:s20] =	ssyncadd.s32 $0xFFFFD800  }
0x75: {  	[spmem:s3] =	stream.indirect.scatter.add.f32 [tilespmem:s13], [sflag:$0x4], $0x80, s15, s16, $0xb8;
	[tilespmem:$0x1FF80] =	vst v63  }
0x76: {  	_ =	swait.ge [sflag:s21], $0x2800  }
0x77: {  	[sflag:s21] =	ssyncset.done $0x0  }
0x78: {  	s18 =	simm.s32 $0xF0;
	[sflag:s21] =	ssyncadd.s32 $0xFFFFD800  }
0x79: {  	[tilespmem:s13], [sflag:$0x1] =	stream.indirect.gather [hbm4b:s0+s16], $0x80, s18, s16, $0xb8;
	[tilespmem:$0x1FF80] =	vst v63  }
0x7a: {  	_ =	swait.ge [sflag:s23], $0x2800  }
0x7b: {  	[sflag:s23] =	ssyncset.done $0x0  }
0x7c: {  	[sflag:s23] =	ssyncadd.s32 $0xFFFFD800  }
0x7d: {  	[spmem:s3] =	stream.indirect.scatter.add.f32 [tilespmem:s17], [sflag:$0x5], $0x80, s24, s16, $0xb8;
	[tilespmem:$0x1FF80] =	vst v63  }
0x7e: {  	_ =	swait.ge [sflag:s25], $0x2800  }
0x7f: {  	[sflag:s25] =	ssyncset.done $0x0  }
0x80: {  	[sflag:s25] =	ssyncadd.s32 $0xFFFFD800  }
0x81: {  	[tilespmem:s17], [sflag:$0x2] =	stream.indirect.gather [hbm4b:s0+s16], $0x80, s26, s16, $0xb8;
	[tilespmem:$0x1FF80] =	vst v63  }
0x82: {  	_ =	swait.ge [sflag:s28], $0x2800  }
0x83: {  	[sflag:s28] =	ssyncset.done $0x0  }
0x84: {  	[sflag:s28] =	ssyncadd.s32 $0xFFFFD800  }
0x85: {  	[spmem:s3] =	stream.indirect.scatter.add.f32 [tilespmem:s19], [sflag:$0x6], $0x80, s29, s16, $0xb8;
	[tilespmem:$0x1FF80] =	vst v63  }
0x86: {  	_ =	swait.ge [sflag:s30], $0x2800  }
0x87: {  	[sflag:s30] =	ssyncset.done $0x0  }
0x88: {  	s22 =	simm.s32 $0x190;
	[sflag:s30] =	ssyncadd.s32 $0xFFFFD800  }
0x89: {  	[tilespmem:s19], [sflag:$0x3] =	stream.indirect.gather [hbm4b:s0+s16], $0x80, s22, s16, $0xb8;
	[tilespmem:$0x1FF80] =	vst v63  }
0x8a: {  	_ =	swait.ge [sflag:s20], $0x2800  }
0x8b: {  	[sflag:s20] =	ssyncset.done $0x0  }
0x8c: {  	s18 =	simm.s32 $0x2870;
	[sflag:s20] =	ssyncadd.s32 $0xFFFFD800  }
0x8d: {  	[spmem:s3] =	stream.indirect.scatter.add.f32 [tilespmem:s13], [sflag:$0x4], $0x80, s18, s16, $0xb8;
	[tilespmem:$0x1FF80] =	vst v63  }
0x8e: {  	_ =	swait.ge [sflag:s21], $0x2800  }
0x8f: {  	[sflag:s21] =	ssyncset.done $0x0  }
0x90: {  	s22 =	simm.s32 $0x1E0;
	[sflag:s21] =	ssyncadd.s32 $0xFFFFD800  }
0x91: {  	[tilespmem:s13], [sflag:$0x1] =	stream.indirect.gather [hbm4b:s0+s16], $0x80, s22, s16, $0xb8;
	[tilespmem:$0x1FF80] =	vst v63  }
0x92: {  	_ =	swait.ge [sflag:s23], $0x2800  }
0x93: {  	[sflag:s23] =	ssyncset.done $0x0  }
0x94: {  	s18 =	simm.s32 $0x28C0;
	[sflag:s23] =	ssyncadd.s32 $0xFFFFD800  }
0x95: {  	[spmem:s3] =	stream.indirect.scatter.add.f32 [tilespmem:s17], [sflag:$0x5], $0x80, s18, s16, $0xb8;
	[tilespmem:$0x1FF80] =	vst v63  }
0x96: {  	_ =	swait.ge [sflag:s25], $0x2800  }
0x97: {  	[sflag:s25] =	ssyncset.done $0x0  }
0x98: {  	s22 =	simm.s32 $0x230;
	[sflag:s25] =	ssyncadd.s32 $0xFFFFD800  }
0x99: {  	[tilespmem:s17], [sflag:$0x2] =	stream.indirect.gather [hbm4b:s0+s16], $0x80, s22, s16, $0xb8;
	[tilespmem:$0x1FF80] =	vst v63  }
0x9a: {  	_ =	swait.ge [sflag:s28], $0x2800  }
0x9b: {  	[sflag:s28] =	ssyncset.done $0x0  }
0x9c: {  	s2 =	simm.s32 $0x2910;
	s18 =	simm.s32 $0x3C0;
	[sflag:s28] =	ssyncadd.s32 $0xFFFFD800  }
.LBB2_4:
0x9d: {  	[spmem:s3] =	stream.indirect.scatter.add.f32 [tilespmem:s19], [sflag:$0x6], $0x80, s2, s16, $0xb8;
	[tilespmem:$0x1FF80] =	vst v63  }
0x9e: {  	s2 =	smov.u32 s18  }
0x9f: {  	p1 =	sne.s32 s18, $0x9240;
	s18 =	sadd.s32 $0x3C0, s18;
	_ =	swait.ge [sflag:s30], $0x2800  }
0xa0: {  	s2 =	sshra.s32 s2, $0x2;
	[sflag:s30] =	ssyncset.done $0x0  }
0xa1: {  	s22 =	sadd.s32 $0x190, s2;
	[sflag:s30] =	ssyncadd.s32 $0xFFFFD800  }
0xa2: {  	[tilespmem:s19], [sflag:$0x3] =	stream.indirect.gather [hbm4b:s0+s16], $0x80, s22, s16, $0xb8;
	[tilespmem:$0x1FF80] =	vst v63  }
0xa3: {  	_ =	swait.ge [sflag:s20], $0x2800  }
0xa4: {  	[sflag:s20] =	ssyncset.done $0x0  }
0xa5: {  	s22 =	sadd.s32 $0x2870, s2;
	[sflag:s20] =	ssyncadd.s32 $0xFFFFD800  }
0xa6: {  	[spmem:s3] =	stream.indirect.scatter.add.f32 [tilespmem:s13], [sflag:$0x4], $0x80, s22, s16, $0xb8;
	[tilespmem:$0x1FF80] =	vst v63  }
0xa7: {  	_ =	swait.ge [sflag:s21], $0x2800  }
0xa8: {  	[sflag:s21] =	ssyncset.done $0x0  }
0xa9: {  	s22 =	sadd.s32 $0x1E0, s2;
	[sflag:s21] =	ssyncadd.s32 $0xFFFFD800  }
0xaa: {  	[tilespmem:s13], [sflag:$0x1] =	stream.indirect.gather [hbm4b:s0+s16], $0x80, s22, s16, $0xb8;
	[tilespmem:$0x1FF80] =	vst v63  }
0xab: {  	_ =	swait.ge [sflag:s23], $0x2800  }
0xac: {  	[sflag:s23] =	ssyncset.done $0x0  }
0xad: {  	s22 =	sadd.s32 $0x28C0, s2;
	[sflag:s23] =	ssyncadd.s32 $0xFFFFD800  }
0xae: {  	[spmem:s3] =	stream.indirect.scatter.add.f32 [tilespmem:s17], [sflag:$0x5], $0x80, s22, s16, $0xb8;
	[tilespmem:$0x1FF80] =	vst v63  }
0xaf: {  	_ =	swait.ge [sflag:s25], $0x2800  }
0xb0: {  	[sflag:s25] =	ssyncset.done $0x0  }
.Ltmp1:
0xb1: {  	s22 =	sadd.s32 $0x230, s2;
	[sflag:s25] =	ssyncadd.s32 $0xFFFFD800;
	(pc) =	sbr.rel @p1 .LBB2_4-.Ltmp1, $4  }
0xb2: {  	[tilespmem:s17], [sflag:$0x2] =	stream.indirect.gather [hbm4b:s0+s16], $0x80, s22, s16, $0xb8;
	[tilespmem:$0x1FF80] =	vst v63  }
0xb3: {  	_ =	swait.ge [sflag:s28], $0x2800  }
0xb4: {  	[sflag:s28] =	ssyncset.done $0x0  }
0xb5: {  	s2 =	sadd.s32 $0x2910, s2;
	[sflag:s28] =	ssyncadd.s32 $0xFFFFD800  }
0xb6: {  	[spmem:s3] =	stream.indirect.scatter.add.f32 [tilespmem:s19], [sflag:$0x6], $0x80, s2, s16, $0xb8;
	[tilespmem:$0x1FF80] =	vst v63  }
0xb7: {  	_ =	swait.ge [sflag:s20], $0x2800  }
0xb8: {  	[sflag:s20] =	ssyncset.done $0x0  }
0xb9: {  	[sflag:s20] =	ssyncadd.s32 $0xFFFFD800  }
0xba: {  	[spmem:s3] =	stream.indirect.scatter.add.f32 [tilespmem:s13], [sflag:$0x4], $0x80, s31, s16, $0xb8;
	[tilespmem:$0x1FF80] =	vst v63  }
0xbb: {  	_ =	swait.ge [sflag:s23], $0x2800  }
0xbc: {  	[sflag:s23] =	ssyncset.done $0x0  }
0xbd: {  	[sflag:s23] =	ssyncadd.s32 $0xFFFFD800  }
0xbe: {  	[spmem:s3] =	stream.indirect.scatter.add.f32 [tilespmem:s17], [sflag:$0x5], $0x80, s1, s16, $0xb8;
	[tilespmem:$0x1FF80] =	vst v63  }
0xbf: {  	_ =	swait.ge [sflag:s30], $0x2800  }
0xc0: {  	[sflag:s30] =	ssyncset.done $0x0  }
0xc1: {  	[sflag:s30] =	ssyncadd.s32 $0xFFFFD800  }
0xc2: {  	_ =	swait.ge [sflag:s21], $0x2800  }
0xc3: {  	[sflag:s21] =	ssyncset.done $0x0  }
0xc4: {  	[sflag:s21] =	ssyncadd.s32 $0xFFFFD800  }
0xc5: {  	_ =	swait.ge [sflag:s25], $0x2800  }
0xc6: {  	s22 =	stileid.u32;
	[sflag:s25] =	ssyncset.done $0x0  }
0xc7: {  	s2 =	sshll.u32 s22, $0x6;
	[sflag:s25] =	ssyncadd.s32 $0xFFFFD800  }
0xc8: {  	s18 =	sshrl.u32 s5, $0x3;
	s2 =	sor.u32 $0x1C07, s2;
	[bflag:$0x0] =	sbarrier.arrive $0xFFFF  }
0xc9: {  	[hbm:s8], [sflag:s2] =	dma.local [spmem:s18], $0x2700  }
0xca: {  	_ =	swait.ge [sflag:s14], $0x2700  }
0xcb: {  	s4 =	sadd.s32 $0x1, s4;
	[sflag:s14] =	ssyncset.done $0x0  }
0xcc: {  	p1 =	sne.s32 s4, s11;
	s18 =	sshrl.u32 @!p0 s10, $0x3;
	[sflag:s14] =	ssyncadd.s32 $0xFFFFD900  }
0xcd: {  	[hbm:s9], [sflag:s2] =	dma.local @!p0 [spmem:s18], $0x100  }
.Ltmp2:
0xce: {  	_ = 	snop;
	(pc) =	sbr.rel @p1 .LBB2_1-.Ltmp2, $4  }
0xcf: {  	s2 =	simm.s32 @!p0 $0x7  }
0xd0: {  	_ =	swait.ge @!p0 [sflag:s2], $0x100  }
0xd1: {  	[sflag:s2] =	ssyncset.done @!p0 $0x0  }
0xd2: {  	[sflag:s2] =	ssyncadd.s32 @!p0 $0xFFFFFF00  }
0xd3: {  	_ =	sfence.sel $0x180000  }
0xd4: {  	[bflag:$0x0] =	sbarrier.arrive $0xFFFF  }
0xd5: {  	_ =	strace $0x90000047  }
0xd6: {  	[bflag:$0x2] =	sbarrier.arrive $0xFFFF  }
0xd7: {  	s0 =	rddreg [dreg:$0x3]  }
0xd8: {  	s0 =	sadd.s32 @!p0 $0x100000, s0  }
0xd9: {  	[sflag:s0] =	ssyncadd.tile.s32 @!p0 $0x1;
	_ =	shalt  }
.Lfunc_end2:
_tile_overlayer_lowered:
.L_overlay_start_2:
0xda: {  	(tag) =	ssettag $0x2  }
0xdb: {  	s0 =	rddreg [dreg:$0x0];
	s2 =	stileid.u32  }
0xdc: {  	s1 =	rddreg [dreg:$0x1];
	p0 =	sne.s32 s2, $0x0  }
0xdd: {  	s3 =	rddreg [dreg:$0x2];
	[bflag:$0x3] =	sbarrier.arrive $0xFFFF;
	s2 =	simm.s32 @!p0 $0x1C07  }
0xde: {  	[timem:s3], [sflag:s2] =	dma.local @!p0 [hbm:s0], s1  }
0xdf: {  	s0 =	simm.s32 @!p0 $0x7  }
0xe0: {  	_ =	swait.ge @!p0 [sflag:s0], s1  }
0xe1: {  	s1 =	ssub.s32 @!p0 $0x0, s1;
	[sflag:s0] =	ssyncset.done @!p0 $0x0  }
0xe2: {  	[sflag:s0] =	ssyncadd.s32 @!p0 s1  }
0xe3: {  	[bflag:$0x3] =	sbarrier.arrive $0xFFFF  }
0xe4: {  	_ =	shalt  }

// kernel: kernel.16.cloned.1.call-start
scs
__scs_entry_jumppad:
0x0: {  	(pc) =	sbr.rel $0x88, $3  }
0x1: {  	(tag) =	ssettag $0x0;
	lr =	simm.s32 $0x1  }
0x2: {  	[smem:$0x3F96] =	sst lr;
	_ =	strace $0xD0000000  }
0x3: {  	_ = 	snop  }
0x4: {  	_ = 	snop  }
0x5: {  	_ = 	snop  }
0x6: {  	_ = 	snop  }
0x7: {  	_ = 	snop  }
__scs_overlays_trampoline_lowered:
0x8: {  	[smem:$0x3FA5] =	sst s0  }
0x9: {  	[smem:$0x3FA6] =	sst s1  }
0xa: {  	[smem:$0x3FA7] =	sst s2  }
0xb: {  	[smem:$0x3FA8] =	sst s3  }
0xc: {  	[smem:$0x3FA9] =	sst s4  }
0xd: {  	[smem:$0x3FAA] =	sst s5  }
0xe: {  	[smem:$0x3FAB] =	sst s6  }
0xf: {  	[smem:$0x3FAC] =	sst s7  }
0x10: {  	[smem:$0x3FAD] =	sst s8  }
0x11: {  	[smem:$0x3FAE] =	sst s9;
	s0 =	simm.s32 @!p0 $0x0  }
0x12: {  	s1 =	sld [smem:$0x3F94];
	s0 =	simm.s32 @p0 $0x1  }
0x13: {  	[smem:$0x3FAF] =	sst s0;
	s0 =	simm.s32 @!p1 $0x0  }
0x14: {  	s2 =	sld [smem:$0x3F93];
	s0 =	simm.s32 @p1 $0x1  }
0x15: {  	[smem:$0x3FB0] =	sst s0;
	s0 =	simm.s32 @!p2 $0x0  }
0x16: {  	s3 =	sld [smem:$0x3FDB];
	s0 =	simm.s32 @p2 $0x1  }
0x17: {  	s4 =	simm.s32 $0x1BF5;
	[smem:$0x3FB2] =	sst s0  }
0x18: {  	s0 =	sld [smem:$0x3F95];
	_ =	swait.ge [sflag:s4], $0x0  }
0x19: {  	s7 =	sld [smem:$0x3F96]  }
0x1a: {  	s8 =	sadd.s32 $0xFFFFE003, lr  }
0x1b: {  	s9 =	sadd.s32 $0xFFFFFEF7, lr;
	s5 =	simm.s32 $0xFFFFFFFF;
	p2 =	slt.u32 s8, $0xFFFFF086  }
0x1c: {  	p1 =	slt.u32 s9, $0xF7A;
	s5 =	simm.s32 @!p2 $0x0  }
0x1d: {  	s5 =	simm.s32 @p1 $0x1;
	p0 =	seq.s32 s7, s2  }
0x1e: {  	s7 =	smul.u32 @!p0 $0xF7A, s2;
	p2 =	seq.s32 @!p0 s5, $0x0  }
0x1f: {  	s9 =	smul.u32 $0xF7A, s1;
	s8 =	simm.s32 @!p0 $0x1BF5;
	p2 =	por !p2, p0  }
0x20: {  	[sflag:s8] =	ssyncset.s32 @!p0 $0xFFFFF086;
	s6 =	sadd.s32 @!p0 s3, s7;
	s7 =	simm.s32 @!p0 $0x108  }
0x21: {  	s3 =	sadd.s32 s3, s9;
	s6 =	sadd.s32 @!p0 $0x88, s6;
	s7 =	simm.s32 @p2 $0x1082  }
0x22: {  	[simem:s7], [sflag:s8] =	dma.local @!p0 [hbm:s6], $0xF7A  }
0x23: {  	s9 =	sor.u32 $0xD0000000, s2;
	s6 =	simm.s32 $0x108;
	_ =	swait.ge @!p0 [sflag:s8], $0x0  }
0x24: {  	s3 =	sadd.s32 $0x88, s3;
	s6 =	simm.s32 @!p1 $0x1082;
	[sflag:s4] =	ssyncset.s32 $0xFFFFF086  }
0x25: {  	[simem:s6], [sflag:s4] =	dma.local [hbm:s3], $0xF7A  }
0x26: {  	[smem:$0x3F96] =	sst s1;
	(tag) =	ssettag s2;
	_ =	strace s9  }
0x27: {  	s1 =	sld [smem:$0x3FA6]  }
0x28: {  	s2 =	sld [smem:$0x3FA7]  }
0x29: {  	s4 =	sld [smem:$0x3FA9]  }
0x2a: {  	p0 =	seq.s32 s5, $0x0;
	s5 =	sld [smem:$0x3FAA]  }
0x2b: {  	s6 =	sld [smem:$0x3FAB]  }
0x2c: {  	s7 =	sld [smem:$0x3FAC]  }
0x2d: {  	s3 =	simm.s32 $0x108;
	s8 =	sld [smem:$0x3FAD]  }
0x2e: {  	s3 =	simm.s32 @!p0 $0x1082;
	s9 =	sld [smem:$0x3FAE]  }
0x2f: {  	lr =	sadd.s32 s0, s3;
	s0 =	sld [smem:$0x3FA5]  }
0x30: {  	s3 =	sld [smem:$0x3FA8]  }
0x31: {  	[smem:$0x3FB1] =	sst s10  }
0x32: {  	s10 =	sld [smem:$0x3FAF];
	_ =	sdelay $0x3  }
0x33: {  	p0 =	seq.s32 s10, $0x1;
	s10 =	sld [smem:$0x3FB1];
	_ =	sdelay $0x3  }
0x34: {  	[smem:$0x3FB1] =	sst s10  }
0x35: {  	s10 =	sld [smem:$0x3FB0];
	_ =	sdelay $0x3  }
0x36: {  	p1 =	seq.s32 s10, $0x1;
	s10 =	sld [smem:$0x3FB1];
	_ =	sdelay $0x3  }
0x37: {  	[smem:$0x3FB1] =	sst s10  }
0x38: {  	s10 =	sld [smem:$0x3FB2]  }
0x39: {  	_ = 	snop;
	(pc) =	sbr.ind lr, $3  }
0x3a: {  	_ = 	snop  }
0x3b: {  	_ = 	snop  }
0x3c: {  	p2 =	seq.s32 s10, $0x1;
	s10 =	sld [smem:$0x3FB1]  }
0x3d: {  	_ =	shalt  }
0x3e: {  	_ =	shalt  }
0x3f: {  	_ =	shalt  }
0x40: {  	_ =	shalt  }
0x41: {  	_ =	shalt  }
0x42: {  	_ =	shalt  }
0x43: {  	_ =	shalt  }
0x44: {  	_ =	shalt  }
0x45: {  	_ =	shalt  }
0x46: {  	_ =	shalt  }
0x47: {  	_ =	shalt  }
0x48: {  	_ =	shalt  }
0x49: {  	_ =	shalt  }
0x4a: {  	_ =	shalt  }
0x4b: {  	_ =	shalt  }
0x4c: {  	_ =	shalt  }
0x4d: {  	_ =	shalt  }
0x4e: {  	_ =	shalt  }
0x4f: {  	_ =	shalt  }
0x50: {  	_ =	shalt  }
0x51: {  	_ =	shalt  }
0x52: {  	_ =	shalt  }
0x53: {  	_ =	shalt  }
0x54: {  	_ =	shalt  }
0x55: {  	_ =	shalt  }
0x56: {  	_ =	shalt  }
0x57: {  	_ =	shalt  }
0x58: {  	_ =	shalt  }
0x59: {  	_ =	shalt  }
0x5a: {  	_ =	shalt  }
0x5b: {  	_ =	shalt  }
0x5c: {  	_ =	shalt  }
0x5d: {  	_ =	shalt  }
0x5e: {  	_ =	shalt  }
0x5f: {  	_ =	shalt  }
0x60: {  	_ =	shalt  }
0x61: {  	_ =	shalt  }
0x62: {  	_ =	shalt  }
0x63: {  	_ =	shalt  }
0x64: {  	_ =	shalt  }
0x65: {  	_ =	shalt  }
0x66: {  	_ =	shalt  }
0x67: {  	_ =	shalt  }
0x68: {  	_ =	shalt  }
0x69: {  	_ =	shalt  }
0x6a: {  	_ =	shalt  }
0x6b: {  	_ =	shalt  }
0x6c: {  	_ =	shalt  }
0x6d: {  	_ =	shalt  }
0x6e: {  	_ =	shalt  }
0x6f: {  	_ =	shalt  }
0x70: {  	_ =	shalt  }
0x71: {  	_ =	shalt  }
0x72: {  	_ =	shalt  }
0x73: {  	_ =	shalt  }
0x74: {  	_ =	shalt  }
0x75: {  	_ =	shalt  }
0x76: {  	_ =	shalt  }
0x77: {  	_ =	shalt  }
0x78: {  	_ =	shalt  }
0x79: {  	_ =	shalt  }
0x7a: {  	_ =	shalt  }
0x7b: {  	_ =	shalt  }
0x7c: {  	_ =	shalt  }
0x7d: {  	_ =	shalt  }
0x7e: {  	_ =	shalt  }
0x7f: {  	_ =	shalt  }
0x80: {  	_ =	shalt  }
0x81: {  	_ =	shalt  }
0x82: {  	_ =	shalt  }
0x83: {  	_ =	shalt  }
0x84: {  	_ =	shalt  }
0x85: {  	_ =	shalt  }
0x86: {  	_ =	shalt  }
0x87: {  	_ =	shalt  }
.Lfunc_end0:
.L_simem_size_0:
called_computation.2_lowered:
.L_overlay_start_0:
0x88: {  	s2 =	sld [smem:$0x3FD9]  }
0x89: {  	s3 =	sld [smem:$0x3FFE];
	_ =	sdelay $0x1  }
0x8a: {  	s1 =	srdreg.scid  }
0x8b: {  	s0 =	sand.u32 $0x1, s1  }
0x8c: {  	s17 =	sshll.u32 s0, $0xA;
	s2 =	sadd.s32 s3, s2  }
0x8d: {  	s2 =	sadd.s32 s2, s17  }
0x8e: {  	[smem:$0x3FBD] =	sst s2  }
0x8f: {  	_ = 	snop  }
0x90: {  	s2 =	sld [smem:$0x3FD0];
	(tm) =	ssettm $0x1  }
0x91: {  	s18 =	sld [smem:$0x3FFB];
	_ =	sdelay $0x3  }
0x92: {  	_ =	strace s18  }
0x93: {  	s3 =	sld [smem:$0x3FFC];
	_ =	sdelay $0x3  }
0x94: {  	_ =	strace s3  }
0x95: {  	s3 =	sld [smem:$0x3FFD];
	_ =	sdelay $0x3  }
0x96: {  	_ =	strace s3  }
0x97: {  	_ =	strace $0x8FFFFFFF  }
0x98: {  	s19 =	sld [smem:$0x3FDB];
	_ =	sdelay $0x1  }
0x99: {  	s4 =	simm.s32 $_scs_section_size  }
0x9a: {  	s5 =	simm.s32 $_size__tile_overlayer_lowered;
	s6 =	simm.s32 $_tile_overlayer_lowered  }
0x9b: {  	s22 =	simm.s32 $0x1BFF;
	s21 =	sshll.u32 s6, $0x1;
	s3 =	sadd.s32 s4, s19  }
0x9c: {  	s7 =	simm.s32 $0x0;
	s20 =	sshll.u32 s5, $0x1;
	s5 =	sadd.s32 s21, s3  }
0x9d: {  	[timem:s7], [sflag:s22] =	dma.local [hbm:s5], s20  }
0x9e: {  	_ =	swait.ge [sflag:s22], s20  }
0x9f: {  	s4 =	ssub.s32 $0x0, s20;
	[sflag:s22] =	ssyncset.done $0x0  }
0xa0: {  	[sflag:s22] =	ssyncadd.s32 s4;
	_ =	sdelay $0x1  }
0xa1: {  	s23 =	simm.s32 $0x1B8B  }
0xa2: {  	_ =	swait.ge [sflag:s23], $0x1  }
0xa3: {  	[sflag:s23] =	ssyncset.done $0x0  }
0xa4: {  	s25 =	simm.s32 $0x1B8E;
	s24 =	sld [smem:$0x3FFE];
	[sflag:s23] =	ssyncadd.s32 $0xFFFFFFFF  }
0xa5: {  	s26 =	simm.s32 $execute0_lowered;
	[smem:$0x3FD2] =	sst s25  }
0xa6: {  	s5 =	sshll.u32 s26, $0x1;
	_ =	strace $0x8000004C;
	[dreg:$0x1] =	wrdreg $0xFFFFFFFF  }
0xa7: {  	s28 =	simm.s32 $_size_execute0_lowered;
	s3 =	sadd.s32 s3, s5;
	[dreg:$0x0] =	wrdreg $0x0  }
0xa8: {  	s5 =	sshll.u32 s28, $0x1;
	[dreg:$0x2] =	wrdreg s3  }
0xa9: {  	[dreg:$0x3] =	wrdreg s5  }
0xaa: {  	[dreg:$0x4] =	wrdreg $0xC0  }
0xab: {  	_ =	task [dreg:s7], $0x5FFFF  }
0xac: {  	[dreg:$0x1] =	wrdreg $0xFFFFFFFF  }
0xad: {  	[dreg:$0x0] =	wrdreg $0x60  }
0xae: {  	[dreg:$0x2] =	wrdreg s2  }
0xaf: {  	[dreg:$0x3] =	wrdreg s24  }
0xb0: {  	[dreg:$0x4] =	wrdreg $0xC7000  }
0xb1: {  	[dreg:$0x5] =	wrdreg $0x9  }
0xb2: {  	_ =	task.clear_ibuf [dreg:s7], $0x6FFFF;
	_ =	strace $0x9000004C  }
0xb3: {  	s29 =	simm.s32 $0x9;
	_ =	strace $0x8000004E  }
0xb4: {  	_ =	swait.ge [sflag:s29], $0x1  }
0xb5: {  	[sflag:s29] =	ssyncadd.s32 $0xFFFFFFFF  }
0xb6: {  	_ =	strace $0x9000004E  }
0xb7: {  	_ =	sfence  }
0xb8: {  	s30 =	sld [smem:$0x0];
	_ =	sdelay $0x2  }
0xb9: {  	s31 =	sshll.u32 s1, $0xD;
	s1 =	sshrl.u32 s1, $0x2  }
0xba: {  	s3 =	sand.u32 $0x4000, s31;
	s1 =	sadd.s32 s1, s30  }
0xbb: {  	s0 =	sor.u32 s3, s0;
	s1 =	sshll.u32 s1, $0x11  }
0xbc: {  	s0 =	sor.u32 s1, s0  }
0xbd: {  	s0 =	sadd.s32 $0x8F2B, s0  }
0xbe: {  	[sflag:s0] =	ssyncadd.remote.s32 $0x1  }
0xbf: {  	_ =	sfence.sel $0xFFFF  }
0xc0: {  	[dreg:$0x0] =	wrdreg $0xFFFFFFFF;
	(pc) =	sbr.abs _section_cstart, $3  }
0xc1: {  	[dreg:$0x1] =	wrdreg $0xFFFFFFFF  }
0xc2: {  	_ =	task.clear_ibuf [dreg:s7], $0x2FFFF;
	_ =	strace $0x9FFFFFFF  }
0xc3: {  	(tm) =	ssettm $0x7FFFFFFF  }
tec
execute0_lowered:
.L_overlay_start_1:
0x0: {  	(tag) =	ssettag $0x1  }
0x1: {  	s0 =	rddreg [dreg:$0x0]  }
0x2: {  	s1 =	srdreg.scid;
	s2 =	rddreg [dreg:$0x1]  }
0x3: {  	s15 =	stileid.u32;
	s3 =	rddreg [dreg:$0x2];
	s13 =	simm.s32 $0x4F00  }
0x4: {  	s14 =	simm.s32 $0x7;
	s16 =	simm.s32 $0x50;
	s17 =	simm.s32 $0x7700  }
0x5: {  	s19 =	simm.s32 $0x9F00;
	s20 =	simm.s32 $0x1;
	s21 =	simm.s32 $0x4  }
0x6: {  	s23 =	simm.s32 $0x2;
	s24 =	simm.s32 $0x27D0;
	s25 =	simm.s32 $0x5  }
0x7: {  	s28 =	simm.s32 $0x3;
	s29 =	simm.s32 $0x2820;
	s30 =	simm.s32 $0x6  }
0x8: {  	s31 =	simm.s32 $0x4DF0;
	s1 =	sand.u32 $0x1, s1;
	s6 =	smul.u32 $0x4E000, s15  }
0x9: {  	s9 =	smul.u32 $0x13800, s15;
	s12 =	sadd.s32 $0x138400, s3;
	p0 =	sne.s32 s15, $0x0  }
0xa: {  	s4 =	sshll.u32 s1, $0x4;
	s7 =	smul.u32 $0x138800, s1;
	s1 =	ssub.s32 $0x2, s1  }
0xb: {  	s5 =	sor.u32 s15, s4;
	s4 =	simm.s32 $0x0;
	s26 =	sshrl.u32 s1, $0x1  }
0xc: {  	s6 =	sshrl.u32 s6, $0x2;
	s15 =	simm.s32 $0x2780;
	s5 =	smul.u32 $0x4E2, s5  }
0xd: {  	[smem:$0x7FF] =	sst s4;
	s1 =	ssub.s32 s1, s26;
	s9 =	sadd.s32 s9, s7  }
0xe: {  	s10 =	sshrl.u32 s7, $0x3;
	s26 =	simm.s32 $0x140;
	_ =	strace $0x8000004D  }
0xf: {  	s9 =	sshrl.u32 s9, $0x3;
	s11 =	smax.u32 s1, $0x1;
	s8 =	sadd.s32 s5, s2  }
0x10: {  	s2 =	sadd.s32 $0x16600, s2;
	s5 =	sadd.s32 s6, s3;
	s6 =	sadd.s32 $0xC800, s8  }
0x11: {  	s7 =	sadd.s32 $0x2A00, s8;
	s8 =	sadd.s32 s2, s9;
	s2 =	sadd.s32 s2, s10  }
0x12: {  	v0 =	vimm.f32 $0.0e+00;
	s1 =	simm.s32 $0x4E40;
	s10 =	sadd.s32 $0x138000, s3;
	s9 =	sadd.s32 $0x27000, s2  }
.LBB2_1:
0x13: {  	[tilespmem:$0x4F00] =	vst v0  }
0x14: {  	[tilespmem:$0x4F10] =	vst v0  }
0x15: {  	[tilespmem:$0x4F20] =	vst v0  }
0x16: {  	[tilespmem:$0x4F30] =	vst v0  }
0x17: {  	[tilespmem:$0x4F40] =	vst v0  }
0x18: {  	[tilespmem:$0x4F50] =	vst v0  }
0x19: {  	[tilespmem:$0x4F60] =	vst v0  }
0x1a: {  	[tilespmem:$0x4F70] =	vst v0  }
0x1b: {  	[tilespmem:$0x4F80] =	vst v0  }
0x1c: {  	[tilespmem:$0x4F90] =	vst v0  }
0x1d: {  	[tilespmem:$0x4FA0] =	vst v0  }
0x1e: {  	[tilespmem:$0x4FB0] =	vst v0  }
0x1f: {  	[tilespmem:$0x4FC0] =	vst v0  }
0x20: {  	[tilespmem:$0x4FD0] =	vst v0  }
0x21: {  	[tilespmem:$0x4FE0] =	vst v0  }
0x22: {  	[tilespmem:$0x4FF0] =	vst v0  }
0x23: {  	[tilespmem:$0x5000] =	vst v0  }
0x24: {  	[tilespmem:$0x5010] =	vst v0  }
0x25: {  	[tilespmem:$0x5020] =	vst v0  }
0x26: {  	[tilespmem:$0x5030] =	vst v0  }
0x27: {  	[tilespmem:$0x5040] =	vst v0  }
0x28: {  	[tilespmem:$0x5050] =	vst v0  }
0x29: {  	[tilespmem:$0x5060] =	vst v0  }
0x2a: {  	[tilespmem:$0x5070] =	vst v0  }
0x2b: {  	[tilespmem:$0x5080] =	vst v0  }
0x2c: {  	[tilespmem:$0x5090] =	vst v0  }
0x2d: {  	[tilespmem:$0x50A0] =	vst v0  }
0x2e: {  	[tilespmem:$0x50B0] =	vst v0  }
0x2f: {  	[tilespmem:$0x50C0] =	vst v0  }
0x30: {  	[tilespmem:$0x50D0] =	vst v0  }
0x31: {  	[tilespmem:$0x50E0] =	vst v0  }
0x32: {  	[tilespmem:$0x50F0] =	vst v0  }
0x33: {  	[tilespmem:$0x5100] =	vst v0  }
0x34: {  	[tilespmem:$0x5110] =	vst v0  }
0x35: {  	[tilespmem:$0x5120] =	vst v0  }
0x36: {  	[tilespmem:$0x5130] =	vst v0  }
0x37: {  	[tilespmem:$0x5140] =	vst v0  }
0x38: {  	[tilespmem:$0x5150] =	vst v0  }
0x39: {  	[tilespmem:$0x5160] =	vst v0  }
0x3a: {  	[tilespmem:$0x5170] =	vst v0  }
0x3b: {  	[tilespmem:$0x5180] =	vst v0  }
0x3c: {  	[tilespmem:$0x5190] =	vst v0  }
0x3d: {  	[tilespmem:$0x51A0] =	vst v0  }
0x3e: {  	[tilespmem:$0x51B0] =	vst v0  }
0x3f: {  	[tilespmem:$0x51C0] =	vst v0  }
0x40: {  	[tilespmem:$0x51D0] =	vst v0  }
0x41: {  	[tilespmem:$0x51E0] =	vst v0  }
0x42: {  	[tilespmem:$0x51F0] =	vst v0  }
0x43: {  	[tilespmem:$0x5200] =	vst v0  }
0x44: {  	[tilespmem:$0x5210] =	vst v0  }
0x45: {  	[tilespmem:$0x5220] =	vst v0  }
0x46: {  	[tilespmem:$0x5230] =	vst v0  }
0x47: {  	[tilespmem:$0x5240] =	vst v0  }
0x48: {  	[tilespmem:$0x5250] =	vst v0  }
0x49: {  	[tilespmem:$0x5260] =	vst v0  }
0x4a: {  	[tilespmem:$0x5270] =	vst v0  }
0x4b: {  	[tilespmem:$0x5280] =	vst v0  }
0x4c: {  	[tilespmem:$0x5290] =	vst v0  }
0x4d: {  	[tilespmem:$0x52A0] =	vst v0  }
0x4e: {  	[tilespmem:$0x52B0] =	vst v0  }
0x4f: {  	[tilespmem:$0x52C0] =	vst v0  }
0x50: {  	[tilespmem:$0x52D0] =	vst v0  }
0x51: {  	[tilespmem:$0x52E0] =	vst v0  }
0x52: {  	[tilespmem:$0x52F0] =	vst v0;
	s2 =	sadd.s32 $0x0, s5  }
0x53: {  	[spmem:s2] =	stream.linear.scatter [tilespmem:s13], [sflag:$0x7], $0x400, $0x38;
	[tilespmem:$0x1FF80] =	vst v63  }
0x54: {  	s18 =	simm.s32 $0x1000;
	_ =	swait.ge [sflag:s14], $0x400  }
.LBB2_2:
0x55: {  	s2 =	sshra.s32 s18, $0x2;
	[sflag:s14] =	ssyncset.done $0x0;
	p1 =	sne.s32 s18, $0x4D000  }
.Ltmp0:
0x56: {  	s2 =	sadd.s32 s2, s5;
	[sflag:s14] =	ssyncadd.s32 $0xFFFFFC00;
	(pc) =	sbr.rel @p1 .LBB2_2-.Ltmp0, $3  }
0x57: {  	[spmem:s2] =	stream.linear.scatter [tilespmem:s13], [sflag:$0x7], $0x400, $0x38;
	[tilespmem:$0x1FF80] =	vst v63  }
0x58: {  	s18 =	sadd.s32 $0x1000, s18;
	_ =	sdelay $0x1  }
0x59: {  	_ =	swait.ge [sflag:s14], $0x400  }
0x5a: {  	[sflag:s14] =	ssyncset.done $0x0  }
0x5b: {  	s2 =	simm.s32 @!p0 $0x4F00;
	s18 =	simm.s32 @!p0 $0x7;
	[sflag:s14] =	ssyncadd.s32 $0xFFFFFC00  }
0x5c: {  	[spmem:s10] =	stream.linear.scatter @!p0 [tilespmem:s2], [sflag:$0x7], $0x400, $0x38;
	[tilespmem:$0x1FF80] =	vst v63  }
0x5d: {  	_ =	swait.ge @!p0 [sflag:s18], $0x400  }
0x5e: {  	[sflag:s18] =	ssyncset.done @!p0 $0x0  }
0x5f: {  	[sflag:s18] =	ssyncadd.s32 @!p0 $0xFFFFFC00  }
0x60: {  	[spmem:s12] =	stream.linear.scatter @!p0 [tilespmem:s2], [sflag:$0x7], $0x400, $0x38;
	[tilespmem:$0x1FF80] =	vst v63  }
0x61: {  	_ =	swait.ge @!p0 [sflag:s18], $0x400  }
0x62: {  	[sflag:s18] =	ssyncset.done @!p0 $0x0  }
0x63: {  	[sflag:s18] =	ssyncadd.s32 @!p0 $0xFFFFFC00;
	s18 =	simm.s32 $0x0  }
0x64: {  	[tilespmem:s18], [sflag:$0x7] =	stream.linear.gather [hbm4b:s6+s18], $0x2710, $0x38;
	[tilespmem:$0x1FF80] =	vst v63  }
0x65: {  	_ =	swait.ge [sflag:s14], $0x2710  }
0x66: {  	[sflag:s14] =	ssyncset.done $0x0  }
0x67: {  	[sflag:s14] =	ssyncadd.s32 $0xFFFFD8F0  }
0x68: {  	[tilespmem:s15], [sflag:$0x7] =	stream.linear.gather [hbm4b:s7+s18], $0x2710, $0x38;
	[tilespmem:$0x1FF80] =	vst v63  }
0x69: {  	_ =	swait.ge [sflag:s14], $0x2710  }
0x6a: {  	[sflag:s14] =	ssyncset.done $0x0  }
0x6b: {  	[sflag:s14] =	ssyncadd.s32 $0xFFFFD8F0  }
0x6c: {  	[bflag:$0x0] =	sbarrier.arrive $0xFFFF  }
0x6d: {  	[tilespmem:s13], [sflag:$0x1] =	stream.indirect.gather [hbm4b:s0+s16], $0x80, s18, s16, $0xb8;
	[tilespmem:$0x1FF80] =	vst v63  }
0x6e: {  	_ = 	snop  }
0x6f: {  	[tilespmem:s17], [sflag:$0x2] =	stream.indirect.gather [hbm4b:s0+s16], $0x80, s16, s16, $0xb8;
	[tilespmem:$0x1FF80] =	vst v63  }
0x70: {  	s22 =	simm.s32 $0xA0  }
0x71: {  	[tilespmem:s19], [sflag:$0x3] =	stream.indirect.gather [hbm4b:s0+s16], $0x80, s22, s16, $0xb8;
	[tilespmem:$0x1FF80] =	vst v63  }
0x72: {  	_ =	swait.ge [sflag:s20], $0x2800  }
0x73: {  	[sflag:s20] =	ssyncset.done $0x0  }
0x74: {  	[sflag:s20] =	ssyncadd.s32 $0xFFFFD800  }
0x75: {  	[spmem:s3] =	stream.indirect.scatter.add.f32 [tilespmem:s13], [sflag:$0x4], $0x80, s15, s16, $0xb8;
	[tilespmem:$0x1FF80] =	vst v63  }
0x76: {  	_ =	swait.ge [sflag:s21], $0x2800  }
0x77: {  	[sflag:s21] =	ssyncset.done $0x0  }
0x78: {  	s18 =	simm.s32 $0xF0;
	[sflag:s21] =	ssyncadd.s32 $0xFFFFD800  }
0x79: {  	[tilespmem:s13], [sflag:$0x1] =	stream.indirect.gather [hbm4b:s0+s16], $0x80, s18, s16, $0xb8;
	[tilespmem:$0x1FF80] =	vst v63  }
0x7a: {  	_ =	swait.ge [sflag:s23], $0x2800  }
0x7b: {  	[sflag:s23] =	ssyncset.done $0x0  }
0x7c: {  	[sflag:s23] =	ssyncadd.s32 $0xFFFFD800  }
0x7d: {  	[spmem:s3] =	stream.indirect.scatter.add.f32 [tilespmem:s17], [sflag:$0x5], $0x80, s24, s16, $0xb8;
	[tilespmem:$0x1FF80] =	vst v63  }
0x7e: {  	_ =	swait.ge [sflag:s25], $0x2800  }
0x7f: {  	[sflag:s25] =	ssyncset.done $0x0  }
0x80: {  	[sflag:s25] =	ssyncadd.s32 $0xFFFFD800  }
0x81: {  	[tilespmem:s17], [sflag:$0x2] =	stream.indirect.gather [hbm4b:s0+s16], $0x80, s26, s16, $0xb8;
	[tilespmem:$0x1FF80] =	vst v63  }
0x82: {  	_ =	swait.ge [sflag:s28], $0x2800  }
0x83: {  	[sflag:s28] =	ssyncset.done $0x0  }
0x84: {  	[sflag:s28] =	ssyncadd.s32 $0xFFFFD800  }
0x85: {  	[spmem:s3] =	stream.indirect.scatter.add.f32 [tilespmem:s19], [sflag:$0x6], $0x80, s29, s16, $0xb8;
	[tilespmem:$0x1FF80] =	vst v63  }
0x86: {  	_ =	swait.ge [sflag:s30], $0x2800  }
0x87: {  	[sflag:s30] =	ssyncset.done $0x0  }
0x88: {  	s22 =	simm.s32 $0x190;
	[sflag:s30] =	ssyncadd.s32 $0xFFFFD800  }
0x89: {  	[tilespmem:s19], [sflag:$0x3] =	stream.indirect.gather [hbm4b:s0+s16], $0x80, s22, s16, $0xb8;
	[tilespmem:$0x1FF80] =	vst v63  }
0x8a: {  	_ =	swait.ge [sflag:s20], $0x2800  }
0x8b: {  	[sflag:s20] =	ssyncset.done $0x0  }
0x8c: {  	s18 =	simm.s32 $0x2870;
	[sflag:s20] =	ssyncadd.s32 $0xFFFFD800  }
0x8d: {  	[spmem:s3] =	stream.indirect.scatter.add.f32 [tilespmem:s13], [sflag:$0x4], $0x80, s18, s16, $0xb8;
	[tilespmem:$0x1FF80] =	vst v63  }
0x8e: {  	_ =	swait.ge [sflag:s21], $0x2800  }
0x8f: {  	[sflag:s21] =	ssyncset.done $0x0  }
0x90: {  	s22 =	simm.s32 $0x1E0;
	[sflag:s21] =	ssyncadd.s32 $0xFFFFD800  }
0x91: {  	[tilespmem:s13], [sflag:$0x1] =	stream.indirect.gather [hbm4b:s0+s16], $0x80, s22, s16, $0xb8;
	[tilespmem:$0x1FF80] =	vst v63  }
0x92: {  	_ =	swait.ge [sflag:s23], $0x2800  }
0x93: {  	[sflag:s23] =	ssyncset.done $0x0  }
0x94: {  	s18 =	simm.s32 $0x28C0;
	[sflag:s23] =	ssyncadd.s32 $0xFFFFD800  }
0x95: {  	[spmem:s3] =	stream.indirect.scatter.add.f32 [tilespmem:s17], [sflag:$0x5], $0x80, s18, s16, $0xb8;
	[tilespmem:$0x1FF80] =	vst v63  }
0x96: {  	_ =	swait.ge [sflag:s25], $0x2800  }
0x97: {  	[sflag:s25] =	ssyncset.done $0x0  }
0x98: {  	s22 =	simm.s32 $0x230;
	[sflag:s25] =	ssyncadd.s32 $0xFFFFD800  }
0x99: {  	[tilespmem:s17], [sflag:$0x2] =	stream.indirect.gather [hbm4b:s0+s16], $0x80, s22, s16, $0xb8;
	[tilespmem:$0x1FF80] =	vst v63  }
0x9a: {  	_ =	swait.ge [sflag:s28], $0x2800  }
0x9b: {  	[sflag:s28] =	ssyncset.done $0x0  }
0x9c: {  	s2 =	simm.s32 $0x2910;
	s18 =	simm.s32 $0x3C0;
	[sflag:s28] =	ssyncadd.s32 $0xFFFFD800  }
.LBB2_4:
0x9d: {  	[spmem:s3] =	stream.indirect.scatter.add.f32 [tilespmem:s19], [sflag:$0x6], $0x80, s2, s16, $0xb8;
	[tilespmem:$0x1FF80] =	vst v63  }
0x9e: {  	s2 =	smov.u32 s18  }
0x9f: {  	p1 =	sne.s32 s18, $0x9240;
	s18 =	sadd.s32 $0x3C0, s18;
	_ =	swait.ge [sflag:s30], $0x2800  }
0xa0: {  	s2 =	sshra.s32 s2, $0x2;
	[sflag:s30] =	ssyncset.done $0x0  }
0xa1: {  	s22 =	sadd.s32 $0x190, s2;
	[sflag:s30] =	ssyncadd.s32 $0xFFFFD800  }
0xa2: {  	[tilespmem:s19], [sflag:$0x3] =	stream.indirect.gather [hbm4b:s0+s16], $0x80, s22, s16, $0xb8;
	[tilespmem:$0x1FF80] =	vst v63  }
0xa3: {  	_ =	swait.ge [sflag:s20], $0x2800  }
0xa4: {  	[sflag:s20] =	ssyncset.done $0x0  }
0xa5: {  	s22 =	sadd.s32 $0x2870, s2;
	[sflag:s20] =	ssyncadd.s32 $0xFFFFD800  }
0xa6: {  	[spmem:s3] =	stream.indirect.scatter.add.f32 [tilespmem:s13], [sflag:$0x4], $0x80, s22, s16, $0xb8;
	[tilespmem:$0x1FF80] =	vst v63  }
0xa7: {  	_ =	swait.ge [sflag:s21], $0x2800  }
0xa8: {  	[sflag:s21] =	ssyncset.done $0x0  }
0xa9: {  	s22 =	sadd.s32 $0x1E0, s2;
	[sflag:s21] =	ssyncadd.s32 $0xFFFFD800  }
0xaa: {  	[tilespmem:s13], [sflag:$0x1] =	stream.indirect.gather [hbm4b:s0+s16], $0x80, s22, s16, $0xb8;
	[tilespmem:$0x1FF80] =	vst v63  }
0xab: {  	_ =	swait.ge [sflag:s23], $0x2800  }
0xac: {  	[sflag:s23] =	ssyncset.done $0x0  }
0xad: {  	s22 =	sadd.s32 $0x28C0, s2;
	[sflag:s23] =	ssyncadd.s32 $0xFFFFD800  }
0xae: {  	[spmem:s3] =	stream.indirect.scatter.add.f32 [tilespmem:s17], [sflag:$0x5], $0x80, s22, s16, $0xb8;
	[tilespmem:$0x1FF80] =	vst v63  }
0xaf: {  	_ =	swait.ge [sflag:s25], $0x2800  }
0xb0: {  	[sflag:s25] =	ssyncset.done $0x0  }
.Ltmp1:
0xb1: {  	s22 =	sadd.s32 $0x230, s2;
	[sflag:s25] =	ssyncadd.s32 $0xFFFFD800;
	(pc) =	sbr.rel @p1 .LBB2_4-.Ltmp1, $4  }
0xb2: {  	[tilespmem:s17], [sflag:$0x2] =	stream.indirect.gather [hbm4b:s0+s16], $0x80, s22, s16, $0xb8;
	[tilespmem:$0x1FF80] =	vst v63  }
0xb3: {  	_ =	swait.ge [sflag:s28], $0x2800  }
0xb4: {  	[sflag:s28] =	ssyncset.done $0x0  }
0xb5: {  	s2 =	sadd.s32 $0x2910, s2;
	[sflag:s28] =	ssyncadd.s32 $0xFFFFD800  }
0xb6: {  	[spmem:s3] =	stream.indirect.scatter.add.f32 [tilespmem:s19], [sflag:$0x6], $0x80, s2, s16, $0xb8;
	[tilespmem:$0x1FF80] =	vst v63  }
0xb7: {  	_ =	swait.ge [sflag:s20], $0x2800  }
0xb8: {  	[sflag:s20] =	ssyncset.done $0x0  }
0xb9: {  	[sflag:s20] =	ssyncadd.s32 $0xFFFFD800  }
0xba: {  	[spmem:s3] =	stream.indirect.scatter.add.f32 [tilespmem:s13], [sflag:$0x4], $0x80, s31, s16, $0xb8;
	[tilespmem:$0x1FF80] =	vst v63  }
0xbb: {  	_ =	swait.ge [sflag:s23], $0x2800  }
0xbc: {  	[sflag:s23] =	ssyncset.done $0x0  }
0xbd: {  	[sflag:s23] =	ssyncadd.s32 $0xFFFFD800  }
0xbe: {  	[spmem:s3] =	stream.indirect.scatter.add.f32 [tilespmem:s17], [sflag:$0x5], $0x80, s1, s16, $0xb8;
	[tilespmem:$0x1FF80] =	vst v63  }
0xbf: {  	_ =	swait.ge [sflag:s30], $0x2800  }
0xc0: {  	[sflag:s30] =	ssyncset.done $0x0  }
0xc1: {  	[sflag:s30] =	ssyncadd.s32 $0xFFFFD800  }
0xc2: {  	_ =	swait.ge [sflag:s21], $0x2800  }
0xc3: {  	[sflag:s21] =	ssyncset.done $0x0  }
0xc4: {  	[sflag:s21] =	ssyncadd.s32 $0xFFFFD800  }
0xc5: {  	_ =	swait.ge [sflag:s25], $0x2800  }
0xc6: {  	s22 =	stileid.u32;
	[sflag:s25] =	ssyncset.done $0x0  }
0xc7: {  	s2 =	sshll.u32 s22, $0x6;
	[sflag:s25] =	ssyncadd.s32 $0xFFFFD800  }
0xc8: {  	s18 =	sshrl.u32 s5, $0x3;
	s2 =	sor.u32 $0x1C07, s2;
	[bflag:$0x0] =	sbarrier.arrive $0xFFFF  }
0xc9: {  	[hbm:s8], [sflag:s2] =	dma.local [spmem:s18], $0x2700  }
0xca: {  	_ =	swait.ge [sflag:s14], $0x2700  }
0xcb: {  	s4 =	sadd.s32 $0x1, s4;
	[sflag:s14] =	ssyncset.done $0x0  }
0xcc: {  	p1 =	sne.s32 s4, s11;
	s18 =	sshrl.u32 @!p0 s10, $0x3;
	[sflag:s14] =	ssyncadd.s32 $0xFFFFD900  }
0xcd: {  	[hbm:s9], [sflag:s2] =	dma.local @!p0 [spmem:s18], $0x100  }
.Ltmp2:
0xce: {  	_ = 	snop;
	(pc) =	sbr.rel @p1 .LBB2_1-.Ltmp2, $4  }
0xcf: {  	s2 =	simm.s32 @!p0 $0x7  }
0xd0: {  	_ =	swait.ge @!p0 [sflag:s2], $0x100  }
0xd1: {  	[sflag:s2] =	ssyncset.done @!p0 $0x0  }
0xd2: {  	[sflag:s2] =	ssyncadd.s32 @!p0 $0xFFFFFF00  }
0xd3: {  	_ =	sfence.sel $0x180000  }
0xd4: {  	[bflag:$0x0] =	sbarrier.arrive $0xFFFF  }
0xd5: {  	_ =	strace $0x9000004D  }
0xd6: {  	[bflag:$0x2] =	sbarrier.arrive $0xFFFF  }
0xd7: {  	s0 =	rddreg [dreg:$0x3]  }
0xd8: {  	s0 =	sadd.s32 @!p0 $0x100000, s0  }
0xd9: {  	[sflag:s0] =	ssyncadd.tile.s32 @!p0 $0x1;
	_ =	shalt  }
.Lfunc_end2:
_tile_overlayer_lowered:
.L_overlay_start_2:
0xda: {  	(tag) =	ssettag $0x2  }
0xdb: {  	s0 =	rddreg [dreg:$0x0];
	s2 =	stileid.u32  }
0xdc: {  	s1 =	rddreg [dreg:$0x1];
	p0 =	sne.s32 s2, $0x0  }
0xdd: {  	s3 =	rddreg [dreg:$0x2];
	[bflag:$0x3] =	sbarrier.arrive $0xFFFF;
	s2 =	simm.s32 @!p0 $0x1C07  }
0xde: {  	[timem:s3], [sflag:s2] =	dma.local @!p0 [hbm:s0], s1  }
0xdf: {  	s0 =	simm.s32 @!p0 $0x7  }
0xe0: {  	_ =	swait.ge @!p0 [sflag:s0], s1  }
0xe1: {  	s1 =	ssub.s32 @!p0 $0x0, s1;
	[sflag:s0] =	ssyncset.done @!p0 $0x0  }
0xe2: {  	[sflag:s0] =	ssyncadd.s32 @!p0 s1  }
0xe3: {  	[bflag:$0x3] =	sbarrier.arrive $0xFFFF  }
0xe4: {  	_ =	shalt  }

// kernel: kernel.19.cloned.1.call-start
scs
__scs_entry_jumppad:
0x0: {  	(pc) =	sbr.rel $0x88, $3  }
0x1: {  	(tag) =	ssettag $0x0;
	lr =	simm.s32 $0x1  }
0x2: {  	[smem:$0x3F96] =	sst lr;
	_ =	strace $0xD0000000  }
0x3: {  	_ = 	snop  }
0x4: {  	_ = 	snop  }
0x5: {  	_ = 	snop  }
0x6: {  	_ = 	snop  }
0x7: {  	_ = 	snop  }
__scs_overlays_trampoline_lowered:
0x8: {  	[smem:$0x3FA5] =	sst s0  }
0x9: {  	[smem:$0x3FA6] =	sst s1  }
0xa: {  	[smem:$0x3FA7] =	sst s2  }
0xb: {  	[smem:$0x3FA8] =	sst s3  }
0xc: {  	[smem:$0x3FA9] =	sst s4  }
0xd: {  	[smem:$0x3FAA] =	sst s5  }
0xe: {  	[smem:$0x3FAB] =	sst s6  }
0xf: {  	[smem:$0x3FAC] =	sst s7  }
0x10: {  	[smem:$0x3FAD] =	sst s8  }
0x11: {  	[smem:$0x3FAE] =	sst s9;
	s0 =	simm.s32 @!p0 $0x0  }
0x12: {  	s1 =	sld [smem:$0x3F94];
	s0 =	simm.s32 @p0 $0x1  }
0x13: {  	[smem:$0x3FAF] =	sst s0;
	s0 =	simm.s32 @!p1 $0x0  }
0x14: {  	s2 =	sld [smem:$0x3F93];
	s0 =	simm.s32 @p1 $0x1  }
0x15: {  	[smem:$0x3FB0] =	sst s0;
	s0 =	simm.s32 @!p2 $0x0  }
0x16: {  	s3 =	sld [smem:$0x3FDB];
	s0 =	simm.s32 @p2 $0x1  }
0x17: {  	s4 =	simm.s32 $0x1BF5;
	[smem:$0x3FB2] =	sst s0  }
0x18: {  	s0 =	sld [smem:$0x3F95];
	_ =	swait.ge [sflag:s4], $0x0  }
0x19: {  	s7 =	sld [smem:$0x3F96]  }
0x1a: {  	s8 =	sadd.s32 $0xFFFFE003, lr  }
0x1b: {  	s9 =	sadd.s32 $0xFFFFFEF7, lr;
	s5 =	simm.s32 $0xFFFFFFFF;
	p2 =	slt.u32 s8, $0xFFFFF086  }
0x1c: {  	p1 =	slt.u32 s9, $0xF7A;
	s5 =	simm.s32 @!p2 $0x0  }
0x1d: {  	s5 =	simm.s32 @p1 $0x1;
	p0 =	seq.s32 s7, s2  }
0x1e: {  	s7 =	smul.u32 @!p0 $0xF7A, s2;
	p2 =	seq.s32 @!p0 s5, $0x0  }
0x1f: {  	s9 =	smul.u32 $0xF7A, s1;
	s8 =	simm.s32 @!p0 $0x1BF5;
	p2 =	por !p2, p0  }
0x20: {  	[sflag:s8] =	ssyncset.s32 @!p0 $0xFFFFF086;
	s6 =	sadd.s32 @!p0 s3, s7;
	s7 =	simm.s32 @!p0 $0x108  }
0x21: {  	s3 =	sadd.s32 s3, s9;
	s6 =	sadd.s32 @!p0 $0x88, s6;
	s7 =	simm.s32 @p2 $0x1082  }
0x22: {  	[simem:s7], [sflag:s8] =	dma.local @!p0 [hbm:s6], $0xF7A  }
0x23: {  	s9 =	sor.u32 $0xD0000000, s2;
	s6 =	simm.s32 $0x108;
	_ =	swait.ge @!p0 [sflag:s8], $0x0  }
0x24: {  	s3 =	sadd.s32 $0x88, s3;
	s6 =	simm.s32 @!p1 $0x1082;
	[sflag:s4] =	ssyncset.s32 $0xFFFFF086  }
0x25: {  	[simem:s6], [sflag:s4] =	dma.local [hbm:s3], $0xF7A  }
0x26: {  	[smem:$0x3F96] =	sst s1;
	(tag) =	ssettag s2;
	_ =	strace s9  }
0x27: {  	s1 =	sld [smem:$0x3FA6]  }
0x28: {  	s2 =	sld [smem:$0x3FA7]  }
0x29: {  	s4 =	sld [smem:$0x3FA9]  }
0x2a: {  	p0 =	seq.s32 s5, $0x0;
	s5 =	sld [smem:$0x3FAA]  }
0x2b: {  	s6 =	sld [smem:$0x3FAB]  }
0x2c: {  	s7 =	sld [smem:$0x3FAC]  }
0x2d: {  	s3 =	simm.s32 $0x108;
	s8 =	sld [smem:$0x3FAD]  }
0x2e: {  	s3 =	simm.s32 @!p0 $0x1082;
	s9 =	sld [smem:$0x3FAE]  }
0x2f: {  	lr =	sadd.s32 s0, s3;
	s0 =	sld [smem:$0x3FA5]  }
0x30: {  	s3 =	sld [smem:$0x3FA8]  }
0x31: {  	[smem:$0x3FB1] =	sst s10  }
0x32: {  	s10 =	sld [smem:$0x3FAF];
	_ =	sdelay $0x3  }
0x33: {  	p0 =	seq.s32 s10, $0x1;
	s10 =	sld [smem:$0x3FB1];
	_ =	sdelay $0x3  }
0x34: {  	[smem:$0x3FB1] =	sst s10  }
0x35: {  	s10 =	sld [smem:$0x3FB0];
	_ =	sdelay $0x3  }
0x36: {  	p1 =	seq.s32 s10, $0x1;
	s10 =	sld [smem:$0x3FB1];
	_ =	sdelay $0x3  }
0x37: {  	[smem:$0x3FB1] =	sst s10  }
0x38: {  	s10 =	sld [smem:$0x3FB2]  }
0x39: {  	_ = 	snop;
	(pc) =	sbr.ind lr, $3  }
0x3a: {  	_ = 	snop  }
0x3b: {  	_ = 	snop  }
0x3c: {  	p2 =	seq.s32 s10, $0x1;
	s10 =	sld [smem:$0x3FB1]  }
0x3d: {  	_ =	shalt  }
0x3e: {  	_ =	shalt  }
0x3f: {  	_ =	shalt  }
0x40: {  	_ =	shalt  }
0x41: {  	_ =	shalt  }
0x42: {  	_ =	shalt  }
0x43: {  	_ =	shalt  }
0x44: {  	_ =	shalt  }
0x45: {  	_ =	shalt  }
0x46: {  	_ =	shalt  }
0x47: {  	_ =	shalt  }
0x48: {  	_ =	shalt  }
0x49: {  	_ =	shalt  }
0x4a: {  	_ =	shalt  }
0x4b: {  	_ =	shalt  }
0x4c: {  	_ =	shalt  }
0x4d: {  	_ =	shalt  }
0x4e: {  	_ =	shalt  }
0x4f: {  	_ =	shalt  }
0x50: {  	_ =	shalt  }
0x51: {  	_ =	shalt  }
0x52: {  	_ =	shalt  }
0x53: {  	_ =	shalt  }
0x54: {  	_ =	shalt  }
0x55: {  	_ =	shalt  }
0x56: {  	_ =	shalt  }
0x57: {  	_ =	shalt  }
0x58: {  	_ =	shalt  }
0x59: {  	_ =	shalt  }
0x5a: {  	_ =	shalt  }
0x5b: {  	_ =	shalt  }
0x5c: {  	_ =	shalt  }
0x5d: {  	_ =	shalt  }
0x5e: {  	_ =	shalt  }
0x5f: {  	_ =	shalt  }
0x60: {  	_ =	shalt  }
0x61: {  	_ =	shalt  }
0x62: {  	_ =	shalt  }
0x63: {  	_ =	shalt  }
0x64: {  	_ =	shalt  }
0x65: {  	_ =	shalt  }
0x66: {  	_ =	shalt  }
0x67: {  	_ =	shalt  }
0x68: {  	_ =	shalt  }
0x69: {  	_ =	shalt  }
0x6a: {  	_ =	shalt  }
0x6b: {  	_ =	shalt  }
0x6c: {  	_ =	shalt  }
0x6d: {  	_ =	shalt  }
0x6e: {  	_ =	shalt  }
0x6f: {  	_ =	shalt  }
0x70: {  	_ =	shalt  }
0x71: {  	_ =	shalt  }
0x72: {  	_ =	shalt  }
0x73: {  	_ =	shalt  }
0x74: {  	_ =	shalt  }
0x75: {  	_ =	shalt  }
0x76: {  	_ =	shalt  }
0x77: {  	_ =	shalt  }
0x78: {  	_ =	shalt  }
0x79: {  	_ =	shalt  }
0x7a: {  	_ =	shalt  }
0x7b: {  	_ =	shalt  }
0x7c: {  	_ =	shalt  }
0x7d: {  	_ =	shalt  }
0x7e: {  	_ =	shalt  }
0x7f: {  	_ =	shalt  }
0x80: {  	_ =	shalt  }
0x81: {  	_ =	shalt  }
0x82: {  	_ =	shalt  }
0x83: {  	_ =	shalt  }
0x84: {  	_ =	shalt  }
0x85: {  	_ =	shalt  }
0x86: {  	_ =	shalt  }
0x87: {  	_ =	shalt  }
.Lfunc_end0:
.L_simem_size_0:
called_computation.3_lowered:
.L_overlay_start_0:
0x88: {  	s2 =	sld [smem:$0x3FD9]  }
0x89: {  	s3 =	sld [smem:$0x3FFE];
	_ =	sdelay $0x1  }
0x8a: {  	s1 =	srdreg.scid  }
0x8b: {  	s0 =	sand.u32 $0x1, s1  }
0x8c: {  	s17 =	sshll.u32 s0, $0xA;
	s2 =	sadd.s32 s3, s2  }
0x8d: {  	s2 =	sadd.s32 s2, s17  }
0x8e: {  	[smem:$0x3FBD] =	sst s2  }
0x8f: {  	_ = 	snop  }
0x90: {  	s2 =	sld [smem:$0x3FD0];
	(tm) =	ssettm $0x1  }
0x91: {  	s18 =	sld [smem:$0x3FFB];
	_ =	sdelay $0x3  }
0x92: {  	_ =	strace s18  }
0x93: {  	s3 =	sld [smem:$0x3FFC];
	_ =	sdelay $0x3  }
0x94: {  	_ =	strace s3  }
0x95: {  	s3 =	sld [smem:$0x3FFD];
	_ =	sdelay $0x3  }
0x96: {  	_ =	strace s3  }
0x97: {  	_ =	strace $0x8FFFFFFF  }
0x98: {  	s19 =	sld [smem:$0x3FDB];
	_ =	sdelay $0x1  }
0x99: {  	s4 =	simm.s32 $_scs_section_size  }
0x9a: {  	s5 =	simm.s32 $_size__tile_overlayer_lowered;
	s6 =	simm.s32 $_tile_overlayer_lowered  }
0x9b: {  	s22 =	simm.s32 $0x1BFF;
	s21 =	sshll.u32 s6, $0x1;
	s3 =	sadd.s32 s4, s19  }
0x9c: {  	s7 =	simm.s32 $0x0;
	s20 =	sshll.u32 s5, $0x1;
	s5 =	sadd.s32 s21, s3  }
0x9d: {  	[timem:s7], [sflag:s22] =	dma.local [hbm:s5], s20  }
0x9e: {  	_ =	swait.ge [sflag:s22], s20  }
0x9f: {  	s4 =	ssub.s32 $0x0, s20;
	[sflag:s22] =	ssyncset.done $0x0  }
0xa0: {  	[sflag:s22] =	ssyncadd.s32 s4;
	_ =	sdelay $0x1  }
0xa1: {  	s23 =	simm.s32 $0x1B8B  }
0xa2: {  	_ =	swait.ge [sflag:s23], $0x1  }
0xa3: {  	[sflag:s23] =	ssyncset.done $0x0  }
0xa4: {  	s25 =	simm.s32 $0x1B8E;
	s24 =	sld [smem:$0x3FFE];
	[sflag:s23] =	ssyncadd.s32 $0xFFFFFFFF  }
0xa5: {  	s26 =	simm.s32 $execute0_lowered;
	[smem:$0x3FD2] =	sst s25  }
0xa6: {  	s5 =	sshll.u32 s26, $0x1;
	_ =	strace $0x8000004F;
	[dreg:$0x1] =	wrdreg $0xFFFFFFFF  }
0xa7: {  	s28 =	simm.s32 $_size_execute0_lowered;
	s3 =	sadd.s32 s3, s5;
	[dreg:$0x0] =	wrdreg $0x0  }
0xa8: {  	s5 =	sshll.u32 s28, $0x1;
	[dreg:$0x2] =	wrdreg s3  }
0xa9: {  	[dreg:$0x3] =	wrdreg s5  }
0xaa: {  	[dreg:$0x4] =	wrdreg $0xC0  }
0xab: {  	_ =	task [dreg:s7], $0x5FFFF  }
0xac: {  	[dreg:$0x1] =	wrdreg $0xFFFFFFFF  }
0xad: {  	[dreg:$0x0] =	wrdreg $0x60  }
0xae: {  	[dreg:$0x2] =	wrdreg s2  }
0xaf: {  	[dreg:$0x3] =	wrdreg s24  }
0xb0: {  	[dreg:$0x4] =	wrdreg $0xC7000  }
0xb1: {  	[dreg:$0x5] =	wrdreg $0x9  }
0xb2: {  	_ =	task.clear_ibuf [dreg:s7], $0x6FFFF;
	_ =	strace $0x9000004F  }
0xb3: {  	s29 =	simm.s32 $0x9;
	_ =	strace $0x80000051  }
0xb4: {  	_ =	swait.ge [sflag:s29], $0x1  }
0xb5: {  	[sflag:s29] =	ssyncadd.s32 $0xFFFFFFFF  }
0xb6: {  	_ =	strace $0x90000051  }
0xb7: {  	_ =	sfence  }
0xb8: {  	s30 =	sld [smem:$0x0];
	_ =	sdelay $0x2  }
0xb9: {  	s31 =	sshll.u32 s1, $0xD;
	s1 =	sshrl.u32 s1, $0x2  }
0xba: {  	s3 =	sand.u32 $0x4000, s31;
	s1 =	sadd.s32 s1, s30  }
0xbb: {  	s0 =	sor.u32 s3, s0;
	s1 =	sshll.u32 s1, $0x11  }
0xbc: {  	s0 =	sor.u32 s1, s0  }
0xbd: {  	s0 =	sadd.s32 $0x8F2B, s0  }
0xbe: {  	[sflag:s0] =	ssyncadd.remote.s32 $0x1  }
0xbf: {  	_ =	sfence.sel $0xFFFF  }
0xc0: {  	[dreg:$0x0] =	wrdreg $0xFFFFFFFF;
	(pc) =	sbr.abs _section_cstart, $3  }
0xc1: {  	[dreg:$0x1] =	wrdreg $0xFFFFFFFF  }
0xc2: {  	_ =	task.clear_ibuf [dreg:s7], $0x2FFFF;
	_ =	strace $0x9FFFFFFF  }
0xc3: {  	(tm) =	ssettm $0x7FFFFFFF  }
tec
execute0_lowered:
.L_overlay_start_1:
0x0: {  	(tag) =	ssettag $0x1  }
0x1: {  	s0 =	rddreg [dreg:$0x0]  }
0x2: {  	s1 =	srdreg.scid;
	s2 =	rddreg [dreg:$0x1]  }
0x3: {  	s15 =	stileid.u32;
	s3 =	rddreg [dreg:$0x2];
	s13 =	simm.s32 $0x4F00  }
0x4: {  	s14 =	simm.s32 $0x7;
	s16 =	simm.s32 $0x50;
	s17 =	simm.s32 $0x7700  }
0x5: {  	s19 =	simm.s32 $0x9F00;
	s20 =	simm.s32 $0x1;
	s21 =	simm.s32 $0x4  }
0x6: {  	s23 =	simm.s32 $0x2;
	s24 =	simm.s32 $0x27D0;
	s25 =	simm.s32 $0x5  }
0x7: {  	s28 =	simm.s32 $0x3;
	s29 =	simm.s32 $0x2820;
	s30 =	simm.s32 $0x6  }
0x8: {  	s31 =	simm.s32 $0x4DF0;
	s1 =	sand.u32 $0x1, s1;
	s6 =	smul.u32 $0x4E000, s15  }
0x9: {  	s9 =	smul.u32 $0x13800, s15;
	s12 =	sadd.s32 $0x138400, s3;
	p0 =	sne.s32 s15, $0x0  }
0xa: {  	s4 =	sshll.u32 s1, $0x4;
	s7 =	smul.u32 $0x138800, s1;
	s1 =	ssub.s32 $0x2, s1  }
0xb: {  	s5 =	sor.u32 s15, s4;
	s4 =	simm.s32 $0x0;
	s26 =	sshrl.u32 s1, $0x1  }
0xc: {  	s6 =	sshrl.u32 s6, $0x2;
	s15 =	simm.s32 $0x2780;
	s5 =	smul.u32 $0x4E2, s5  }
0xd: {  	[smem:$0x7FF] =	sst s4;
	s1 =	ssub.s32 s1, s26;
	s9 =	sadd.s32 s9, s7  }
0xe: {  	s10 =	sshrl.u32 s7, $0x3;
	s26 =	simm.s32 $0x140;
	_ =	strace $0x80000050  }
0xf: {  	s9 =	sshrl.u32 s9, $0x3;
	s11 =	smax.u32 s1, $0x1;
	s8 =	sadd.s32 s5, s2  }
0x10: {  	s2 =	sadd.s32 $0x16600, s2;
	s5 =	sadd.s32 s6, s3;
	s6 =	sadd.s32 $0xC800, s8  }
0x11: {  	s7 =	sadd.s32 $0x2A00, s8;
	s8 =	sadd.s32 s2, s9;
	s2 =	sadd.s32 s2, s10  }
0x12: {  	v0 =	vimm.f32 $0.0e+00;
	s1 =	simm.s32 $0x4E40;
	s10 =	sadd.s32 $0x138000, s3;
	s9 =	sadd.s32 $0x27000, s2  }
.LBB2_1:
0x13: {  	[tilespmem:$0x4F00] =	vst v0  }
0x14: {  	[tilespmem:$0x4F10] =	vst v0  }
0x15: {  	[tilespmem:$0x4F20] =	vst v0  }
0x16: {  	[tilespmem:$0x4F30] =	vst v0  }
0x17: {  	[tilespmem:$0x4F40] =	vst v0  }
0x18: {  	[tilespmem:$0x4F50] =	vst v0  }
0x19: {  	[tilespmem:$0x4F60] =	vst v0  }
0x1a: {  	[tilespmem:$0x4F70] =	vst v0  }
0x1b: {  	[tilespmem:$0x4F80] =	vst v0  }
0x1c: {  	[tilespmem:$0x4F90] =	vst v0  }
0x1d: {  	[tilespmem:$0x4FA0] =	vst v0  }
0x1e: {  	[tilespmem:$0x4FB0] =	vst v0  }
0x1f: {  	[tilespmem:$0x4FC0] =	vst v0  }
0x20: {  	[tilespmem:$0x4FD0] =	vst v0  }
0x21: {  	[tilespmem:$0x4FE0] =	vst v0  }
0x22: {  	[tilespmem:$0x4FF0] =	vst v0  }
0x23: {  	[tilespmem:$0x5000] =	vst v0  }
0x24: {  	[tilespmem:$0x5010] =	vst v0  }
0x25: {  	[tilespmem:$0x5020] =	vst v0  }
0x26: {  	[tilespmem:$0x5030] =	vst v0  }
0x27: {  	[tilespmem:$0x5040] =	vst v0  }
0x28: {  	[tilespmem:$0x5050] =	vst v0  }
0x29: {  	[tilespmem:$0x5060] =	vst v0  }
0x2a: {  	[tilespmem:$0x5070] =	vst v0  }
0x2b: {  	[tilespmem:$0x5080] =	vst v0  }
0x2c: {  	[tilespmem:$0x5090] =	vst v0  }
0x2d: {  	[tilespmem:$0x50A0] =	vst v0  }
0x2e: {  	[tilespmem:$0x50B0] =	vst v0  }
0x2f: {  	[tilespmem:$0x50C0] =	vst v0  }
0x30: {  	[tilespmem:$0x50D0] =	vst v0  }
0x31: {  	[tilespmem:$0x50E0] =	vst v0  }
0x32: {  	[tilespmem:$0x50F0] =	vst v0  }
0x33: {  	[tilespmem:$0x5100] =	vst v0  }
0x34: {  	[tilespmem:$0x5110] =	vst v0  }
0x35: {  	[tilespmem:$0x5120] =	vst v0  }
0x36: {  	[tilespmem:$0x5130] =	vst v0  }
0x37: {  	[tilespmem:$0x5140] =	vst v0  }
0x38: {  	[tilespmem:$0x5150] =	vst v0  }
0x39: {  	[tilespmem:$0x5160] =	vst v0  }
0x3a: {  	[tilespmem:$0x5170] =	vst v0  }
0x3b: {  	[tilespmem:$0x5180] =	vst v0  }
0x3c: {  	[tilespmem:$0x5190] =	vst v0  }
0x3d: {  	[tilespmem:$0x51A0] =	vst v0  }
0x3e: {  	[tilespmem:$0x51B0] =	vst v0  }
0x3f: {  	[tilespmem:$0x51C0] =	vst v0  }
0x40: {  	[tilespmem:$0x51D0] =	vst v0  }
0x41: {  	[tilespmem:$0x51E0] =	vst v0  }
0x42: {  	[tilespmem:$0x51F0] =	vst v0  }
0x43: {  	[tilespmem:$0x5200] =	vst v0  }
0x44: {  	[tilespmem:$0x5210] =	vst v0  }
0x45: {  	[tilespmem:$0x5220] =	vst v0  }
0x46: {  	[tilespmem:$0x5230] =	vst v0  }
0x47: {  	[tilespmem:$0x5240] =	vst v0  }
0x48: {  	[tilespmem:$0x5250] =	vst v0  }
0x49: {  	[tilespmem:$0x5260] =	vst v0  }
0x4a: {  	[tilespmem:$0x5270] =	vst v0  }
0x4b: {  	[tilespmem:$0x5280] =	vst v0  }
0x4c: {  	[tilespmem:$0x5290] =	vst v0  }
0x4d: {  	[tilespmem:$0x52A0] =	vst v0  }
0x4e: {  	[tilespmem:$0x52B0] =	vst v0  }
0x4f: {  	[tilespmem:$0x52C0] =	vst v0  }
0x50: {  	[tilespmem:$0x52D0] =	vst v0  }
0x51: {  	[tilespmem:$0x52E0] =	vst v0  }
0x52: {  	[tilespmem:$0x52F0] =	vst v0;
	s2 =	sadd.s32 $0x0, s5  }
0x53: {  	[spmem:s2] =	stream.linear.scatter [tilespmem:s13], [sflag:$0x7], $0x400, $0x38;
	[tilespmem:$0x1FF80] =	vst v63  }
0x54: {  	s18 =	simm.s32 $0x1000;
	_ =	swait.ge [sflag:s14], $0x400  }
.LBB2_2:
0x55: {  	s2 =	sshra.s32 s18, $0x2;
	[sflag:s14] =	ssyncset.done $0x0;
	p1 =	sne.s32 s18, $0x4D000  }
.Ltmp0:
0x56: {  	s2 =	sadd.s32 s2, s5;
	[sflag:s14] =	ssyncadd.s32 $0xFFFFFC00;
	(pc) =	sbr.rel @p1 .LBB2_2-.Ltmp0, $3  }
0x57: {  	[spmem:s2] =	stream.linear.scatter [tilespmem:s13], [sflag:$0x7], $0x400, $0x38;
	[tilespmem:$0x1FF80] =	vst v63  }
0x58: {  	s18 =	sadd.s32 $0x1000, s18;
	_ =	sdelay $0x1  }
0x59: {  	_ =	swait.ge [sflag:s14], $0x400  }
0x5a: {  	[sflag:s14] =	ssyncset.done $0x0  }
0x5b: {  	s2 =	simm.s32 @!p0 $0x4F00;
	s18 =	simm.s32 @!p0 $0x7;
	[sflag:s14] =	ssyncadd.s32 $0xFFFFFC00  }
0x5c: {  	[spmem:s10] =	stream.linear.scatter @!p0 [tilespmem:s2], [sflag:$0x7], $0x400, $0x38;
	[tilespmem:$0x1FF80] =	vst v63  }
0x5d: {  	_ =	swait.ge @!p0 [sflag:s18], $0x400  }
0x5e: {  	[sflag:s18] =	ssyncset.done @!p0 $0x0  }
0x5f: {  	[sflag:s18] =	ssyncadd.s32 @!p0 $0xFFFFFC00  }
0x60: {  	[spmem:s12] =	stream.linear.scatter @!p0 [tilespmem:s2], [sflag:$0x7], $0x400, $0x38;
	[tilespmem:$0x1FF80] =	vst v63  }
0x61: {  	_ =	swait.ge @!p0 [sflag:s18], $0x400  }
0x62: {  	[sflag:s18] =	ssyncset.done @!p0 $0x0  }
0x63: {  	[sflag:s18] =	ssyncadd.s32 @!p0 $0xFFFFFC00;
	s18 =	simm.s32 $0x0  }
0x64: {  	[tilespmem:s18], [sflag:$0x7] =	stream.linear.gather [hbm4b:s6+s18], $0x2710, $0x38;
	[tilespmem:$0x1FF80] =	vst v63  }
0x65: {  	_ =	swait.ge [sflag:s14], $0x2710  }
0x66: {  	[sflag:s14] =	ssyncset.done $0x0  }
0x67: {  	[sflag:s14] =	ssyncadd.s32 $0xFFFFD8F0  }
0x68: {  	[tilespmem:s15], [sflag:$0x7] =	stream.linear.gather [hbm4b:s7+s18], $0x2710, $0x38;
	[tilespmem:$0x1FF80] =	vst v63  }
0x69: {  	_ =	swait.ge [sflag:s14], $0x2710  }
0x6a: {  	[sflag:s14] =	ssyncset.done $0x0  }
0x6b: {  	[sflag:s14] =	ssyncadd.s32 $0xFFFFD8F0  }
0x6c: {  	[bflag:$0x0] =	sbarrier.arrive $0xFFFF  }
0x6d: {  	[tilespmem:s13], [sflag:$0x1] =	stream.indirect.gather [hbm4b:s0+s16], $0x80, s18, s16, $0xb8;
	[tilespmem:$0x1FF80] =	vst v63  }
0x6e: {  	_ = 	snop  }
0x6f: {  	[tilespmem:s17], [sflag:$0x2] =	stream.indirect.gather [hbm4b:s0+s16], $0x80, s16, s16, $0xb8;
	[tilespmem:$0x1FF80] =	vst v63  }
0x70: {  	s22 =	simm.s32 $0xA0  }
0x71: {  	[tilespmem:s19], [sflag:$0x3] =	stream.indirect.gather [hbm4b:s0+s16], $0x80, s22, s16, $0xb8;
	[tilespmem:$0x1FF80] =	vst v63  }
0x72: {  	_ =	swait.ge [sflag:s20], $0x2800  }
0x73: {  	[sflag:s20] =	ssyncset.done $0x0  }
0x74: {  	[sflag:s20] =	ssyncadd.s32 $0xFFFFD800  }
0x75: {  	[spmem:s3] =	stream.indirect.scatter.add.f32 [tilespmem:s13], [sflag:$0x4], $0x80, s15, s16, $0xb8;
	[tilespmem:$0x1FF80] =	vst v63  }
0x76: {  	_ =	swait.ge [sflag:s21], $0x2800  }
0x77: {  	[sflag:s21] =	ssyncset.done $0x0  }
0x78: {  	s18 =	simm.s32 $0xF0;
	[sflag:s21] =	ssyncadd.s32 $0xFFFFD800  }
0x79: {  	[tilespmem:s13], [sflag:$0x1] =	stream.indirect.gather [hbm4b:s0+s16], $0x80, s18, s16, $0xb8;
	[tilespmem:$0x1FF80] =	vst v63  }
0x7a: {  	_ =	swait.ge [sflag:s23], $0x2800  }
0x7b: {  	[sflag:s23] =	ssyncset.done $0x0  }
0x7c: {  	[sflag:s23] =	ssyncadd.s32 $0xFFFFD800  }
0x7d: {  	[spmem:s3] =	stream.indirect.scatter.add.f32 [tilespmem:s17], [sflag:$0x5], $0x80, s24, s16, $0xb8;
	[tilespmem:$0x1FF80] =	vst v63  }
0x7e: {  	_ =	swait.ge [sflag:s25], $0x2800  }
0x7f: {  	[sflag:s25] =	ssyncset.done $0x0  }
0x80: {  	[sflag:s25] =	ssyncadd.s32 $0xFFFFD800  }
0x81: {  	[tilespmem:s17], [sflag:$0x2] =	stream.indirect.gather [hbm4b:s0+s16], $0x80, s26, s16, $0xb8;
	[tilespmem:$0x1FF80] =	vst v63  }
0x82: {  	_ =	swait.ge [sflag:s28], $0x2800  }
0x83: {  	[sflag:s28] =	ssyncset.done $0x0  }
0x84: {  	[sflag:s28] =	ssyncadd.s32 $0xFFFFD800  }
0x85: {  	[spmem:s3] =	stream.indirect.scatter.add.f32 [tilespmem:s19], [sflag:$0x6], $0x80, s29, s16, $0xb8;
	[tilespmem:$0x1FF80] =	vst v63  }
0x86: {  	_ =	swait.ge [sflag:s30], $0x2800  }
0x87: {  	[sflag:s30] =	ssyncset.done $0x0  }
0x88: {  	s22 =	simm.s32 $0x190;
	[sflag:s30] =	ssyncadd.s32 $0xFFFFD800  }
0x89: {  	[tilespmem:s19], [sflag:$0x3] =	stream.indirect.gather [hbm4b:s0+s16], $0x80, s22, s16, $0xb8;
	[tilespmem:$0x1FF80] =	vst v63  }
0x8a: {  	_ =	swait.ge [sflag:s20], $0x2800  }
0x8b: {  	[sflag:s20] =	ssyncset.done $0x0  }
0x8c: {  	s18 =	simm.s32 $0x2870;
	[sflag:s20] =	ssyncadd.s32 $0xFFFFD800  }
0x8d: {  	[spmem:s3] =	stream.indirect.scatter.add.f32 [tilespmem:s13], [sflag:$0x4], $0x80, s18, s16, $0xb8;
	[tilespmem:$0x1FF80] =	vst v63  }
0x8e: {  	_ =	swait.ge [sflag:s21], $0x2800  }
0x8f: {  	[sflag:s21] =	ssyncset.done $0x0  }
0x90: {  	s22 =	simm.s32 $0x1E0;
	[sflag:s21] =	ssyncadd.s32 $0xFFFFD800  }
0x91: {  	[tilespmem:s13], [sflag:$0x1] =	stream.indirect.gather [hbm4b:s0+s16], $0x80, s22, s16, $0xb8;
	[tilespmem:$0x1FF80] =	vst v63  }
0x92: {  	_ =	swait.ge [sflag:s23], $0x2800  }
0x93: {  	[sflag:s23] =	ssyncset.done $0x0  }
0x94: {  	s18 =	simm.s32 $0x28C0;
	[sflag:s23] =	ssyncadd.s32 $0xFFFFD800  }
0x95: {  	[spmem:s3] =	stream.indirect.scatter.add.f32 [tilespmem:s17], [sflag:$0x5], $0x80, s18, s16, $0xb8;
	[tilespmem:$0x1FF80] =	vst v63  }
0x96: {  	_ =	swait.ge [sflag:s25], $0x2800  }
0x97: {  	[sflag:s25] =	ssyncset.done $0x0  }
0x98: {  	s22 =	simm.s32 $0x230;
	[sflag:s25] =	ssyncadd.s32 $0xFFFFD800  }
0x99: {  	[tilespmem:s17], [sflag:$0x2] =	stream.indirect.gather [hbm4b:s0+s16], $0x80, s22, s16, $0xb8;
	[tilespmem:$0x1FF80] =	vst v63  }
0x9a: {  	_ =	swait.ge [sflag:s28], $0x2800  }
0x9b: {  	[sflag:s28] =	ssyncset.done $0x0  }
0x9c: {  	s2 =	simm.s32 $0x2910;
	s18 =	simm.s32 $0x3C0;
	[sflag:s28] =	ssyncadd.s32 $0xFFFFD800  }
.LBB2_4:
0x9d: {  	[spmem:s3] =	stream.indirect.scatter.add.f32 [tilespmem:s19], [sflag:$0x6], $0x80, s2, s16, $0xb8;
	[tilespmem:$0x1FF80] =	vst v63  }
0x9e: {  	s2 =	smov.u32 s18  }
0x9f: {  	p1 =	sne.s32 s18, $0x9240;
	s18 =	sadd.s32 $0x3C0, s18;
	_ =	swait.ge [sflag:s30], $0x2800  }
0xa0: {  	s2 =	sshra.s32 s2, $0x2;
	[sflag:s30] =	ssyncset.done $0x0  }
0xa1: {  	s22 =	sadd.s32 $0x190, s2;
	[sflag:s30] =	ssyncadd.s32 $0xFFFFD800  }
0xa2: {  	[tilespmem:s19], [sflag:$0x3] =	stream.indirect.gather [hbm4b:s0+s16], $0x80, s22, s16, $0xb8;
	[tilespmem:$0x1FF80] =	vst v63  }
0xa3: {  	_ =	swait.ge [sflag:s20], $0x2800  }
0xa4: {  	[sflag:s20] =	ssyncset.done $0x0  }
0xa5: {  	s22 =	sadd.s32 $0x2870, s2;
	[sflag:s20] =	ssyncadd.s32 $0xFFFFD800  }
0xa6: {  	[spmem:s3] =	stream.indirect.scatter.add.f32 [tilespmem:s13], [sflag:$0x4], $0x80, s22, s16, $0xb8;
	[tilespmem:$0x1FF80] =	vst v63  }
0xa7: {  	_ =	swait.ge [sflag:s21], $0x2800  }
0xa8: {  	[sflag:s21] =	ssyncset.done $0x0  }
0xa9: {  	s22 =	sadd.s32 $0x1E0, s2;
	[sflag:s21] =	ssyncadd.s32 $0xFFFFD800  }
0xaa: {  	[tilespmem:s13], [sflag:$0x1] =	stream.indirect.gather [hbm4b:s0+s16], $0x80, s22, s16, $0xb8;
	[tilespmem:$0x1FF80] =	vst v63  }
0xab: {  	_ =	swait.ge [sflag:s23], $0x2800  }
0xac: {  	[sflag:s23] =	ssyncset.done $0x0  }
0xad: {  	s22 =	sadd.s32 $0x28C0, s2;
	[sflag:s23] =	ssyncadd.s32 $0xFFFFD800  }
0xae: {  	[spmem:s3] =	stream.indirect.scatter.add.f32 [tilespmem:s17], [sflag:$0x5], $0x80, s22, s16, $0xb8;
	[tilespmem:$0x1FF80] =	vst v63  }
0xaf: {  	_ =	swait.ge [sflag:s25], $0x2800  }
0xb0: {  	[sflag:s25] =	ssyncset.done $0x0  }
.Ltmp1:
0xb1: {  	s22 =	sadd.s32 $0x230, s2;
	[sflag:s25] =	ssyncadd.s32 $0xFFFFD800;
	(pc) =	sbr.rel @p1 .LBB2_4-.Ltmp1, $4  }
0xb2: {  	[tilespmem:s17], [sflag:$0x2] =	stream.indirect.gather [hbm4b:s0+s16], $0x80, s22, s16, $0xb8;
	[tilespmem:$0x1FF80] =	vst v63  }
0xb3: {  	_ =	swait.ge [sflag:s28], $0x2800  }
0xb4: {  	[sflag:s28] =	ssyncset.done $0x0  }
0xb5: {  	s2 =	sadd.s32 $0x2910, s2;
	[sflag:s28] =	ssyncadd.s32 $0xFFFFD800  }
0xb6: {  	[spmem:s3] =	stream.indirect.scatter.add.f32 [tilespmem:s19], [sflag:$0x6], $0x80, s2, s16, $0xb8;
	[tilespmem:$0x1FF80] =	vst v63  }
0xb7: {  	_ =	swait.ge [sflag:s20], $0x2800  }
0xb8: {  	[sflag:s20] =	ssyncset.done $0x0  }
0xb9: {  	[sflag:s20] =	ssyncadd.s32 $0xFFFFD800  }
0xba: {  	[spmem:s3] =	stream.indirect.scatter.add.f32 [tilespmem:s13], [sflag:$0x4], $0x80, s31, s16, $0xb8;
	[tilespmem:$0x1FF80] =	vst v63  }
0xbb: {  	_ =	swait.ge [sflag:s23], $0x2800  }
0xbc: {  	[sflag:s23] =	ssyncset.done $0x0  }
0xbd: {  	[sflag:s23] =	ssyncadd.s32 $0xFFFFD800  }
0xbe: {  	[spmem:s3] =	stream.indirect.scatter.add.f32 [tilespmem:s17], [sflag:$0x5], $0x80, s1, s16, $0xb8;
	[tilespmem:$0x1FF80] =	vst v63  }
0xbf: {  	_ =	swait.ge [sflag:s30], $0x2800  }
0xc0: {  	[sflag:s30] =	ssyncset.done $0x0  }
0xc1: {  	[sflag:s30] =	ssyncadd.s32 $0xFFFFD800  }
0xc2: {  	_ =	swait.ge [sflag:s21], $0x2800  }
0xc3: {  	[sflag:s21] =	ssyncset.done $0x0  }
0xc4: {  	[sflag:s21] =	ssyncadd.s32 $0xFFFFD800  }
0xc5: {  	_ =	swait.ge [sflag:s25], $0x2800  }
0xc6: {  	s22 =	stileid.u32;
	[sflag:s25] =	ssyncset.done $0x0  }
0xc7: {  	s2 =	sshll.u32 s22, $0x6;
	[sflag:s25] =	ssyncadd.s32 $0xFFFFD800  }
0xc8: {  	s18 =	sshrl.u32 s5, $0x3;
	s2 =	sor.u32 $0x1C07, s2;
	[bflag:$0x0] =	sbarrier.arrive $0xFFFF  }
0xc9: {  	[hbm:s8], [sflag:s2] =	dma.local [spmem:s18], $0x2700  }
0xca: {  	_ =	swait.ge [sflag:s14], $0x2700  }
0xcb: {  	s4 =	sadd.s32 $0x1, s4;
	[sflag:s14] =	ssyncset.done $0x0  }
0xcc: {  	p1 =	sne.s32 s4, s11;
	s18 =	sshrl.u32 @!p0 s10, $0x3;
	[sflag:s14] =	ssyncadd.s32 $0xFFFFD900  }
0xcd: {  	[hbm:s9], [sflag:s2] =	dma.local @!p0 [spmem:s18], $0x100  }
.Ltmp2:
0xce: {  	_ = 	snop;
	(pc) =	sbr.rel @p1 .LBB2_1-.Ltmp2, $4  }
0xcf: {  	s2 =	simm.s32 @!p0 $0x7  }
0xd0: {  	_ =	swait.ge @!p0 [sflag:s2], $0x100  }
0xd1: {  	[sflag:s2] =	ssyncset.done @!p0 $0x0  }
0xd2: {  	[sflag:s2] =	ssyncadd.s32 @!p0 $0xFFFFFF00  }
0xd3: {  	_ =	sfence.sel $0x180000  }
0xd4: {  	[bflag:$0x0] =	sbarrier.arrive $0xFFFF  }
0xd5: {  	_ =	strace $0x90000050  }
0xd6: {  	[bflag:$0x2] =	sbarrier.arrive $0xFFFF  }
0xd7: {  	s0 =	rddreg [dreg:$0x3]  }
0xd8: {  	s0 =	sadd.s32 @!p0 $0x100000, s0  }
0xd9: {  	[sflag:s0] =	ssyncadd.tile.s32 @!p0 $0x1;
	_ =	shalt  }
.Lfunc_end2:
_tile_overlayer_lowered:
.L_overlay_start_2:
0xda: {  	(tag) =	ssettag $0x2  }
0xdb: {  	s0 =	rddreg [dreg:$0x0];
	s2 =	stileid.u32  }
0xdc: {  	s1 =	rddreg [dreg:$0x1];
	p0 =	sne.s32 s2, $0x0  }
0xdd: {  	s3 =	rddreg [dreg:$0x2];
	[bflag:$0x3] =	sbarrier.arrive $0xFFFF;
	s2 =	simm.s32 @!p0 $0x1C07  }
0xde: {  	[timem:s3], [sflag:s2] =	dma.local @!p0 [hbm:s0], s1  }
0xdf: {  	s0 =	simm.s32 @!p0 $0x7  }
0xe0: {  	_ =	swait.ge @!p0 [sflag:s0], s1  }
0xe1: {  	s1 =	ssub.s32 @!p0 $0x0, s1;
	[sflag:s0] =	ssyncset.done @!p0 $0x0  }
0xe2: {  	[sflag:s0] =	ssyncadd.s32 @!p0 s1  }
0xe3: {  	[bflag:$0x3] =	sbarrier.arrive $0xFFFF  }
0xe4: {  	_ =	shalt  }

</sc_bundles>
